<compile_context>
chip_gen: v7x
topology: tpu7x:2x2x1
jax: 0.10.2.dev20260603
libtpu: 0.0.44.dev20260713+nightly
codegen_flags: <defaults>
</compile_context>

<pallas_src>
import functools

import jax
import jax.numpy as jnp
from jax import lax
from jax.experimental import pallas as pl
from jax.experimental.pallas import tpu as pltpu
from jax.experimental.pallas import tpu_sc as plsc

N_NODES = 10000
N_EDGES = 320000
IN_CH = 128
HID = 64
OUT_CH = 128

_INFO = plsc.get_sparse_core_info()
NC = _INFO.num_cores
NS = _INFO.num_subcores
NW = NC * NS
EPW = N_EDGES // NW
K = 200
NCH = EPW // K
NBUF = 5
NRND = (NCH - 1) // NBUF
NPAD = 10240
SPT = NPAD // NS
DEG_C = 8

_SC_PARAMS = pltpu.CompilerParams(use_tc_tiling_on_sc=False)


def _sc_mesh():
    return plsc.VectorSubcoreMesh(core_axis_name="c", subcore_axis_name="s")


def _make_deg_kernel():
    @functools.partial(
        pl.kernel,
        mesh=_sc_mesh(),
        compiler_params=_SC_PARAMS,
        out_type=jax.ShapeDtypeStruct((NC, NPAD, DEG_C), jnp.float32),
        scratch_types=[
            pltpu.VMEM((EPW,), jnp.int32),
            pltpu.VMEM((K, DEG_C), jnp.float32),
            pltpu.VMEM_SHARED((NPAD, DEG_C), jnp.float32),
            pltpu.SemaphoreType.DMA,
        ],
    )
    def deg_kernel(ei_hbm, ones_hbm, zeros_hbm, out_hbm, dst_v, ones_v, acc_sh, sem):
        cid = lax.axis_index("c")
        sid = lax.axis_index("s")
        wid = sid * NC + cid

        pltpu.sync_copy(zeros_hbm, acc_sh.at[pl.ds(sid * SPT, SPT)])
        pltpu.sync_copy(ei_hbm.at[1, pl.ds(wid * EPW, EPW)], dst_v)
        pltpu.sync_copy(ones_hbm, ones_v)
        plsc.subcore_barrier()

        def body(j, carry):
            for t in range(8):
                i = 8 * j + t
                pltpu.async_copy(
                    ones_v, acc_sh.at[dst_v.at[pl.ds(i * K, K)]], sem, add=True
                )
            for t in range(8):
                pltpu.make_async_copy(
                    ones_v, acc_sh.at[dst_v.at[pl.ds(0, K)]], sem
                ).wait()
            return carry

        lax.fori_loop(0, NCH // 8, body, 0)
        for t in range(NCH % 8):
            i = (NCH // 8) * 8 + t
            pltpu.async_copy(
                ones_v, acc_sh.at[dst_v.at[pl.ds(i * K, K)]], sem, add=True
            )
        for t in range(NCH % 8):
            pltpu.make_async_copy(ones_v, acc_sh.at[dst_v.at[pl.ds(0, K)]], sem).wait()

        plsc.subcore_barrier()
        pltpu.sync_copy(
            acc_sh.at[pl.ds(sid * SPT, SPT)],
            out_hbm.at[cid, pl.ds(sid * SPT, SPT)],
        )

    return deg_kernel


def _make_agg_kernel(C):
    @functools.partial(
        pl.kernel,
        mesh=_sc_mesh(),
        compiler_params=_SC_PARAMS,
        out_type=jax.ShapeDtypeStruct((NC, NPAD, C), jnp.float32),
        scratch_types=[
            pltpu.VMEM((EPW,), jnp.int32),
            pltpu.VMEM((EPW,), jnp.int32),
            [pltpu.VMEM((K, C), jnp.float32)] * NBUF,
            [pltpu.SemaphoreType.DMA] * NBUF,
            [pltpu.SemaphoreType.DMA] * NBUF,
            pltpu.VMEM_SHARED((NPAD, C), jnp.float32),
        ],
    )
    def agg_kernel(ei_hbm, g_hbm, zeros_hbm, out_hbm,
                   src_v, dst_v, bufs, gsems, ssems, acc_sh):
        cid = lax.axis_index("c")
        sid = lax.axis_index("s")
        wid = sid * NC + cid

        pltpu.sync_copy(zeros_hbm, acc_sh.at[pl.ds(sid * SPT, SPT)])
        pltpu.sync_copy(ei_hbm.at[0, pl.ds(wid * EPW, EPW)], src_v)
        pltpu.sync_copy(ei_hbm.at[1, pl.ds(wid * EPW, EPW)], dst_v)
        plsc.subcore_barrier()

        def gather(i, b):
            return pltpu.async_copy(
                g_hbm.at[src_v.at[pl.ds(i * K, K)]], bufs[b], gsems[b]
            )

        def scatter(i, b):
            return pltpu.async_copy(
                bufs[b], acc_sh.at[dst_v.at[pl.ds(i * K, K)]], ssems[b], add=True
            )

        def wait_gather(b):
            pltpu.make_async_copy(g_hbm.at[src_v.at[pl.ds(0, K)]], bufs[b],
                                  gsems[b]).wait()

        def wait_scatter(b):
            pltpu.make_async_copy(bufs[b], acc_sh.at[dst_v.at[pl.ds(0, K)]],
                                  ssems[b]).wait()

        for b in range(NBUF):
            gather(b, b)

        def body(j, carry):
            i0 = NBUF * j
            for b in range(NBUF):
                wait_gather(b)
                scatter(i0 + b, b)
            for b in range(NBUF):
                wait_scatter(b)
                nxt = i0 + NBUF + b

                @pl.when(nxt < NCH)
                def _():
                    gather(nxt, b)

            return carry

        lax.fori_loop(0, NRND, body, 0)
        for t in range(NCH - NBUF * NRND):
            wait_gather(t)
            scatter(NBUF * NRND + t, t)
        for t in range(NCH - NBUF * NRND):
            wait_scatter(t)

        plsc.subcore_barrier()
        pltpu.sync_copy(
            acc_sh.at[pl.ds(sid * SPT, SPT)],
            out_hbm.at[cid, pl.ds(sid * SPT, SPT)],
        )

    return agg_kernel


_deg_kernel = _make_deg_kernel()
_agg_kernel = _make_agg_kernel(HID)


_RB = 2000
_GRID = N_NODES // _RB


def _tc1a_body(x_ref, w1_ref, h_ref):
    h_ref[...] = jnp.dot(
        x_ref[...], w1_ref[...], preferred_element_type=jnp.float32
    )


def _tc1b_body(h_ref, d_ref, g1_ref, dis_ref):
    deg = d_ref[0] + d_ref[1] + 1.0
    dis = lax.rsqrt(deg)
    g1_ref[...] = h_ref[...] * dis
    dis_ref[...] = jnp.broadcast_to(dis, (_RB, 8))


def _tc2_body(p_ref, g1_ref, dis_ref, b1_ref, u_ref):
    dis = dis_ref[:, 0:1]
    s = p_ref[0] + p_ref[1] + g1_ref[...]
    u_ref[...] = dis * jnp.maximum(dis * s + b1_ref[...], 0.0)


def _tc3_body(q_ref, u_ref, dis_ref, b2_ref, w2_ref, out_ref):
    dis = dis_ref[:, 0:1]
    s = dis * (q_ref[0] + q_ref[1] + u_ref[...])
    out_ref[...] = (
        jnp.dot(s, w2_ref[...], preferred_element_type=jnp.float32) + b2_ref[...]
    )


def _row_spec(c):
    return pl.BlockSpec((_RB, c), lambda i: (i, 0))


def _part_spec(c):
    return pl.BlockSpec((NC, _RB, c), lambda i: (0, i, 0))


def _full_spec(r, c):
    return pl.BlockSpec((r, c), lambda i: (0, 0))


def kernel(x, edge_index, W1, b1, W2, b2):
    ei = edge_index.astype(jnp.int32)

    ones_deg = jnp.ones((K, DEG_C), jnp.float32)
    zeros_deg = jnp.zeros((SPT, DEG_C), jnp.float32)
    zeros_h = jnp.zeros((SPT, HID), jnp.float32)

    deg_parts = _deg_kernel(ei, ones_deg, zeros_deg)[:, :, 0:1]

    h1 = pl.pallas_call(
        _tc1a_body,
        grid=(_GRID,),
        in_specs=[_row_spec(IN_CH), _full_spec(IN_CH, HID)],
        out_specs=_row_spec(HID),
        out_shape=jax.ShapeDtypeStruct((N_NODES, HID), jnp.float32),
    )(x, W1)

    g1, dis = pl.pallas_call(
        _tc1b_body,
        grid=(_GRID,),
        in_specs=[_row_spec(HID), _part_spec(1)],
        out_specs=[_row_spec(HID), _row_spec(8)],
        out_shape=[
            jax.ShapeDtypeStruct((N_NODES, HID), jnp.float32),
            jax.ShapeDtypeStruct((N_NODES, 8), jnp.float32),
        ],
    )(h1, deg_parts)

    agg1 = _agg_kernel(ei, g1, zeros_h)

    u = pl.pallas_call(
        _tc2_body,
        grid=(_GRID,),
        in_specs=[
            _part_spec(HID),
            _row_spec(HID),
            _row_spec(8),
            _full_spec(1, HID),
        ],
        out_specs=_row_spec(HID),
        out_shape=jax.ShapeDtypeStruct((N_NODES, HID), jnp.float32),
    )(agg1, g1, dis, b1.reshape(1, HID))

    agg2 = _agg_kernel(ei, u, zeros_h)

    out = pl.pallas_call(
        _tc3_body,
        grid=(_GRID,),
        in_specs=[
            _part_spec(HID),
            _row_spec(HID),
            _row_spec(8),
            _full_spec(1, OUT_CH),
            _full_spec(HID, OUT_CH),
        ],
        out_specs=_row_spec(OUT_CH),
        out_shape=jax.ShapeDtypeStruct((N_NODES, OUT_CH), jnp.float32),
    )(agg2, u, dis, b2.reshape(1, OUT_CH), W2)

    return out

# --- scband reference (transcript-rebuilt; emitter-appended) ---
"""Pipeline reference for scband-encoder-6107443495308 (READ-ONLY COPY).

The authoritative reference and input builder live on the scoring server;
editing this copy changes nothing except your own understanding.
"""

import jax, jax.numpy as jnp
import numpy as np

N_NODES = 10000
N_EDGES = 320000
IN_CH = 128
HID = 64
OUT_CH = 128


def gcn_conv(x, edge_index, W, b):
    # Faithful GCNConv: add self-loops, symmetric normalization, linear, scatter-add, bias
    N = x.shape[0]
    loop = jnp.arange(N, dtype=edge_index.dtype)
    src = jnp.concatenate([edge_index[0], loop])
    dst = jnp.concatenate([edge_index[1], loop])
    deg = jnp.zeros((N,), dtype=x.dtype).at[dst].add(1.0)
    deg_inv_sqrt = jnp.where(deg > 0, deg ** -0.5, 0.0)
    norm = deg_inv_sqrt[src] * deg_inv_sqrt[dst]
    h = x @ W
    msg = h[src] * norm[:, None]
    out = jnp.zeros((N, W.shape[1]), dtype=x.dtype).at[dst].add(msg)
    return out + b


def setup_inputs(seed: int = 0) -> dict:
    key = jax.random.key(seed)
    k1, k2, k3, k4, k5, k6 = jax.random.split(key, 6)
    x = jax.random.normal(k1, (N_NODES, IN_CH), dtype=jnp.float32)
    edge_index = jax.random.randint(k2, (2, N_EDGES), 0, N_NODES, dtype=jnp.int64)
    # GCNConv weights (glorot-like init)
    W1 = jax.random.normal(k3, (IN_CH, HID), dtype=jnp.float32) * (1.0 / np.sqrt(IN_CH))
    b1 = jnp.zeros((HID,), dtype=jnp.float32)
    W2 = jax.random.normal(k4, (HID, OUT_CH), dtype=jnp.float32) * (1.0 / np.sqrt(HID))
    b2 = jnp.zeros((OUT_CH,), dtype=jnp.float32)
    return {"x": x, "edge_index": edge_index, "W1": W1, "b1": b1, "W2": W2, "b2": b2}


def reference(x, edge_index, W1, b1, W2, b2):
    h = jax.nn.relu(gcn_conv(x, edge_index, W1, b1))
    return gcn_conv(h, edge_index, W2, b2)

if __name__ == "__main__":
    import jax
    _d = setup_inputs()
    print(jax.jit(kernel)(*tuple(_d.values())))

</pallas_src>

<mosaic_0001>
#map = affine_map<(d0, d1) -> (0, 0)>
#map1 = affine_map<(d0, d1) -> (0, 0, 0)>
module attributes {stable_mosaic.version = 14 : i64} {
  func.func @deg_kernel(%arg0: i32, %arg1: i32, %arg2: memref<2x320000xi32, #tpu.memory_space<hbm>>, %arg3: memref<200x8xf32, #tpu.memory_space<hbm>>, %arg4: memref<640x8xf32, #tpu.memory_space<hbm>>, %arg5: memref<2x10240x8xf32, #tpu.memory_space<hbm>>, %arg6: memref<10000xi32, #tpu.memory_space<vmem>>, %arg7: memref<200x8xf32, #tpu.memory_space<vmem>>, %arg8: memref<10240x8xf32, #tpu.memory_space<vmem_shared>>, %arg9: memref<!tpu.dma_semaphore, #tpu.memory_space<semaphore_mem>>) attributes {dimension_semantics = [#tpu.dimension_semantics<core_parallel>, #tpu.dimension_semantics<subcore_parallel>], iteration_bounds = array<i64: 2, 16>, scalar_prefetch = 0 : i64, scratch_operands = 4 : i64, tpu.core_type = #tpu.core_type<sc_vector_subcore>, window_params = [{transform_indices = #map}, {transform_indices = #map}, {transform_indices = #map}, {transform_indices = #map1}]} {
    %mul3A = arith.constant 2 : i32
    %mul3A_0 = arith.muli %arg1, %mul3A : i32
    %add3A = arith.addi %mul3A_0, %arg0 : i32
    %mul3A_1 = arith.constant 640 : i32
    %mul3A_2 = arith.muli %arg1, %mul3A_1 : i32
    "tpu.region"() ({
      %run_scoped3A_33 = tpu.sem_alloc : memref<!tpu.dma_semaphore, #tpu.memory_space<semaphore_mem>>
      %dma_start3A_34 = arith.constant 0 : i32
      %dma_start3A_35 = tpu.memref_slice %arg8[%mul3A_2, %dma_start3A_34] : memref<10240x8xf32, #tpu.memory_space<vmem_shared>> -> memref<640x8xf32, #tpu.memory_space<vmem_shared>>
      tpu.enqueue_dma source(%arg4 : memref<640x8xf32, #tpu.memory_space<hbm>>) target(%dma_start3A_35 : memref<640x8xf32, #tpu.memory_space<vmem_shared>>) target_semaphore(%run_scoped3A_33 : memref<!tpu.dma_semaphore, #tpu.memory_space<semaphore_mem>>)
      %dma_wait3A_36 = arith.constant 0 : i32
      %dma_wait3A_37 = tpu.memref_slice %arg8[%mul3A_2, %dma_wait3A_36] : memref<10240x8xf32, #tpu.memory_space<vmem_shared>> -> memref<640x8xf32, #tpu.memory_space<vmem_shared>>
      tpu.wait_dma2 semaphore(%run_scoped3A_33 : memref<!tpu.dma_semaphore, #tpu.memory_space<semaphore_mem>>) src(%arg4 : memref<640x8xf32, #tpu.memory_space<hbm>>) dst(%dma_wait3A_37 : memref<640x8xf32, #tpu.memory_space<vmem_shared>>)
      tpu.yield
    }) : () -> ()
    %mul3A_3 = arith.constant 10000 : i32
    %mul3A_4 = arith.muli %add3A, %mul3A_3 : i32
    %run_scoped3A = arith.constant 1 : i32
    "tpu.region"() ({
      %run_scoped3A_33 = tpu.sem_alloc : memref<!tpu.dma_semaphore, #tpu.memory_space<semaphore_mem>>
      %dma_start3A_34 = tpu.memref_slice %arg2[%run_scoped3A, %mul3A_4] : memref<2x320000xi32, #tpu.memory_space<hbm>> -> memref<1x10000xi32, #tpu.memory_space<hbm>>
      %dma_start3A_35 = tpu.memref_squeeze %dma_start3A_34 : memref<1x10000xi32, #tpu.memory_space<hbm>> -> memref<10000xi32, #tpu.memory_space<hbm>>
      %dma_start3A_36 = tpu.memref_slice %arg2[%run_scoped3A, %mul3A_4] : memref<2x320000xi32, #tpu.memory_space<hbm>> -> memref<1x10000xi32, #tpu.memory_space<hbm>>
      %dma_start3A_37 = tpu.memref_squeeze %dma_start3A_36 : memref<1x10000xi32, #tpu.memory_space<hbm>> -> memref<10000xi32, #tpu.memory_space<hbm>>
      tpu.enqueue_dma source(%dma_start3A_37 : memref<10000xi32, #tpu.memory_space<hbm>>) target(%arg6 : memref<10000xi32, #tpu.memory_space<vmem>>) target_semaphore(%run_scoped3A_33 : memref<!tpu.dma_semaphore, #tpu.memory_space<semaphore_mem>>)
      %dma_wait3A_38 = tpu.memref_slice %arg2[%run_scoped3A, %mul3A_4] : memref<2x320000xi32, #tpu.memory_space<hbm>> -> memref<1x10000xi32, #tpu.memory_space<hbm>>
      %dma_wait3A_39 = tpu.memref_squeeze %dma_wait3A_38 : memref<1x10000xi32, #tpu.memory_space<hbm>> -> memref<10000xi32, #tpu.memory_space<hbm>>
      %dma_wait3A_40 = tpu.memref_slice %arg2[%run_scoped3A, %mul3A_4] : memref<2x320000xi32, #tpu.memory_space<hbm>> -> memref<1x10000xi32, #tpu.memory_space<hbm>>
      %dma_wait3A_41 = tpu.memref_squeeze %dma_wait3A_40 : memref<1x10000xi32, #tpu.memory_space<hbm>> -> memref<10000xi32, #tpu.memory_space<hbm>>
      tpu.wait_dma2 semaphore(%run_scoped3A_33 : memref<!tpu.dma_semaphore, #tpu.memory_space<semaphore_mem>>) src(%dma_wait3A_41 : memref<10000xi32, #tpu.memory_space<hbm>>) dst(%arg6 : memref<10000xi32, #tpu.memory_space<vmem>>)
      tpu.yield
    }) : () -> ()
    "tpu.region"() ({
      %run_scoped3A_33 = tpu.sem_alloc : memref<!tpu.dma_semaphore, #tpu.memory_space<semaphore_mem>>
      tpu.enqueue_dma source(%arg3 : memref<200x8xf32, #tpu.memory_space<hbm>>) target(%arg7 : memref<200x8xf32, #tpu.memory_space<vmem>>) target_semaphore(%run_scoped3A_33 : memref<!tpu.dma_semaphore, #tpu.memory_space<semaphore_mem>>)
      tpu.wait_dma2 semaphore(%run_scoped3A_33 : memref<!tpu.dma_semaphore, #tpu.memory_space<semaphore_mem>>) src(%arg3 : memref<200x8xf32, #tpu.memory_space<hbm>>) dst(%arg7 : memref<200x8xf32, #tpu.memory_space<vmem>>)
      tpu.yield
    }) : () -> ()
    %barrier3A = arith.constant 0 : index
    tpu.barrier barrier_id(%barrier3A)
    %scan3A = arith.constant 0 : i32
    %scan3A_5 = arith.constant 0 : i32
    %scan3A_6 = arith.constant 6 : i32
    %scan3A_7 = arith.addi %scan3A_5, %scan3A_6 : i32
    %scan3A_8 = arith.constant 1 : i32
    scf.for %scan3A_33 = %scan3A_5 to %scan3A_7 step %scan3A_8  : i32 {
      %mul3A_34 = arith.constant 8 : i32
      %mul3A_35 = arith.muli %mul3A_34, %scan3A_33 : i32
      %add3A_36 = arith.constant 0 : i32
      %add3A_37 = arith.addi %mul3A_35, %add3A_36 : i32
      %mul3A_38 = arith.constant 200 : i32
      %mul3A_39 = arith.muli %add3A_37, %mul3A_38 : i32
      %dma_start3A_40 = tpu.memref_slice %arg6[%mul3A_39] : memref<10000xi32, #tpu.memory_space<vmem>> -> memref<200xi32, #tpu.memory_space<vmem>>
      %dma_start3A_41 = arith.constant 0 : i32
      %dma_start3A_42 = arith.constant 0 : i32
      %dma_start3A_43 = tpu.memref_slice %arg8[%dma_start3A_41, %dma_start3A_42] : memref<10240x8xf32, #tpu.memory_space<vmem_shared>> -> memref<10240x8xf32, #tpu.memory_space<vmem_shared>>
      tpu.enqueue_indirect_dma source(%arg7 : memref<200x8xf32, #tpu.memory_space<vmem>>) target(%dma_start3A_43 : memref<10240x8xf32, #tpu.memory_space<vmem_shared>>) offsets(%dma_start3A_40 : memref<200xi32, #tpu.memory_space<vmem>>) semaphore(%arg9 : memref<!tpu.dma_semaphore, #tpu.memory_space<semaphore_mem>>) {add = true}
      %mul3A_44 = arith.constant 8 : i32
      %mul3A_45 = arith.muli %mul3A_44, %scan3A_33 : i32
      %add3A_46 = arith.constant 1 : i32
      %add3A_47 = arith.addi %mul3A_45, %add3A_46 : i32
      %mul3A_48 = arith.constant 200 : i32
      %mul3A_49 = arith.muli %add3A_47, %mul3A_48 : i32
      %dma_start3A_50 = tpu.memref_slice %arg6[%mul3A_49] : memref<10000xi32, #tpu.memory_space<vmem>> -> memref<200xi32, #tpu.memory_space<vmem>>
      %dma_start3A_51 = arith.constant 0 : i32
      %dma_start3A_52 = arith.constant 0 : i32
      %dma_start3A_53 = tpu.memref_slice %arg8[%dma_start3A_51, %dma_start3A_52] : memref<10240x8xf32, #tpu.memory_space<vmem_shared>> -> memref<10240x8xf32, #tpu.memory_space<vmem_shared>>
      tpu.enqueue_indirect_dma source(%arg7 : memref<200x8xf32, #tpu.memory_space<vmem>>) target(%dma_start3A_53 : memref<10240x8xf32, #tpu.memory_space<vmem_shared>>) offsets(%dma_start3A_50 : memref<200xi32, #tpu.memory_space<vmem>>) semaphore(%arg9 : memref<!tpu.dma_semaphore, #tpu.memory_space<semaphore_mem>>) {add = true}
      %mul3A_54 = arith.constant 8 : i32
      %mul3A_55 = arith.muli %mul3A_54, %scan3A_33 : i32
      %add3A_56 = arith.constant 2 : i32
      %add3A_57 = arith.addi %mul3A_55, %add3A_56 : i32
      %mul3A_58 = arith.constant 200 : i32
      %mul3A_59 = arith.muli %add3A_57, %mul3A_58 : i32
      %dma_start3A_60 = tpu.memref_slice %arg6[%mul3A_59] : memref<10000xi32, #tpu.memory_space<vmem>> -> memref<200xi32, #tpu.memory_space<vmem>>
      %dma_start3A_61 = arith.constant 0 : i32
      %dma_start3A_62 = arith.constant 0 : i32
      %dma_start3A_63 = tpu.memref_slice %arg8[%dma_start3A_61, %dma_start3A_62] : memref<10240x8xf32, #tpu.memory_space<vmem_shared>> -> memref<10240x8xf32, #tpu.memory_space<vmem_shared>>
      tpu.enqueue_indirect_dma source(%arg7 : memref<200x8xf32, #tpu.memory_space<vmem>>) target(%dma_start3A_63 : memref<10240x8xf32, #tpu.memory_space<vmem_shared>>) offsets(%dma_start3A_60 : memref<200xi32, #tpu.memory_space<vmem>>) semaphore(%arg9 : memref<!tpu.dma_semaphore, #tpu.memory_space<semaphore_mem>>) {add = true}
      %mul3A_64 = arith.constant 8 : i32
      %mul3A_65 = arith.muli %mul3A_64, %scan3A_33 : i32
      %add3A_66 = arith.constant 3 : i32
      %add3A_67 = arith.addi %mul3A_65, %add3A_66 : i32
      %mul3A_68 = arith.constant 200 : i32
      %mul3A_69 = arith.muli %add3A_67, %mul3A_68 : i32
      %dma_start3A_70 = tpu.memref_slice %arg6[%mul3A_69] : memref<10000xi32, #tpu.memory_space<vmem>> -> memref<200xi32, #tpu.memory_space<vmem>>
      %dma_start3A_71 = arith.constant 0 : i32
      %dma_start3A_72 = arith.constant 0 : i32
      %dma_start3A_73 = tpu.memref_slice %arg8[%dma_start3A_71, %dma_start3A_72] : memref<10240x8xf32, #tpu.memory_space<vmem_shared>> -> memref<10240x8xf32, #tpu.memory_space<vmem_shared>>
      tpu.enqueue_indirect_dma source(%arg7 : memref<200x8xf32, #tpu.memory_space<vmem>>) target(%dma_start3A_73 : memref<10240x8xf32, #tpu.memory_space<vmem_shared>>) offsets(%dma_start3A_70 : memref<200xi32, #tpu.memory_space<vmem>>) semaphore(%arg9 : memref<!tpu.dma_semaphore, #tpu.memory_space<semaphore_mem>>) {add = true}
      %mul3A_74 = arith.constant 8 : i32
      %mul3A_75 = arith.muli %mul3A_74, %scan3A_33 : i32
      %add3A_76 = arith.constant 4 : i32
      %add3A_77 = arith.addi %mul3A_75, %add3A_76 : i32
      %mul3A_78 = arith.constant 200 : i32
      %mul3A_79 = arith.muli %add3A_77, %mul3A_78 : i32
      %dma_start3A_80 = tpu.memref_slice %arg6[%mul3A_79] : memref<10000xi32, #tpu.memory_space<vmem>> -> memref<200xi32, #tpu.memory_space<vmem>>
      %dma_start3A_81 = arith.constant 0 : i32
      %dma_start3A_82 = arith.constant 0 : i32
      %dma_start3A_83 = tpu.memref_slice %arg8[%dma_start3A_81, %dma_start3A_82] : memref<10240x8xf32, #tpu.memory_space<vmem_shared>> -> memref<10240x8xf32, #tpu.memory_space<vmem_shared>>
      tpu.enqueue_indirect_dma source(%arg7 : memref<200x8xf32, #tpu.memory_space<vmem>>) target(%dma_start3A_83 : memref<10240x8xf32, #tpu.memory_space<vmem_shared>>) offsets(%dma_start3A_80 : memref<200xi32, #tpu.memory_space<vmem>>) semaphore(%arg9 : memref<!tpu.dma_semaphore, #tpu.memory_space<semaphore_mem>>) {add = true}
      %mul3A_84 = arith.constant 8 : i32
      %mul3A_85 = arith.muli %mul3A_84, %scan3A_33 : i32
      %add3A_86 = arith.constant 5 : i32
      %add3A_87 = arith.addi %mul3A_85, %add3A_86 : i32
      %mul3A_88 = arith.constant 200 : i32
      %mul3A_89 = arith.muli %add3A_87, %mul3A_88 : i32
      %dma_start3A_90 = tpu.memref_slice %arg6[%mul3A_89] : memref<10000xi32, #tpu.memory_space<vmem>> -> memref<200xi32, #tpu.memory_space<vmem>>
      %dma_start3A_91 = arith.constant 0 : i32
      %dma_start3A_92 = arith.constant 0 : i32
      %dma_start3A_93 = tpu.memref_slice %arg8[%dma_start3A_91, %dma_start3A_92] : memref<10240x8xf32, #tpu.memory_space<vmem_shared>> -> memref<10240x8xf32, #tpu.memory_space<vmem_shared>>
      tpu.enqueue_indirect_dma source(%arg7 : memref<200x8xf32, #tpu.memory_space<vmem>>) target(%dma_start3A_93 : memref<10240x8xf32, #tpu.memory_space<vmem_shared>>) offsets(%dma_start3A_90 : memref<200xi32, #tpu.memory_space<vmem>>) semaphore(%arg9 : memref<!tpu.dma_semaphore, #tpu.memory_space<semaphore_mem>>) {add = true}
      %mul3A_94 = arith.constant 8 : i32
      %mul3A_95 = arith.muli %mul3A_94, %scan3A_33 : i32
      %add3A_96 = arith.constant 6 : i32
      %add3A_97 = arith.addi %mul3A_95, %add3A_96 : i32
      %mul3A_98 = arith.constant 200 : i32
      %mul3A_99 = arith.muli %add3A_97, %mul3A_98 : i32
      %dma_start3A_100 = tpu.memref_slice %arg6[%mul3A_99] : memref<10000xi32, #tpu.memory_space<vmem>> -> memref<200xi32, #tpu.memory_space<vmem>>
      %dma_start3A_101 = arith.constant 0 : i32
      %dma_start3A_102 = arith.constant 0 : i32
      %dma_start3A_103 = tpu.memref_slice %arg8[%dma_start3A_101, %dma_start3A_102] : memref<10240x8xf32, #tpu.memory_space<vmem_shared>> -> memref<10240x8xf32, #tpu.memory_space<vmem_shared>>
      tpu.enqueue_indirect_dma source(%arg7 : memref<200x8xf32, #tpu.memory_space<vmem>>) target(%dma_start3A_103 : memref<10240x8xf32, #tpu.memory_space<vmem_shared>>) offsets(%dma_start3A_100 : memref<200xi32, #tpu.memory_space<vmem>>) semaphore(%arg9 : memref<!tpu.dma_semaphore, #tpu.memory_space<semaphore_mem>>) {add = true}
      %mul3A_104 = arith.constant 8 : i32
      %mul3A_105 = arith.muli %mul3A_104, %scan3A_33 : i32
      %add3A_106 = arith.constant 7 : i32
      %add3A_107 = arith.addi %mul3A_105, %add3A_106 : i32
      %mul3A_108 = arith.constant 200 : i32
      %mul3A_109 = arith.muli %add3A_107, %mul3A_108 : i32
      %dma_start3A_110 = tpu.memref_slice %arg6[%mul3A_109] : memref<10000xi32, #tpu.memory_space<vmem>> -> memref<200xi32, #tpu.memory_space<vmem>>
      %dma_start3A_111 = arith.constant 0 : i32
      %dma_start3A_112 = arith.constant 0 : i32
      %dma_start3A_113 = tpu.memref_slice %arg8[%dma_start3A_111, %dma_start3A_112] : memref<10240x8xf32, #tpu.memory_space<vmem_shared>> -> memref<10240x8xf32, #tpu.memory_space<vmem_shared>>
      tpu.enqueue_indirect_dma source(%arg7 : memref<200x8xf32, #tpu.memory_space<vmem>>) target(%dma_start3A_113 : memref<10240x8xf32, #tpu.memory_space<vmem_shared>>) offsets(%dma_start3A_110 : memref<200xi32, #tpu.memory_space<vmem>>) semaphore(%arg9 : memref<!tpu.dma_semaphore, #tpu.memory_space<semaphore_mem>>) {add = true}
      %dma_wait3A_114 = arith.constant 0 : i32
      %dma_wait3A_115 = tpu.memref_slice %arg6[%dma_wait3A_114] : memref<10000xi32, #tpu.memory_space<vmem>> -> memref<200xi32, #tpu.memory_space<vmem>>
      %dma_wait3A_116 = arith.constant 0 : i32
      %dma_wait3A_117 = arith.constant 0 : i32
      %dma_wait3A_118 = tpu.memref_slice %arg8[%dma_wait3A_116, %dma_wait3A_117] : memref<10240x8xf32, #tpu.memory_space<vmem_shared>> -> memref<10240x8xf32, #tpu.memory_space<vmem_shared>>
      tpu.wait_indirect_dma semaphore(%arg9 : memref<!tpu.dma_semaphore, #tpu.memory_space<semaphore_mem>>) src(%arg7 : memref<200x8xf32, #tpu.memory_space<vmem>>) dst(%dma_wait3A_118 : memref<10240x8xf32, #tpu.memory_space<vmem_shared>>)
      %dma_wait3A_119 = arith.constant 0 : i32
      %dma_wait3A_120 = tpu.memref_slice %arg6[%dma_wait3A_119] : memref<10000xi32, #tpu.memory_space<vmem>> -> memref<200xi32, #tpu.memory_space<vmem>>
      %dma_wait3A_121 = arith.constant 0 : i32
      %dma_wait3A_122 = arith.constant 0 : i32
      %dma_wait3A_123 = tpu.memref_slice %arg8[%dma_wait3A_121, %dma_wait3A_122] : memref<10240x8xf32, #tpu.memory_space<vmem_shared>> -> memref<10240x8xf32, #tpu.memory_space<vmem_shared>>
      tpu.wait_indirect_dma semaphore(%arg9 : memref<!tpu.dma_semaphore, #tpu.memory_space<semaphore_mem>>) src(%arg7 : memref<200x8xf32, #tpu.memory_space<vmem>>) dst(%dma_wait3A_123 : memref<10240x8xf32, #tpu.memory_space<vmem_shared>>)
      %dma_wait3A_124 = arith.constant 0 : i32
      %dma_wait3A_125 = tpu.memref_slice %arg6[%dma_wait3A_124] : memref<10000xi32, #tpu.memory_space<vmem>> -> memref<200xi32, #tpu.memory_space<vmem>>
      %dma_wait3A_126 = arith.constant 0 : i32
      %dma_wait3A_127 = arith.constant 0 : i32
      %dma_wait3A_128 = tpu.memref_slice %arg8[%dma_wait3A_126, %dma_wait3A_127] : memref<10240x8xf32, #tpu.memory_space<vmem_shared>> -> memref<10240x8xf32, #tpu.memory_space<vmem_shared>>
      tpu.wait_indirect_dma semaphore(%arg9 : memref<!tpu.dma_semaphore, #tpu.memory_space<semaphore_mem>>) src(%arg7 : memref<200x8xf32, #tpu.memory_space<vmem>>) dst(%dma_wait3A_128 : memref<10240x8xf32, #tpu.memory_space<vmem_shared>>)
      %dma_wait3A_129 = arith.constant 0 : i32
      %dma_wait3A_130 = tpu.memref_slice %arg6[%dma_wait3A_129] : memref<10000xi32, #tpu.memory_space<vmem>> -> memref<200xi32, #tpu.memory_space<vmem>>
      %dma_wait3A_131 = arith.constant 0 : i32
      %dma_wait3A_132 = arith.constant 0 : i32
      %dma_wait3A_133 = tpu.memref_slice %arg8[%dma_wait3A_131, %dma_wait3A_132] : memref<10240x8xf32, #tpu.memory_space<vmem_shared>> -> memref<10240x8xf32, #tpu.memory_space<vmem_shared>>
      tpu.wait_indirect_dma semaphore(%arg9 : memref<!tpu.dma_semaphore, #tpu.memory_space<semaphore_mem>>) src(%arg7 : memref<200x8xf32, #tpu.memory_space<vmem>>) dst(%dma_wait3A_133 : memref<10240x8xf32, #tpu.memory_space<vmem_shared>>)
      %dma_wait3A_134 = arith.constant 0 : i32
      %dma_wait3A_135 = tpu.memref_slice %arg6[%dma_wait3A_134] : memref<10000xi32, #tpu.memory_space<vmem>> -> memref<200xi32, #tpu.memory_space<vmem>>
      %dma_wait3A_136 = arith.constant 0 : i32
      %dma_wait3A_137 = arith.constant 0 : i32
      %dma_wait3A_138 = tpu.memref_slice %arg8[%dma_wait3A_136, %dma_wait3A_137] : memref<10240x8xf32, #tpu.memory_space<vmem_shared>> -> memref<10240x8xf32, #tpu.memory_space<vmem_shared>>
      tpu.wait_indirect_dma semaphore(%arg9 : memref<!tpu.dma_semaphore, #tpu.memory_space<semaphore_mem>>) src(%arg7 : memref<200x8xf32, #tpu.memory_space<vmem>>) dst(%dma_wait3A_138 : memref<10240x8xf32, #tpu.memory_space<vmem_shared>>)
      %dma_wait3A_139 = arith.constant 0 : i32
      %dma_wait3A_140 = tpu.memref_slice %arg6[%dma_wait3A_139] : memref<10000xi32, #tpu.memory_space<vmem>> -> memref<200xi32, #tpu.memory_space<vmem>>
      %dma_wait3A_141 = arith.constant 0 : i32
      %dma_wait3A_142 = arith.constant 0 : i32
      %dma_wait3A_143 = tpu.memref_slice %arg8[%dma_wait3A_141, %dma_wait3A_142] : memref<10240x8xf32, #tpu.memory_space<vmem_shared>> -> memref<10240x8xf32, #tpu.memory_space<vmem_shared>>
      tpu.wait_indirect_dma semaphore(%arg9 : memref<!tpu.dma_semaphore, #tpu.memory_space<semaphore_mem>>) src(%arg7 : memref<200x8xf32, #tpu.memory_space<vmem>>) dst(%dma_wait3A_143 : memref<10240x8xf32, #tpu.memory_space<vmem_shared>>)
      %dma_wait3A_144 = arith.constant 0 : i32
      %dma_wait3A_145 = tpu.memref_slice %arg6[%dma_wait3A_144] : memref<10000xi32, #tpu.memory_space<vmem>> -> memref<200xi32, #tpu.memory_space<vmem>>
      %dma_wait3A_146 = arith.constant 0 : i32
      %dma_wait3A_147 = arith.constant 0 : i32
      %dma_wait3A_148 = tpu.memref_slice %arg8[%dma_wait3A_146, %dma_wait3A_147] : memref<10240x8xf32, #tpu.memory_space<vmem_shared>> -> memref<10240x8xf32, #tpu.memory_space<vmem_shared>>
      tpu.wait_indirect_dma semaphore(%arg9 : memref<!tpu.dma_semaphore, #tpu.memory_space<semaphore_mem>>) src(%arg7 : memref<200x8xf32, #tpu.memory_space<vmem>>) dst(%dma_wait3A_148 : memref<10240x8xf32, #tpu.memory_space<vmem_shared>>)
      %dma_wait3A_149 = arith.constant 0 : i32
      %dma_wait3A_150 = tpu.memref_slice %arg6[%dma_wait3A_149] : memref<10000xi32, #tpu.memory_space<vmem>> -> memref<200xi32, #tpu.memory_space<vmem>>
      %dma_wait3A_151 = arith.constant 0 : i32
      %dma_wait3A_152 = arith.constant 0 : i32
      %dma_wait3A_153 = tpu.memref_slice %arg8[%dma_wait3A_151, %dma_wait3A_152] : memref<10240x8xf32, #tpu.memory_space<vmem_shared>> -> memref<10240x8xf32, #tpu.memory_space<vmem_shared>>
      tpu.wait_indirect_dma semaphore(%arg9 : memref<!tpu.dma_semaphore, #tpu.memory_space<semaphore_mem>>) src(%arg7 : memref<200x8xf32, #tpu.memory_space<vmem>>) dst(%dma_wait3A_153 : memref<10240x8xf32, #tpu.memory_space<vmem_shared>>)
    }
    %scan3A_9 = arith.constant 6 : i32
    %dma_start3A = arith.constant 9600 : i32
    %dma_start3A_10 = tpu.memref_slice %arg6[%dma_start3A] : memref<10000xi32, #tpu.memory_space<vmem>> -> memref<200xi32, #tpu.memory_space<vmem>>
    %dma_start3A_11 = arith.constant 0 : i32
    %dma_start3A_12 = arith.constant 0 : i32
    %dma_start3A_13 = tpu.memref_slice %arg8[%dma_start3A_11, %dma_start3A_12] : memref<10240x8xf32, #tpu.memory_space<vmem_shared>> -> memref<10240x8xf32, #tpu.memory_space<vmem_shared>>
    tpu.enqueue_indirect_dma source(%arg7 : memref<200x8xf32, #tpu.memory_space<vmem>>) target(%dma_start3A_13 : memref<10240x8xf32, #tpu.memory_space<vmem_shared>>) offsets(%dma_start3A_10 : memref<200xi32, #tpu.memory_space<vmem>>) semaphore(%arg9 : memref<!tpu.dma_semaphore, #tpu.memory_space<semaphore_mem>>) {add = true}
    %dma_start3A_14 = arith.constant 9800 : i32
    %dma_start3A_15 = tpu.memref_slice %arg6[%dma_start3A_14] : memref<10000xi32, #tpu.memory_space<vmem>> -> memref<200xi32, #tpu.memory_space<vmem>>
    %dma_start3A_16 = arith.constant 0 : i32
    %dma_start3A_17 = arith.constant 0 : i32
    %dma_start3A_18 = tpu.memref_slice %arg8[%dma_start3A_16, %dma_start3A_17] : memref<10240x8xf32, #tpu.memory_space<vmem_shared>> -> memref<10240x8xf32, #tpu.memory_space<vmem_shared>>
    tpu.enqueue_indirect_dma source(%arg7 : memref<200x8xf32, #tpu.memory_space<vmem>>) target(%dma_start3A_18 : memref<10240x8xf32, #tpu.memory_space<vmem_shared>>) offsets(%dma_start3A_15 : memref<200xi32, #tpu.memory_space<vmem>>) semaphore(%arg9 : memref<!tpu.dma_semaphore, #tpu.memory_space<semaphore_mem>>) {add = true}
    %dma_wait3A = arith.constant 0 : i32
    %dma_wait3A_19 = tpu.memref_slice %arg6[%dma_wait3A] : memref<10000xi32, #tpu.memory_space<vmem>> -> memref<200xi32, #tpu.memory_space<vmem>>
    %dma_wait3A_20 = arith.constant 0 : i32
    %dma_wait3A_21 = arith.constant 0 : i32
    %dma_wait3A_22 = tpu.memref_slice %arg8[%dma_wait3A_20, %dma_wait3A_21] : memref<10240x8xf32, #tpu.memory_space<vmem_shared>> -> memref<10240x8xf32, #tpu.memory_space<vmem_shared>>
    tpu.wait_indirect_dma semaphore(%arg9 : memref<!tpu.dma_semaphore, #tpu.memory_space<semaphore_mem>>) src(%arg7 : memref<200x8xf32, #tpu.memory_space<vmem>>) dst(%dma_wait3A_22 : memref<10240x8xf32, #tpu.memory_space<vmem_shared>>)
    %dma_wait3A_23 = arith.constant 0 : i32
    %dma_wait3A_24 = tpu.memref_slice %arg6[%dma_wait3A_23] : memref<10000xi32, #tpu.memory_space<vmem>> -> memref<200xi32, #tpu.memory_space<vmem>>
    %dma_wait3A_25 = arith.constant 0 : i32
    %dma_wait3A_26 = arith.constant 0 : i32
    %dma_wait3A_27 = tpu.memref_slice %arg8[%dma_wait3A_25, %dma_wait3A_26] : memref<10240x8xf32, #tpu.memory_space<vmem_shared>> -> memref<10240x8xf32, #tpu.memory_space<vmem_shared>>
    tpu.wait_indirect_dma semaphore(%arg9 : memref<!tpu.dma_semaphore, #tpu.memory_space<semaphore_mem>>) src(%arg7 : memref<200x8xf32, #tpu.memory_space<vmem>>) dst(%dma_wait3A_27 : memref<10240x8xf32, #tpu.memory_space<vmem_shared>>)
    %barrier3A_28 = arith.constant 0 : index
    tpu.barrier barrier_id(%barrier3A_28)
    %mul3A_29 = arith.constant 640 : i32
    %mul3A_30 = arith.muli %arg1, %mul3A_29 : i32
    %mul3A_31 = arith.constant 640 : i32
    %mul3A_32 = arith.muli %arg1, %mul3A_31 : i32
    "tpu.region"() ({
      %run_scoped3A_33 = tpu.sem_alloc : memref<!tpu.dma_semaphore, #tpu.memory_space<semaphore_mem>>
      %dma_start3A_34 = arith.constant 0 : i32
      %dma_start3A_35 = tpu.memref_slice %arg5[%arg0, %mul3A_32, %dma_start3A_34] : memref<2x10240x8xf32, #tpu.memory_space<hbm>> -> memref<1x640x8xf32, #tpu.memory_space<hbm>>
      %dma_start3A_36 = tpu.memref_squeeze %dma_start3A_35 : memref<1x640x8xf32, #tpu.memory_space<hbm>> -> memref<640x8xf32, #tpu.memory_space<hbm>>
      %dma_start3A_37 = arith.constant 0 : i32
      %dma_start3A_38 = tpu.memref_slice %arg8[%mul3A_30, %dma_start3A_37] : memref<10240x8xf32, #tpu.memory_space<vmem_shared>> -> memref<640x8xf32, #tpu.memory_space<vmem_shared>>
      tpu.enqueue_dma source(%dma_start3A_38 : memref<640x8xf32, #tpu.memory_space<vmem_shared>>) target(%dma_start3A_36 : memref<640x8xf32, #tpu.memory_space<hbm>>) target_semaphore(%run_scoped3A_33 : memref<!tpu.dma_semaphore, #tpu.memory_space<semaphore_mem>>)
      %dma_wait3A_39 = arith.constant 0 : i32
      %dma_wait3A_40 = tpu.memref_slice %arg5[%arg0, %mul3A_32, %dma_wait3A_39] : memref<2x10240x8xf32, #tpu.memory_space<hbm>> -> memref<1x640x8xf32, #tpu.memory_space<hbm>>
      %dma_wait3A_41 = tpu.memref_squeeze %dma_wait3A_40 : memref<1x640x8xf32, #tpu.memory_space<hbm>> -> memref<640x8xf32, #tpu.memory_space<hbm>>
      %dma_wait3A_42 = arith.constant 0 : i32
      %dma_wait3A_43 = tpu.memref_slice %arg8[%mul3A_30, %dma_wait3A_42] : memref<10240x8xf32, #tpu.memory_space<vmem_shared>> -> memref<640x8xf32, #tpu.memory_space<vmem_shared>>
      tpu.wait_dma2 semaphore(%run_scoped3A_33 : memref<!tpu.dma_semaphore, #tpu.memory_space<semaphore_mem>>) src(%dma_wait3A_43 : memref<640x8xf32, #tpu.memory_space<vmem_shared>>) dst(%dma_wait3A_41 : memref<640x8xf32, #tpu.memory_space<hbm>>)
      tpu.yield
    }) : () -> ()
    return
  }
}

#map = affine_map<(d0, d1) -> (0, 0)>
#map1 = affine_map<(d0, d1) -> (0, 0, 0)>
module attributes {stable_mosaic.version = 14 : i64} {
  func.func @agg_kernel(%arg0: i32, %arg1: i32, %arg2: memref<2x320000xi32, #tpu.memory_space<hbm>>, %arg3: memref<10000x64xf32, #tpu.memory_space<hbm>>, %arg4: memref<640x64xf32, #tpu.memory_space<hbm>>, %arg5: memref<2x10240x64xf32, #tpu.memory_space<hbm>>, %arg6: memref<10000xi32, #tpu.memory_space<vmem>>, %arg7: memref<10000xi32, #tpu.memory_space<vmem>>, %arg8: memref<200x64xf32, #tpu.memory_space<vmem>>, %arg9: memref<200x64xf32, #tpu.memory_space<vmem>>, %arg10: memref<200x64xf32, #tpu.memory_space<vmem>>, %arg11: memref<200x64xf32, #tpu.memory_space<vmem>>, %arg12: memref<200x64xf32, #tpu.memory_space<vmem>>, %arg13: memref<!tpu.dma_semaphore, #tpu.memory_space<semaphore_mem>>, %arg14: memref<!tpu.dma_semaphore, #tpu.memory_space<semaphore_mem>>, %arg15: memref<!tpu.dma_semaphore, #tpu.memory_space<semaphore_mem>>, %arg16: memref<!tpu.dma_semaphore, #tpu.memory_space<semaphore_mem>>, %arg17: memref<!tpu.dma_semaphore, #tpu.memory_space<semaphore_mem>>, %arg18: memref<!tpu.dma_semaphore, #tpu.memory_space<semaphore_mem>>, %arg19: memref<!tpu.dma_semaphore, #tpu.memory_space<semaphore_mem>>, %arg20: memref<!tpu.dma_semaphore, #tpu.memory_space<semaphore_mem>>, %arg21: memref<!tpu.dma_semaphore, #tpu.memory_space<semaphore_mem>>, %arg22: memref<!tpu.dma_semaphore, #tpu.memory_space<semaphore_mem>>, %arg23: memref<10240x64xf32, #tpu.memory_space<vmem_shared>>) attributes {dimension_semantics = [#tpu.dimension_semantics<core_parallel>, #tpu.dimension_semantics<subcore_parallel>], iteration_bounds = array<i64: 2, 16>, scalar_prefetch = 0 : i64, scratch_operands = 18 : i64, tpu.core_type = #tpu.core_type<sc_vector_subcore>, window_params = [{transform_indices = #map}, {transform_indices = #map}, {transform_indices = #map}, {transform_indices = #map1}]} {
    %mul3A = arith.constant 2 : i32
    %mul3A_0 = arith.muli %arg1, %mul3A : i32
    %add3A = arith.addi %mul3A_0, %arg0 : i32
    %mul3A_1 = arith.constant 640 : i32
    %mul3A_2 = arith.muli %arg1, %mul3A_1 : i32
    "tpu.region"() ({
      %run_scoped3A_116 = tpu.sem_alloc : memref<!tpu.dma_semaphore, #tpu.memory_space<semaphore_mem>>
      %dma_start3A_117 = arith.constant 0 : i32
      %dma_start3A_118 = tpu.memref_slice %arg23[%mul3A_2, %dma_start3A_117] : memref<10240x64xf32, #tpu.memory_space<vmem_shared>> -> memref<640x64xf32, #tpu.memory_space<vmem_shared>>
      tpu.enqueue_dma source(%arg4 : memref<640x64xf32, #tpu.memory_space<hbm>>) target(%dma_start3A_118 : memref<640x64xf32, #tpu.memory_space<vmem_shared>>) target_semaphore(%run_scoped3A_116 : memref<!tpu.dma_semaphore, #tpu.memory_space<semaphore_mem>>)
      %dma_wait3A_119 = arith.constant 0 : i32
      %dma_wait3A_120 = tpu.memref_slice %arg23[%mul3A_2, %dma_wait3A_119] : memref<10240x64xf32, #tpu.memory_space<vmem_shared>> -> memref<640x64xf32, #tpu.memory_space<vmem_shared>>
      tpu.wait_dma2 semaphore(%run_scoped3A_116 : memref<!tpu.dma_semaphore, #tpu.memory_space<semaphore_mem>>) src(%arg4 : memref<640x64xf32, #tpu.memory_space<hbm>>) dst(%dma_wait3A_120 : memref<640x64xf32, #tpu.memory_space<vmem_shared>>)
      tpu.yield
    }) : () -> ()
    %mul3A_3 = arith.constant 10000 : i32
    %mul3A_4 = arith.muli %add3A, %mul3A_3 : i32
    %run_scoped3A = arith.constant 0 : i32
    "tpu.region"() ({
      %run_scoped3A_116 = tpu.sem_alloc : memref<!tpu.dma_semaphore, #tpu.memory_space<semaphore_mem>>
      %dma_start3A_117 = tpu.memref_slice %arg2[%run_scoped3A, %mul3A_4] : memref<2x320000xi32, #tpu.memory_space<hbm>> -> memref<1x10000xi32, #tpu.memory_space<hbm>>
      %dma_start3A_118 = tpu.memref_squeeze %dma_start3A_117 : memref<1x10000xi32, #tpu.memory_space<hbm>> -> memref<10000xi32, #tpu.memory_space<hbm>>
      %dma_start3A_119 = tpu.memref_slice %arg2[%run_scoped3A, %mul3A_4] : memref<2x320000xi32, #tpu.memory_space<hbm>> -> memref<1x10000xi32, #tpu.memory_space<hbm>>
      %dma_start3A_120 = tpu.memref_squeeze %dma_start3A_119 : memref<1x10000xi32, #tpu.memory_space<hbm>> -> memref<10000xi32, #tpu.memory_space<hbm>>
      tpu.enqueue_dma source(%dma_start3A_120 : memref<10000xi32, #tpu.memory_space<hbm>>) target(%arg6 : memref<10000xi32, #tpu.memory_space<vmem>>) target_semaphore(%run_scoped3A_116 : memref<!tpu.dma_semaphore, #tpu.memory_space<semaphore_mem>>)
      %dma_wait3A_121 = tpu.memref_slice %arg2[%run_scoped3A, %mul3A_4] : memref<2x320000xi32, #tpu.memory_space<hbm>> -> memref<1x10000xi32, #tpu.memory_space<hbm>>
      %dma_wait3A_122 = tpu.memref_squeeze %dma_wait3A_121 : memref<1x10000xi32, #tpu.memory_space<hbm>> -> memref<10000xi32, #tpu.memory_space<hbm>>
      %dma_wait3A_123 = tpu.memref_slice %arg2[%run_scoped3A, %mul3A_4] : memref<2x320000xi32, #tpu.memory_space<hbm>> -> memref<1x10000xi32, #tpu.memory_space<hbm>>
      %dma_wait3A_124 = tpu.memref_squeeze %dma_wait3A_123 : memref<1x10000xi32, #tpu.memory_space<hbm>> -> memref<10000xi32, #tpu.memory_space<hbm>>
      tpu.wait_dma2 semaphore(%run_scoped3A_116 : memref<!tpu.dma_semaphore, #tpu.memory_space<semaphore_mem>>) src(%dma_wait3A_124 : memref<10000xi32, #tpu.memory_space<hbm>>) dst(%arg6 : memref<10000xi32, #tpu.memory_space<vmem>>)
      tpu.yield
    }) : () -> ()
    %mul3A_5 = arith.constant 10000 : i32
    %mul3A_6 = arith.muli %add3A, %mul3A_5 : i32
    %run_scoped3A_7 = arith.constant 1 : i32
    "tpu.region"() ({
      %run_scoped3A_116 = tpu.sem_alloc : memref<!tpu.dma_semaphore, #tpu.memory_space<semaphore_mem>>
      %dma_start3A_117 = tpu.memref_slice %arg2[%run_scoped3A_7, %mul3A_6] : memref<2x320000xi32, #tpu.memory_space<hbm>> -> memref<1x10000xi32, #tpu.memory_space<hbm>>
      %dma_start3A_118 = tpu.memref_squeeze %dma_start3A_117 : memref<1x10000xi32, #tpu.memory_space<hbm>> -> memref<10000xi32, #tpu.memory_space<hbm>>
      %dma_start3A_119 = tpu.memref_slice %arg2[%run_scoped3A_7, %mul3A_6] : memref<2x320000xi32, #tpu.memory_space<hbm>> -> memref<1x10000xi32, #tpu.memory_space<hbm>>
      %dma_start3A_120 = tpu.memref_squeeze %dma_start3A_119 : memref<1x10000xi32, #tpu.memory_space<hbm>> -> memref<10000xi32, #tpu.memory_space<hbm>>
      tpu.enqueue_dma source(%dma_start3A_120 : memref<10000xi32, #tpu.memory_space<hbm>>) target(%arg7 : memref<10000xi32, #tpu.memory_space<vmem>>) target_semaphore(%run_scoped3A_116 : memref<!tpu.dma_semaphore, #tpu.memory_space<semaphore_mem>>)
      %dma_wait3A_121 = tpu.memref_slice %arg2[%run_scoped3A_7, %mul3A_6] : memref<2x320000xi32, #tpu.memory_space<hbm>> -> memref<1x10000xi32, #tpu.memory_space<hbm>>
      %dma_wait3A_122 = tpu.memref_squeeze %dma_wait3A_121 : memref<1x10000xi32, #tpu.memory_space<hbm>> -> memref<10000xi32, #tpu.memory_space<hbm>>
      %dma_wait3A_123 = tpu.memref_slice %arg2[%run_scoped3A_7, %mul3A_6] : memref<2x320000xi32, #tpu.memory_space<hbm>> -> memref<1x10000xi32, #tpu.memory_space<hbm>>
      %dma_wait3A_124 = tpu.memref_squeeze %dma_wait3A_123 : memref<1x10000xi32, #tpu.memory_space<hbm>> -> memref<10000xi32, #tpu.memory_space<hbm>>
      tpu.wait_dma2 semaphore(%run_scoped3A_116 : memref<!tpu.dma_semaphore, #tpu.memory_space<semaphore_mem>>) src(%dma_wait3A_124 : memref<10000xi32, #tpu.memory_space<hbm>>) dst(%arg7 : memref<10000xi32, #tpu.memory_space<vmem>>)
      tpu.yield
    }) : () -> ()
    %barrier3A = arith.constant 0 : index
    tpu.barrier barrier_id(%barrier3A)
    %dma_start3A = arith.constant 0 : i32
    %dma_start3A_8 = tpu.memref_slice %arg6[%dma_start3A] : memref<10000xi32, #tpu.memory_space<vmem>> -> memref<200xi32, #tpu.memory_space<vmem>>
    %dma_start3A_9 = arith.constant 0 : i32
    %dma_start3A_10 = arith.constant 0 : i32
    %dma_start3A_11 = tpu.memref_slice %arg3[%dma_start3A_9, %dma_start3A_10] : memref<10000x64xf32, #tpu.memory_space<hbm>> -> memref<10000x64xf32, #tpu.memory_space<hbm>>
    tpu.enqueue_indirect_dma source(%dma_start3A_11 : memref<10000x64xf32, #tpu.memory_space<hbm>>) target(%arg8 : memref<200x64xf32, #tpu.memory_space<vmem>>) offsets(%dma_start3A_8 : memref<200xi32, #tpu.memory_space<vmem>>) semaphore(%arg13 : memref<!tpu.dma_semaphore, #tpu.memory_space<semaphore_mem>>)
    %dma_start3A_12 = arith.constant 200 : i32
    %dma_start3A_13 = tpu.memref_slice %arg6[%dma_start3A_12] : memref<10000xi32, #tpu.memory_space<vmem>> -> memref<200xi32, #tpu.memory_space<vmem>>
    %dma_start3A_14 = arith.constant 0 : i32
    %dma_start3A_15 = arith.constant 0 : i32
    %dma_start3A_16 = tpu.memref_slice %arg3[%dma_start3A_14, %dma_start3A_15] : memref<10000x64xf32, #tpu.memory_space<hbm>> -> memref<10000x64xf32, #tpu.memory_space<hbm>>
    tpu.enqueue_indirect_dma source(%dma_start3A_16 : memref<10000x64xf32, #tpu.memory_space<hbm>>) target(%arg9 : memref<200x64xf32, #tpu.memory_space<vmem>>) offsets(%dma_start3A_13 : memref<200xi32, #tpu.memory_space<vmem>>) semaphore(%arg14 : memref<!tpu.dma_semaphore, #tpu.memory_space<semaphore_mem>>)
    %dma_start3A_17 = arith.constant 400 : i32
    %dma_start3A_18 = tpu.memref_slice %arg6[%dma_start3A_17] : memref<10000xi32, #tpu.memory_space<vmem>> -> memref<200xi32, #tpu.memory_space<vmem>>
    %dma_start3A_19 = arith.constant 0 : i32
    %dma_start3A_20 = arith.constant 0 : i32
    %dma_start3A_21 = tpu.memref_slice %arg3[%dma_start3A_19, %dma_start3A_20] : memref<10000x64xf32, #tpu.memory_space<hbm>> -> memref<10000x64xf32, #tpu.memory_space<hbm>>
    tpu.enqueue_indirect_dma source(%dma_start3A_21 : memref<10000x64xf32, #tpu.memory_space<hbm>>) target(%arg10 : memref<200x64xf32, #tpu.memory_space<vmem>>) offsets(%dma_start3A_18 : memref<200xi32, #tpu.memory_space<vmem>>) semaphore(%arg15 : memref<!tpu.dma_semaphore, #tpu.memory_space<semaphore_mem>>)
    %dma_start3A_22 = arith.constant 600 : i32
    %dma_start3A_23 = tpu.memref_slice %arg6[%dma_start3A_22] : memref<10000xi32, #tpu.memory_space<vmem>> -> memref<200xi32, #tpu.memory_space<vmem>>
    %dma_start3A_24 = arith.constant 0 : i32
    %dma_start3A_25 = arith.constant 0 : i32
    %dma_start3A_26 = tpu.memref_slice %arg3[%dma_start3A_24, %dma_start3A_25] : memref<10000x64xf32, #tpu.memory_space<hbm>> -> memref<10000x64xf32, #tpu.memory_space<hbm>>
    tpu.enqueue_indirect_dma source(%dma_start3A_26 : memref<10000x64xf32, #tpu.memory_space<hbm>>) target(%arg11 : memref<200x64xf32, #tpu.memory_space<vmem>>) offsets(%dma_start3A_23 : memref<200xi32, #tpu.memory_space<vmem>>) semaphore(%arg16 : memref<!tpu.dma_semaphore, #tpu.memory_space<semaphore_mem>>)
    %dma_start3A_27 = arith.constant 800 : i32
    %dma_start3A_28 = tpu.memref_slice %arg6[%dma_start3A_27] : memref<10000xi32, #tpu.memory_space<vmem>> -> memref<200xi32, #tpu.memory_space<vmem>>
    %dma_start3A_29 = arith.constant 0 : i32
    %dma_start3A_30 = arith.constant 0 : i32
    %dma_start3A_31 = tpu.memref_slice %arg3[%dma_start3A_29, %dma_start3A_30] : memref<10000x64xf32, #tpu.memory_space<hbm>> -> memref<10000x64xf32, #tpu.memory_space<hbm>>
    tpu.enqueue_indirect_dma source(%dma_start3A_31 : memref<10000x64xf32, #tpu.memory_space<hbm>>) target(%arg12 : memref<200x64xf32, #tpu.memory_space<vmem>>) offsets(%dma_start3A_28 : memref<200xi32, #tpu.memory_space<vmem>>) semaphore(%arg17 : memref<!tpu.dma_semaphore, #tpu.memory_space<semaphore_mem>>)
    %scan3A = arith.constant 0 : i32
    %scan3A_32 = arith.constant 0 : i32
    %scan3A_33 = arith.constant 9 : i32
    %scan3A_34 = arith.addi %scan3A_32, %scan3A_33 : i32
    %scan3A_35 = arith.constant 1 : i32
    scf.for %scan3A_116 = %scan3A_32 to %scan3A_34 step %scan3A_35  : i32 {
      %mul3A_117 = arith.constant 5 : i32
      %mul3A_118 = arith.muli %mul3A_117, %scan3A_116 : i32
      %dma_wait3A_119 = arith.constant 0 : i32
      %dma_wait3A_120 = tpu.memref_slice %arg6[%dma_wait3A_119] : memref<10000xi32, #tpu.memory_space<vmem>> -> memref<200xi32, #tpu.memory_space<vmem>>
      %dma_wait3A_121 = arith.constant 0 : i32
      %dma_wait3A_122 = arith.constant 0 : i32
      %dma_wait3A_123 = tpu.memref_slice %arg3[%dma_wait3A_121, %dma_wait3A_122] : memref<10000x64xf32, #tpu.memory_space<hbm>> -> memref<10000x64xf32, #tpu.memory_space<hbm>>
      tpu.wait_indirect_dma semaphore(%arg13 : memref<!tpu.dma_semaphore, #tpu.memory_space<semaphore_mem>>) src(%dma_wait3A_123 : memref<10000x64xf32, #tpu.memory_space<hbm>>) dst(%arg8 : memref<200x64xf32, #tpu.memory_space<vmem>>)
      %add3A_124 = arith.constant 0 : i32
      %add3A_125 = arith.addi %mul3A_118, %add3A_124 : i32
      %mul3A_126 = arith.constant 200 : i32
      %mul3A_127 = arith.muli %add3A_125, %mul3A_126 : i32
      %dma_start3A_128 = tpu.memref_slice %arg7[%mul3A_127] : memref<10000xi32, #tpu.memory_space<vmem>> -> memref<200xi32, #tpu.memory_space<vmem>>
      %dma_start3A_129 = arith.constant 0 : i32
      %dma_start3A_130 = arith.constant 0 : i32
      %dma_start3A_131 = tpu.memref_slice %arg23[%dma_start3A_129, %dma_start3A_130] : memref<10240x64xf32, #tpu.memory_space<vmem_shared>> -> memref<10240x64xf32, #tpu.memory_space<vmem_shared>>
      tpu.enqueue_indirect_dma source(%arg8 : memref<200x64xf32, #tpu.memory_space<vmem>>) target(%dma_start3A_131 : memref<10240x64xf32, #tpu.memory_space<vmem_shared>>) offsets(%dma_start3A_128 : memref<200xi32, #tpu.memory_space<vmem>>) semaphore(%arg18 : memref<!tpu.dma_semaphore, #tpu.memory_space<semaphore_mem>>) {add = true}
      %dma_wait3A_132 = arith.constant 0 : i32
      %dma_wait3A_133 = tpu.memref_slice %arg6[%dma_wait3A_132] : memref<10000xi32, #tpu.memory_space<vmem>> -> memref<200xi32, #tpu.memory_space<vmem>>
      %dma_wait3A_134 = arith.constant 0 : i32
      %dma_wait3A_135 = arith.constant 0 : i32
      %dma_wait3A_136 = tpu.memref_slice %arg3[%dma_wait3A_134, %dma_wait3A_135] : memref<10000x64xf32, #tpu.memory_space<hbm>> -> memref<10000x64xf32, #tpu.memory_space<hbm>>
      tpu.wait_indirect_dma semaphore(%arg14 : memref<!tpu.dma_semaphore, #tpu.memory_space<semaphore_mem>>) src(%dma_wait3A_136 : memref<10000x64xf32, #tpu.memory_space<hbm>>) dst(%arg9 : memref<200x64xf32, #tpu.memory_space<vmem>>)
      %add3A_137 = arith.constant 1 : i32
      %add3A_138 = arith.addi %mul3A_118, %add3A_137 : i32
      %mul3A_139 = arith.constant 200 : i32
      %mul3A_140 = arith.muli %add3A_138, %mul3A_139 : i32
      %dma_start3A_141 = tpu.memref_slice %arg7[%mul3A_140] : memref<10000xi32, #tpu.memory_space<vmem>> -> memref<200xi32, #tpu.memory_space<vmem>>
      %dma_start3A_142 = arith.constant 0 : i32
      %dma_start3A_143 = arith.constant 0 : i32
      %dma_start3A_144 = tpu.memref_slice %arg23[%dma_start3A_142, %dma_start3A_143] : memref<10240x64xf32, #tpu.memory_space<vmem_shared>> -> memref<10240x64xf32, #tpu.memory_space<vmem_shared>>
      tpu.enqueue_indirect_dma source(%arg9 : memref<200x64xf32, #tpu.memory_space<vmem>>) target(%dma_start3A_144 : memref<10240x64xf32, #tpu.memory_space<vmem_shared>>) offsets(%dma_start3A_141 : memref<200xi32, #tpu.memory_space<vmem>>) semaphore(%arg19 : memref<!tpu.dma_semaphore, #tpu.memory_space<semaphore_mem>>) {add = true}
      %dma_wait3A_145 = arith.constant 0 : i32
      %dma_wait3A_146 = tpu.memref_slice %arg6[%dma_wait3A_145] : memref<10000xi32, #tpu.memory_space<vmem>> -> memref<200xi32, #tpu.memory_space<vmem>>
      %dma_wait3A_147 = arith.constant 0 : i32
      %dma_wait3A_148 = arith.constant 0 : i32
      %dma_wait3A_149 = tpu.memref_slice %arg3[%dma_wait3A_147, %dma_wait3A_148] : memref<10000x64xf32, #tpu.memory_space<hbm>> -> memref<10000x64xf32, #tpu.memory_space<hbm>>
      tpu.wait_indirect_dma semaphore(%arg15 : memref<!tpu.dma_semaphore, #tpu.memory_space<semaphore_mem>>) src(%dma_wait3A_149 : memref<10000x64xf32, #tpu.memory_space<hbm>>) dst(%arg10 : memref<200x64xf32, #tpu.memory_space<vmem>>)
      %add3A_150 = arith.constant 2 : i32
      %add3A_151 = arith.addi %mul3A_118, %add3A_150 : i32
      %mul3A_152 = arith.constant 200 : i32
      %mul3A_153 = arith.muli %add3A_151, %mul3A_152 : i32
      %dma_start3A_154 = tpu.memref_slice %arg7[%mul3A_153] : memref<10000xi32, #tpu.memory_space<vmem>> -> memref<200xi32, #tpu.memory_space<vmem>>
      %dma_start3A_155 = arith.constant 0 : i32
      %dma_start3A_156 = arith.constant 0 : i32
      %dma_start3A_157 = tpu.memref_slice %arg23[%dma_start3A_155, %dma_start3A_156] : memref<10240x64xf32, #tpu.memory_space<vmem_shared>> -> memref<10240x64xf32, #tpu.memory_space<vmem_shared>>
      tpu.enqueue_indirect_dma source(%arg10 : memref<200x64xf32, #tpu.memory_space<vmem>>) target(%dma_start3A_157 : memref<10240x64xf32, #tpu.memory_space<vmem_shared>>) offsets(%dma_start3A_154 : memref<200xi32, #tpu.memory_space<vmem>>) semaphore(%arg20 : memref<!tpu.dma_semaphore, #tpu.memory_space<semaphore_mem>>) {add = true}
      %dma_wait3A_158 = arith.constant 0 : i32
      %dma_wait3A_159 = tpu.memref_slice %arg6[%dma_wait3A_158] : memref<10000xi32, #tpu.memory_space<vmem>> -> memref<200xi32, #tpu.memory_space<vmem>>
      %dma_wait3A_160 = arith.constant 0 : i32
      %dma_wait3A_161 = arith.constant 0 : i32
      %dma_wait3A_162 = tpu.memref_slice %arg3[%dma_wait3A_160, %dma_wait3A_161] : memref<10000x64xf32, #tpu.memory_space<hbm>> -> memref<10000x64xf32, #tpu.memory_space<hbm>>
      tpu.wait_indirect_dma semaphore(%arg16 : memref<!tpu.dma_semaphore, #tpu.memory_space<semaphore_mem>>) src(%dma_wait3A_162 : memref<10000x64xf32, #tpu.memory_space<hbm>>) dst(%arg11 : memref<200x64xf32, #tpu.memory_space<vmem>>)
      %add3A_163 = arith.constant 3 : i32
      %add3A_164 = arith.addi %mul3A_118, %add3A_163 : i32
      %mul3A_165 = arith.constant 200 : i32
      %mul3A_166 = arith.muli %add3A_164, %mul3A_165 : i32
      %dma_start3A_167 = tpu.memref_slice %arg7[%mul3A_166] : memref<10000xi32, #tpu.memory_space<vmem>> -> memref<200xi32, #tpu.memory_space<vmem>>
      %dma_start3A_168 = arith.constant 0 : i32
      %dma_start3A_169 = arith.constant 0 : i32
      %dma_start3A_170 = tpu.memref_slice %arg23[%dma_start3A_168, %dma_start3A_169] : memref<10240x64xf32, #tpu.memory_space<vmem_shared>> -> memref<10240x64xf32, #tpu.memory_space<vmem_shared>>
      tpu.enqueue_indirect_dma source(%arg11 : memref<200x64xf32, #tpu.memory_space<vmem>>) target(%dma_start3A_170 : memref<10240x64xf32, #tpu.memory_space<vmem_shared>>) offsets(%dma_start3A_167 : memref<200xi32, #tpu.memory_space<vmem>>) semaphore(%arg21 : memref<!tpu.dma_semaphore, #tpu.memory_space<semaphore_mem>>) {add = true}
      %dma_wait3A_171 = arith.constant 0 : i32
      %dma_wait3A_172 = tpu.memref_slice %arg6[%dma_wait3A_171] : memref<10000xi32, #tpu.memory_space<vmem>> -> memref<200xi32, #tpu.memory_space<vmem>>
      %dma_wait3A_173 = arith.constant 0 : i32
      %dma_wait3A_174 = arith.constant 0 : i32
      %dma_wait3A_175 = tpu.memref_slice %arg3[%dma_wait3A_173, %dma_wait3A_174] : memref<10000x64xf32, #tpu.memory_space<hbm>> -> memref<10000x64xf32, #tpu.memory_space<hbm>>
      tpu.wait_indirect_dma semaphore(%arg17 : memref<!tpu.dma_semaphore, #tpu.memory_space<semaphore_mem>>) src(%dma_wait3A_175 : memref<10000x64xf32, #tpu.memory_space<hbm>>) dst(%arg12 : memref<200x64xf32, #tpu.memory_space<vmem>>)
      %add3A_176 = arith.constant 4 : i32
      %add3A_177 = arith.addi %mul3A_118, %add3A_176 : i32
      %mul3A_178 = arith.constant 200 : i32
      %mul3A_179 = arith.muli %add3A_177, %mul3A_178 : i32
      %dma_start3A_180 = tpu.memref_slice %arg7[%mul3A_179] : memref<10000xi32, #tpu.memory_space<vmem>> -> memref<200xi32, #tpu.memory_space<vmem>>
      %dma_start3A_181 = arith.constant 0 : i32
      %dma_start3A_182 = arith.constant 0 : i32
      %dma_start3A_183 = tpu.memref_slice %arg23[%dma_start3A_181, %dma_start3A_182] : memref<10240x64xf32, #tpu.memory_space<vmem_shared>> -> memref<10240x64xf32, #tpu.memory_space<vmem_shared>>
      tpu.enqueue_indirect_dma source(%arg12 : memref<200x64xf32, #tpu.memory_space<vmem>>) target(%dma_start3A_183 : memref<10240x64xf32, #tpu.memory_space<vmem_shared>>) offsets(%dma_start3A_180 : memref<200xi32, #tpu.memory_space<vmem>>) semaphore(%arg22 : memref<!tpu.dma_semaphore, #tpu.memory_space<semaphore_mem>>) {add = true}
      %dma_wait3A_184 = arith.constant 0 : i32
      %dma_wait3A_185 = tpu.memref_slice %arg7[%dma_wait3A_184] : memref<10000xi32, #tpu.memory_space<vmem>> -> memref<200xi32, #tpu.memory_space<vmem>>
      %dma_wait3A_186 = arith.constant 0 : i32
      %dma_wait3A_187 = arith.constant 0 : i32
      %dma_wait3A_188 = tpu.memref_slice %arg23[%dma_wait3A_186, %dma_wait3A_187] : memref<10240x64xf32, #tpu.memory_space<vmem_shared>> -> memref<10240x64xf32, #tpu.memory_space<vmem_shared>>
      tpu.wait_indirect_dma semaphore(%arg18 : memref<!tpu.dma_semaphore, #tpu.memory_space<semaphore_mem>>) src(%arg8 : memref<200x64xf32, #tpu.memory_space<vmem>>) dst(%dma_wait3A_188 : memref<10240x64xf32, #tpu.memory_space<vmem_shared>>)
      %add3A_189 = arith.constant 5 : i32
      %add3A_190 = arith.addi %mul3A_118, %add3A_189 : i32
      %add3A_191 = arith.constant 0 : i32
      %add3A_192 = arith.addi %add3A_190, %add3A_191 : i32
      %lt3A = arith.constant 50 : i32
      %lt3A_193 = arith.cmpi slt, %add3A_192, %lt3A : i32
      %convert_element_type3A = arith.extui %lt3A_193 : i1 to i32
      %cond3A = arith.constant 0 : i32
      %cond3A_194 = arith.cmpi ne, %convert_element_type3A, %cond3A : i32
      scf.if %cond3A_194 {
        %mul3A_251 = arith.constant 200 : i32
        %mul3A_252 = arith.muli %add3A_192, %mul3A_251 : i32
        %dma_start3A_253 = tpu.memref_slice %arg6[%mul3A_252] : memref<10000xi32, #tpu.memory_space<vmem>> -> memref<200xi32, #tpu.memory_space<vmem>>
        %dma_start3A_254 = arith.constant 0 : i32
        %dma_start3A_255 = arith.constant 0 : i32
        %dma_start3A_256 = tpu.memref_slice %arg3[%dma_start3A_254, %dma_start3A_255] : memref<10000x64xf32, #tpu.memory_space<hbm>> -> memref<10000x64xf32, #tpu.memory_space<hbm>>
        tpu.enqueue_indirect_dma source(%dma_start3A_256 : memref<10000x64xf32, #tpu.memory_space<hbm>>) target(%arg8 : memref<200x64xf32, #tpu.memory_space<vmem>>) offsets(%dma_start3A_253 : memref<200xi32, #tpu.memory_space<vmem>>) semaphore(%arg13 : memref<!tpu.dma_semaphore, #tpu.memory_space<semaphore_mem>>)
      } else {
      }
      %dma_wait3A_195 = arith.constant 0 : i32
      %dma_wait3A_196 = tpu.memref_slice %arg7[%dma_wait3A_195] : memref<10000xi32, #tpu.memory_space<vmem>> -> memref<200xi32, #tpu.memory_space<vmem>>
      %dma_wait3A_197 = arith.constant 0 : i32
      %dma_wait3A_198 = arith.constant 0 : i32
      %dma_wait3A_199 = tpu.memref_slice %arg23[%dma_wait3A_197, %dma_wait3A_198] : memref<10240x64xf32, #tpu.memory_space<vmem_shared>> -> memref<10240x64xf32, #tpu.memory_space<vmem_shared>>
      tpu.wait_indirect_dma semaphore(%arg19 : memref<!tpu.dma_semaphore, #tpu.memory_space<semaphore_mem>>) src(%arg9 : memref<200x64xf32, #tpu.memory_space<vmem>>) dst(%dma_wait3A_199 : memref<10240x64xf32, #tpu.memory_space<vmem_shared>>)
      %add3A_200 = arith.constant 5 : i32
      %add3A_201 = arith.addi %mul3A_118, %add3A_200 : i32
      %add3A_202 = arith.constant 1 : i32
      %add3A_203 = arith.addi %add3A_201, %add3A_202 : i32
      %lt3A_204 = arith.constant 50 : i32
      %lt3A_205 = arith.cmpi slt, %add3A_203, %lt3A_204 : i32
      %convert_element_type3A_206 = arith.extui %lt3A_205 : i1 to i32
      %cond3A_207 = arith.constant 0 : i32
      %cond3A_208 = arith.cmpi ne, %convert_element_type3A_206, %cond3A_207 : i32
      scf.if %cond3A_208 {
        %mul3A_251 = arith.constant 200 : i32
        %mul3A_252 = arith.muli %add3A_203, %mul3A_251 : i32
        %dma_start3A_253 = tpu.memref_slice %arg6[%mul3A_252] : memref<10000xi32, #tpu.memory_space<vmem>> -> memref<200xi32, #tpu.memory_space<vmem>>
        %dma_start3A_254 = arith.constant 0 : i32
        %dma_start3A_255 = arith.constant 0 : i32
        %dma_start3A_256 = tpu.memref_slice %arg3[%dma_start3A_254, %dma_start3A_255] : memref<10000x64xf32, #tpu.memory_space<hbm>> -> memref<10000x64xf32, #tpu.memory_space<hbm>>
        tpu.enqueue_indirect_dma source(%dma_start3A_256 : memref<10000x64xf32, #tpu.memory_space<hbm>>) target(%arg9 : memref<200x64xf32, #tpu.memory_space<vmem>>) offsets(%dma_start3A_253 : memref<200xi32, #tpu.memory_space<vmem>>) semaphore(%arg14 : memref<!tpu.dma_semaphore, #tpu.memory_space<semaphore_mem>>)
      } else {
      }
      %dma_wait3A_209 = arith.constant 0 : i32
      %dma_wait3A_210 = tpu.memref_slice %arg7[%dma_wait3A_209] : memref<10000xi32, #tpu.memory_space<vmem>> -> memref<200xi32, #tpu.memory_space<vmem>>
      %dma_wait3A_211 = arith.constant 0 : i32
      %dma_wait3A_212 = arith.constant 0 : i32
      %dma_wait3A_213 = tpu.memref_slice %arg23[%dma_wait3A_211, %dma_wait3A_212] : memref<10240x64xf32, #tpu.memory_space<vmem_shared>> -> memref<10240x64xf32, #tpu.memory_space<vmem_shared>>
      tpu.wait_indirect_dma semaphore(%arg20 : memref<!tpu.dma_semaphore, #tpu.memory_space<semaphore_mem>>) src(%arg10 : memref<200x64xf32, #tpu.memory_space<vmem>>) dst(%dma_wait3A_213 : memref<10240x64xf32, #tpu.memory_space<vmem_shared>>)
      %add3A_214 = arith.constant 5 : i32
      %add3A_215 = arith.addi %mul3A_118, %add3A_214 : i32
      %add3A_216 = arith.constant 2 : i32
      %add3A_217 = arith.addi %add3A_215, %add3A_216 : i32
      %lt3A_218 = arith.constant 50 : i32
      %lt3A_219 = arith.cmpi slt, %add3A_217, %lt3A_218 : i32
      %convert_element_type3A_220 = arith.extui %lt3A_219 : i1 to i32
      %cond3A_221 = arith.constant 0 : i32
      %cond3A_222 = arith.cmpi ne, %convert_element_type3A_220, %cond3A_221 : i32
      scf.if %cond3A_222 {
        %mul3A_251 = arith.constant 200 : i32
        %mul3A_252 = arith.muli %add3A_217, %mul3A_251 : i32
        %dma_start3A_253 = tpu.memref_slice %arg6[%mul3A_252] : memref<10000xi32, #tpu.memory_space<vmem>> -> memref<200xi32, #tpu.memory_space<vmem>>
        %dma_start3A_254 = arith.constant 0 : i32
        %dma_start3A_255 = arith.constant 0 : i32
        %dma_start3A_256 = tpu.memref_slice %arg3[%dma_start3A_254, %dma_start3A_255] : memref<10000x64xf32, #tpu.memory_space<hbm>> -> memref<10000x64xf32, #tpu.memory_space<hbm>>
        tpu.enqueue_indirect_dma source(%dma_start3A_256 : memref<10000x64xf32, #tpu.memory_space<hbm>>) target(%arg10 : memref<200x64xf32, #tpu.memory_space<vmem>>) offsets(%dma_start3A_253 : memref<200xi32, #tpu.memory_space<vmem>>) semaphore(%arg15 : memref<!tpu.dma_semaphore, #tpu.memory_space<semaphore_mem>>)
      } else {
      }
      %dma_wait3A_223 = arith.constant 0 : i32
      %dma_wait3A_224 = tpu.memref_slice %arg7[%dma_wait3A_223] : memref<10000xi32, #tpu.memory_space<vmem>> -> memref<200xi32, #tpu.memory_space<vmem>>
      %dma_wait3A_225 = arith.constant 0 : i32
      %dma_wait3A_226 = arith.constant 0 : i32
      %dma_wait3A_227 = tpu.memref_slice %arg23[%dma_wait3A_225, %dma_wait3A_226] : memref<10240x64xf32, #tpu.memory_space<vmem_shared>> -> memref<10240x64xf32, #tpu.memory_space<vmem_shared>>
      tpu.wait_indirect_dma semaphore(%arg21 : memref<!tpu.dma_semaphore, #tpu.memory_space<semaphore_mem>>) src(%arg11 : memref<200x64xf32, #tpu.memory_space<vmem>>) dst(%dma_wait3A_227 : memref<10240x64xf32, #tpu.memory_space<vmem_shared>>)
      %add3A_228 = arith.constant 5 : i32
      %add3A_229 = arith.addi %mul3A_118, %add3A_228 : i32
      %add3A_230 = arith.constant 3 : i32
      %add3A_231 = arith.addi %add3A_229, %add3A_230 : i32
      %lt3A_232 = arith.constant 50 : i32
      %lt3A_233 = arith.cmpi slt, %add3A_231, %lt3A_232 : i32
      %convert_element_type3A_234 = arith.extui %lt3A_233 : i1 to i32
      %cond3A_235 = arith.constant 0 : i32
      %cond3A_236 = arith.cmpi ne, %convert_element_type3A_234, %cond3A_235 : i32
      scf.if %cond3A_236 {
        %mul3A_251 = arith.constant 200 : i32
        %mul3A_252 = arith.muli %add3A_231, %mul3A_251 : i32
        %dma_start3A_253 = tpu.memref_slice %arg6[%mul3A_252] : memref<10000xi32, #tpu.memory_space<vmem>> -> memref<200xi32, #tpu.memory_space<vmem>>
        %dma_start3A_254 = arith.constant 0 : i32
        %dma_start3A_255 = arith.constant 0 : i32
        %dma_start3A_256 = tpu.memref_slice %arg3[%dma_start3A_254, %dma_start3A_255] : memref<10000x64xf32, #tpu.memory_space<hbm>> -> memref<10000x64xf32, #tpu.memory_space<hbm>>
        tpu.enqueue_indirect_dma source(%dma_start3A_256 : memref<10000x64xf32, #tpu.memory_space<hbm>>) target(%arg11 : memref<200x64xf32, #tpu.memory_space<vmem>>) offsets(%dma_start3A_253 : memref<200xi32, #tpu.memory_space<vmem>>) semaphore(%arg16 : memref<!tpu.dma_semaphore, #tpu.memory_space<semaphore_mem>>)
      } else {
      }
      %dma_wait3A_237 = arith.constant 0 : i32
      %dma_wait3A_238 = tpu.memref_slice %arg7[%dma_wait3A_237] : memref<10000xi32, #tpu.memory_space<vmem>> -> memref<200xi32, #tpu.memory_space<vmem>>
      %dma_wait3A_239 = arith.constant 0 : i32
      %dma_wait3A_240 = arith.constant 0 : i32
      %dma_wait3A_241 = tpu.memref_slice %arg23[%dma_wait3A_239, %dma_wait3A_240] : memref<10240x64xf32, #tpu.memory_space<vmem_shared>> -> memref<10240x64xf32, #tpu.memory_space<vmem_shared>>
      tpu.wait_indirect_dma semaphore(%arg22 : memref<!tpu.dma_semaphore, #tpu.memory_space<semaphore_mem>>) src(%arg12 : memref<200x64xf32, #tpu.memory_space<vmem>>) dst(%dma_wait3A_241 : memref<10240x64xf32, #tpu.memory_space<vmem_shared>>)
      %add3A_242 = arith.constant 5 : i32
      %add3A_243 = arith.addi %mul3A_118, %add3A_242 : i32
      %add3A_244 = arith.constant 4 : i32
      %add3A_245 = arith.addi %add3A_243, %add3A_244 : i32
      %lt3A_246 = arith.constant 50 : i32
      %lt3A_247 = arith.cmpi slt, %add3A_245, %lt3A_246 : i32
      %convert_element_type3A_248 = arith.extui %lt3A_247 : i1 to i32
      %cond3A_249 = arith.constant 0 : i32
      %cond3A_250 = arith.cmpi ne, %convert_element_type3A_248, %cond3A_249 : i32
      scf.if %cond3A_250 {
        %mul3A_251 = arith.constant 200 : i32
        %mul3A_252 = arith.muli %add3A_245, %mul3A_251 : i32
        %dma_start3A_253 = tpu.memref_slice %arg6[%mul3A_252] : memref<10000xi32, #tpu.memory_space<vmem>> -> memref<200xi32, #tpu.memory_space<vmem>>
        %dma_start3A_254 = arith.constant 0 : i32
        %dma_start3A_255 = arith.constant 0 : i32
        %dma_start3A_256 = tpu.memref_slice %arg3[%dma_start3A_254, %dma_start3A_255] : memref<10000x64xf32, #tpu.memory_space<hbm>> -> memref<10000x64xf32, #tpu.memory_space<hbm>>
        tpu.enqueue_indirect_dma source(%dma_start3A_256 : memref<10000x64xf32, #tpu.memory_space<hbm>>) target(%arg12 : memref<200x64xf32, #tpu.memory_space<vmem>>) offsets(%dma_start3A_253 : memref<200xi32, #tpu.memory_space<vmem>>) semaphore(%arg17 : memref<!tpu.dma_semaphore, #tpu.memory_space<semaphore_mem>>)
      } else {
      }
    }
    %scan3A_36 = arith.constant 9 : i32
    %dma_wait3A = arith.constant 0 : i32
    %dma_wait3A_37 = tpu.memref_slice %arg6[%dma_wait3A] : memref<10000xi32, #tpu.memory_space<vmem>> -> memref<200xi32, #tpu.memory_space<vmem>>
    %dma_wait3A_38 = arith.constant 0 : i32
    %dma_wait3A_39 = arith.constant 0 : i32
    %dma_wait3A_40 = tpu.memref_slice %arg3[%dma_wait3A_38, %dma_wait3A_39] : memref<10000x64xf32, #tpu.memory_space<hbm>> -> memref<10000x64xf32, #tpu.memory_space<hbm>>
    tpu.wait_indirect_dma semaphore(%arg13 : memref<!tpu.dma_semaphore, #tpu.memory_space<semaphore_mem>>) src(%dma_wait3A_40 : memref<10000x64xf32, #tpu.memory_space<hbm>>) dst(%arg8 : memref<200x64xf32, #tpu.memory_space<vmem>>)
    %dma_start3A_41 = arith.constant 9000 : i32
    %dma_start3A_42 = tpu.memref_slice %arg7[%dma_start3A_41] : memref<10000xi32, #tpu.memory_space<vmem>> -> memref<200xi32, #tpu.memory_space<vmem>>
    %dma_start3A_43 = arith.constant 0 : i32
    %dma_start3A_44 = arith.constant 0 : i32
    %dma_start3A_45 = tpu.memref_slice %arg23[%dma_start3A_43, %dma_start3A_44] : memref<10240x64xf32, #tpu.memory_space<vmem_shared>> -> memref<10240x64xf32, #tpu.memory_space<vmem_shared>>
    tpu.enqueue_indirect_dma source(%arg8 : memref<200x64xf32, #tpu.memory_space<vmem>>) target(%dma_start3A_45 : memref<10240x64xf32, #tpu.memory_space<vmem_shared>>) offsets(%dma_start3A_42 : memref<200xi32, #tpu.memory_space<vmem>>) semaphore(%arg18 : memref<!tpu.dma_semaphore, #tpu.memory_space<semaphore_mem>>) {add = true}
    %dma_wait3A_46 = arith.constant 0 : i32
    %dma_wait3A_47 = tpu.memref_slice %arg6[%dma_wait3A_46] : memref<10000xi32, #tpu.memory_space<vmem>> -> memref<200xi32, #tpu.memory_space<vmem>>
    %dma_wait3A_48 = arith.constant 0 : i32
    %dma_wait3A_49 = arith.constant 0 : i32
    %dma_wait3A_50 = tpu.memref_slice %arg3[%dma_wait3A_48, %dma_wait3A_49] : memref<10000x64xf32, #tpu.memory_space<hbm>> -> memref<10000x64xf32, #tpu.memory_space<hbm>>
    tpu.wait_indirect_dma semaphore(%arg14 : memref<!tpu.dma_semaphore, #tpu.memory_space<semaphore_mem>>) src(%dma_wait3A_50 : memref<10000x64xf32, #tpu.memory_space<hbm>>) dst(%arg9 : memref<200x64xf32, #tpu.memory_space<vmem>>)
    %dma_start3A_51 = arith.constant 9200 : i32
    %dma_start3A_52 = tpu.memref_slice %arg7[%dma_start3A_51] : memref<10000xi32, #tpu.memory_space<vmem>> -> memref<200xi32, #tpu.memory_space<vmem>>
    %dma_start3A_53 = arith.constant 0 : i32
    %dma_start3A_54 = arith.constant 0 : i32
    %dma_start3A_55 = tpu.memref_slice %arg23[%dma_start3A_53, %dma_start3A_54] : memref<10240x64xf32, #tpu.memory_space<vmem_shared>> -> memref<10240x64xf32, #tpu.memory_space<vmem_shared>>
    tpu.enqueue_indirect_dma source(%arg9 : memref<200x64xf32, #tpu.memory_space<vmem>>) target(%dma_start3A_55 : memref<10240x64xf32, #tpu.memory_space<vmem_shared>>) offsets(%dma_start3A_52 : memref<200xi32, #tpu.memory_space<vmem>>) semaphore(%arg19 : memref<!tpu.dma_semaphore, #tpu.memory_space<semaphore_mem>>) {add = true}
    %dma_wait3A_56 = arith.constant 0 : i32
    %dma_wait3A_57 = tpu.memref_slice %arg6[%dma_wait3A_56] : memref<10000xi32, #tpu.memory_space<vmem>> -> memref<200xi32, #tpu.memory_space<vmem>>
    %dma_wait3A_58 = arith.constant 0 : i32
    %dma_wait3A_59 = arith.constant 0 : i32
    %dma_wait3A_60 = tpu.memref_slice %arg3[%dma_wait3A_58, %dma_wait3A_59] : memref<10000x64xf32, #tpu.memory_space<hbm>> -> memref<10000x64xf32, #tpu.memory_space<hbm>>
    tpu.wait_indirect_dma semaphore(%arg15 : memref<!tpu.dma_semaphore, #tpu.memory_space<semaphore_mem>>) src(%dma_wait3A_60 : memref<10000x64xf32, #tpu.memory_space<hbm>>) dst(%arg10 : memref<200x64xf32, #tpu.memory_space<vmem>>)
    %dma_start3A_61 = arith.constant 9400 : i32
    %dma_start3A_62 = tpu.memref_slice %arg7[%dma_start3A_61] : memref<10000xi32, #tpu.memory_space<vmem>> -> memref<200xi32, #tpu.memory_space<vmem>>
    %dma_start3A_63 = arith.constant 0 : i32
    %dma_start3A_64 = arith.constant 0 : i32
    %dma_start3A_65 = tpu.memref_slice %arg23[%dma_start3A_63, %dma_start3A_64] : memref<10240x64xf32, #tpu.memory_space<vmem_shared>> -> memref<10240x64xf32, #tpu.memory_space<vmem_shared>>
    tpu.enqueue_indirect_dma source(%arg10 : memref<200x64xf32, #tpu.memory_space<vmem>>) target(%dma_start3A_65 : memref<10240x64xf32, #tpu.memory_space<vmem_shared>>) offsets(%dma_start3A_62 : memref<200xi32, #tpu.memory_space<vmem>>) semaphore(%arg20 : memref<!tpu.dma_semaphore, #tpu.memory_space<semaphore_mem>>) {add = true}
    %dma_wait3A_66 = arith.constant 0 : i32
    %dma_wait3A_67 = tpu.memref_slice %arg6[%dma_wait3A_66] : memref<10000xi32, #tpu.memory_space<vmem>> -> memref<200xi32, #tpu.memory_space<vmem>>
    %dma_wait3A_68 = arith.constant 0 : i32
    %dma_wait3A_69 = arith.constant 0 : i32
    %dma_wait3A_70 = tpu.memref_slice %arg3[%dma_wait3A_68, %dma_wait3A_69] : memref<10000x64xf32, #tpu.memory_space<hbm>> -> memref<10000x64xf32, #tpu.memory_space<hbm>>
    tpu.wait_indirect_dma semaphore(%arg16 : memref<!tpu.dma_semaphore, #tpu.memory_space<semaphore_mem>>) src(%dma_wait3A_70 : memref<10000x64xf32, #tpu.memory_space<hbm>>) dst(%arg11 : memref<200x64xf32, #tpu.memory_space<vmem>>)
    %dma_start3A_71 = arith.constant 9600 : i32
    %dma_start3A_72 = tpu.memref_slice %arg7[%dma_start3A_71] : memref<10000xi32, #tpu.memory_space<vmem>> -> memref<200xi32, #tpu.memory_space<vmem>>
    %dma_start3A_73 = arith.constant 0 : i32
    %dma_start3A_74 = arith.constant 0 : i32
    %dma_start3A_75 = tpu.memref_slice %arg23[%dma_start3A_73, %dma_start3A_74] : memref<10240x64xf32, #tpu.memory_space<vmem_shared>> -> memref<10240x64xf32, #tpu.memory_space<vmem_shared>>
    tpu.enqueue_indirect_dma source(%arg11 : memref<200x64xf32, #tpu.memory_space<vmem>>) target(%dma_start3A_75 : memref<10240x64xf32, #tpu.memory_space<vmem_shared>>) offsets(%dma_start3A_72 : memref<200xi32, #tpu.memory_space<vmem>>) semaphore(%arg21 : memref<!tpu.dma_semaphore, #tpu.memory_space<semaphore_mem>>) {add = true}
    %dma_wait3A_76 = arith.constant 0 : i32
    %dma_wait3A_77 = tpu.memref_slice %arg6[%dma_wait3A_76] : memref<10000xi32, #tpu.memory_space<vmem>> -> memref<200xi32, #tpu.memory_space<vmem>>
    %dma_wait3A_78 = arith.constant 0 : i32
    %dma_wait3A_79 = arith.constant 0 : i32
    %dma_wait3A_80 = tpu.memref_slice %arg3[%dma_wait3A_78, %dma_wait3A_79] : memref<10000x64xf32, #tpu.memory_space<hbm>> -> memref<10000x64xf32, #tpu.memory_space<hbm>>
    tpu.wait_indirect_dma semaphore(%arg17 : memref<!tpu.dma_semaphore, #tpu.memory_space<semaphore_mem>>) src(%dma_wait3A_80 : memref<10000x64xf32, #tpu.memory_space<hbm>>) dst(%arg12 : memref<200x64xf32, #tpu.memory_space<vmem>>)
    %dma_start3A_81 = arith.constant 9800 : i32
    %dma_start3A_82 = tpu.memref_slice %arg7[%dma_start3A_81] : memref<10000xi32, #tpu.memory_space<vmem>> -> memref<200xi32, #tpu.memory_space<vmem>>
    %dma_start3A_83 = arith.constant 0 : i32
    %dma_start3A_84 = arith.constant 0 : i32
    %dma_start3A_85 = tpu.memref_slice %arg23[%dma_start3A_83, %dma_start3A_84] : memref<10240x64xf32, #tpu.memory_space<vmem_shared>> -> memref<10240x64xf32, #tpu.memory_space<vmem_shared>>
    tpu.enqueue_indirect_dma source(%arg12 : memref<200x64xf32, #tpu.memory_space<vmem>>) target(%dma_start3A_85 : memref<10240x64xf32, #tpu.memory_space<vmem_shared>>) offsets(%dma_start3A_82 : memref<200xi32, #tpu.memory_space<vmem>>) semaphore(%arg22 : memref<!tpu.dma_semaphore, #tpu.memory_space<semaphore_mem>>) {add = true}
    %dma_wait3A_86 = arith.constant 0 : i32
    %dma_wait3A_87 = tpu.memref_slice %arg7[%dma_wait3A_86] : memref<10000xi32, #tpu.memory_space<vmem>> -> memref<200xi32, #tpu.memory_space<vmem>>
    %dma_wait3A_88 = arith.constant 0 : i32
    %dma_wait3A_89 = arith.constant 0 : i32
    %dma_wait3A_90 = tpu.memref_slice %arg23[%dma_wait3A_88, %dma_wait3A_89] : memref<10240x64xf32, #tpu.memory_space<vmem_shared>> -> memref<10240x64xf32, #tpu.memory_space<vmem_shared>>
    tpu.wait_indirect_dma semaphore(%arg18 : memref<!tpu.dma_semaphore, #tpu.memory_space<semaphore_mem>>) src(%arg8 : memref<200x64xf32, #tpu.memory_space<vmem>>) dst(%dma_wait3A_90 : memref<10240x64xf32, #tpu.memory_space<vmem_shared>>)
    %dma_wait3A_91 = arith.constant 0 : i32
    %dma_wait3A_92 = tpu.memref_slice %arg7[%dma_wait3A_91] : memref<10000xi32, #tpu.memory_space<vmem>> -> memref<200xi32, #tpu.memory_space<vmem>>
    %dma_wait3A_93 = arith.constant 0 : i32
    %dma_wait3A_94 = arith.constant 0 : i32
    %dma_wait3A_95 = tpu.memref_slice %arg23[%dma_wait3A_93, %dma_wait3A_94] : memref<10240x64xf32, #tpu.memory_space<vmem_shared>> -> memref<10240x64xf32, #tpu.memory_space<vmem_shared>>
    tpu.wait_indirect_dma semaphore(%arg19 : memref<!tpu.dma_semaphore, #tpu.memory_space<semaphore_mem>>) src(%arg9 : memref<200x64xf32, #tpu.memory_space<vmem>>) dst(%dma_wait3A_95 : memref<10240x64xf32, #tpu.memory_space<vmem_shared>>)
    %dma_wait3A_96 = arith.constant 0 : i32
    %dma_wait3A_97 = tpu.memref_slice %arg7[%dma_wait3A_96] : memref<10000xi32, #tpu.memory_space<vmem>> -> memref<200xi32, #tpu.memory_space<vmem>>
    %dma_wait3A_98 = arith.constant 0 : i32
    %dma_wait3A_99 = arith.constant 0 : i32
    %dma_wait3A_100 = tpu.memref_slice %arg23[%dma_wait3A_98, %dma_wait3A_99] : memref<10240x64xf32, #tpu.memory_space<vmem_shared>> -> memref<10240x64xf32, #tpu.memory_space<vmem_shared>>
    tpu.wait_indirect_dma semaphore(%arg20 : memref<!tpu.dma_semaphore, #tpu.memory_space<semaphore_mem>>) src(%arg10 : memref<200x64xf32, #tpu.memory_space<vmem>>) dst(%dma_wait3A_100 : memref<10240x64xf32, #tpu.memory_space<vmem_shared>>)
    %dma_wait3A_101 = arith.constant 0 : i32
    %dma_wait3A_102 = tpu.memref_slice %arg7[%dma_wait3A_101] : memref<10000xi32, #tpu.memory_space<vmem>> -> memref<200xi32, #tpu.memory_space<vmem>>
    %dma_wait3A_103 = arith.constant 0 : i32
    %dma_wait3A_104 = arith.constant 0 : i32
    %dma_wait3A_105 = tpu.memref_slice %arg23[%dma_wait3A_103, %dma_wait3A_104] : memref<10240x64xf32, #tpu.memory_space<vmem_shared>> -> memref<10240x64xf32, #tpu.memory_space<vmem_shared>>
    tpu.wait_indirect_dma semaphore(%arg21 : memref<!tpu.dma_semaphore, #tpu.memory_space<semaphore_mem>>) src(%arg11 : memref<200x64xf32, #tpu.memory_space<vmem>>) dst(%dma_wait3A_105 : memref<10240x64xf32, #tpu.memory_space<vmem_shared>>)
    %dma_wait3A_106 = arith.constant 0 : i32
    %dma_wait3A_107 = tpu.memref_slice %arg7[%dma_wait3A_106] : memref<10000xi32, #tpu.memory_space<vmem>> -> memref<200xi32, #tpu.memory_space<vmem>>
    %dma_wait3A_108 = arith.constant 0 : i32
    %dma_wait3A_109 = arith.constant 0 : i32
    %dma_wait3A_110 = tpu.memref_slice %arg23[%dma_wait3A_108, %dma_wait3A_109] : memref<10240x64xf32, #tpu.memory_space<vmem_shared>> -> memref<10240x64xf32, #tpu.memory_space<vmem_shared>>
    tpu.wait_indirect_dma semaphore(%arg22 : memref<!tpu.dma_semaphore, #tpu.memory_space<semaphore_mem>>) src(%arg12 : memref<200x64xf32, #tpu.memory_space<vmem>>) dst(%dma_wait3A_110 : memref<10240x64xf32, #tpu.memory_space<vmem_shared>>)
    %barrier3A_111 = arith.constant 0 : index
    tpu.barrier barrier_id(%barrier3A_111)
    %mul3A_112 = arith.constant 640 : i32
    %mul3A_113 = arith.muli %arg1, %mul3A_112 : i32
    %mul3A_114 = arith.constant 640 : i32
    %mul3A_115 = arith.muli %arg1, %mul3A_114 : i32
    "tpu.region"() ({
      %run_scoped3A_116 = tpu.sem_alloc : memref<!tpu.dma_semaphore, #tpu.memory_space<semaphore_mem>>
      %dma_start3A_117 = arith.constant 0 : i32
      %dma_start3A_118 = tpu.memref_slice %arg5[%arg0, %mul3A_115, %dma_start3A_117] : memref<2x10240x64xf32, #tpu.memory_space<hbm>> -> memref<1x640x64xf32, #tpu.memory_space<hbm>>
      %dma_start3A_119 = tpu.memref_squeeze %dma_start3A_118 : memref<1x640x64xf32, #tpu.memory_space<hbm>> -> memref<640x64xf32, #tpu.memory_space<hbm>>
      %dma_start3A_120 = arith.constant 0 : i32
      %dma_start3A_121 = tpu.memref_slice %arg23[%mul3A_113, %dma_start3A_120] : memref<10240x64xf32, #tpu.memory_space<vmem_shared>> -> memref<640x64xf32, #tpu.memory_space<vmem_shared>>
      tpu.enqueue_dma source(%dma_start3A_121 : memref<640x64xf32, #tpu.memory_space<vmem_shared>>) target(%dma_start3A_119 : memref<640x64xf32, #tpu.memory_space<hbm>>) target_semaphore(%run_scoped3A_116 : memref<!tpu.dma_semaphore, #tpu.memory_space<semaphore_mem>>)
      %dma_wait3A_122 = arith.constant 0 : i32
      %dma_wait3A_123 = tpu.memref_slice %arg5[%arg0, %mul3A_115, %dma_wait3A_122] : memref<2x10240x64xf32, #tpu.memory_space<hbm>> -> memref<1x640x64xf32, #tpu.memory_space<hbm>>
      %dma_wait3A_124 = tpu.memref_squeeze %dma_wait3A_123 : memref<1x640x64xf32, #tpu.memory_space<hbm>> -> memref<640x64xf32, #tpu.memory_space<hbm>>
      %dma_wait3A_125 = arith.constant 0 : i32
      %dma_wait3A_126 = tpu.memref_slice %arg23[%mul3A_113, %dma_wait3A_125] : memref<10240x64xf32, #tpu.memory_space<vmem_shared>> -> memref<640x64xf32, #tpu.memory_space<vmem_shared>>
      tpu.wait_dma2 semaphore(%run_scoped3A_116 : memref<!tpu.dma_semaphore, #tpu.memory_space<semaphore_mem>>) src(%dma_wait3A_126 : memref<640x64xf32, #tpu.memory_space<vmem_shared>>) dst(%dma_wait3A_124 : memref<640x64xf32, #tpu.memory_space<hbm>>)
      tpu.yield
    }) : () -> ()
    return
  }
}

#map = affine_map<(d0, d1) -> (0, 0)>
#map1 = affine_map<(d0, d1) -> (0, 0, 0)>
module attributes {stable_mosaic.version = 14 : i64} {
  func.func @agg_kernel(%arg0: i32, %arg1: i32, %arg2: memref<2x320000xi32, #tpu.memory_space<hbm>>, %arg3: memref<10000x64xf32, #tpu.memory_space<hbm>>, %arg4: memref<640x64xf32, #tpu.memory_space<hbm>>, %arg5: memref<2x10240x64xf32, #tpu.memory_space<hbm>>, %arg6: memref<10000xi32, #tpu.memory_space<vmem>>, %arg7: memref<10000xi32, #tpu.memory_space<vmem>>, %arg8: memref<200x64xf32, #tpu.memory_space<vmem>>, %arg9: memref<200x64xf32, #tpu.memory_space<vmem>>, %arg10: memref<200x64xf32, #tpu.memory_space<vmem>>, %arg11: memref<200x64xf32, #tpu.memory_space<vmem>>, %arg12: memref<200x64xf32, #tpu.memory_space<vmem>>, %arg13: memref<!tpu.dma_semaphore, #tpu.memory_space<semaphore_mem>>, %arg14: memref<!tpu.dma_semaphore, #tpu.memory_space<semaphore_mem>>, %arg15: memref<!tpu.dma_semaphore, #tpu.memory_space<semaphore_mem>>, %arg16: memref<!tpu.dma_semaphore, #tpu.memory_space<semaphore_mem>>, %arg17: memref<!tpu.dma_semaphore, #tpu.memory_space<semaphore_mem>>, %arg18: memref<!tpu.dma_semaphore, #tpu.memory_space<semaphore_mem>>, %arg19: memref<!tpu.dma_semaphore, #tpu.memory_space<semaphore_mem>>, %arg20: memref<!tpu.dma_semaphore, #tpu.memory_space<semaphore_mem>>, %arg21: memref<!tpu.dma_semaphore, #tpu.memory_space<semaphore_mem>>, %arg22: memref<!tpu.dma_semaphore, #tpu.memory_space<semaphore_mem>>, %arg23: memref<10240x64xf32, #tpu.memory_space<vmem_shared>>) attributes {dimension_semantics = [#tpu.dimension_semantics<core_parallel>, #tpu.dimension_semantics<subcore_parallel>], iteration_bounds = array<i64: 2, 16>, scalar_prefetch = 0 : i64, scratch_operands = 18 : i64, tpu.core_type = #tpu.core_type<sc_vector_subcore>, window_params = [{transform_indices = #map}, {transform_indices = #map}, {transform_indices = #map}, {transform_indices = #map1}]} {
    %mul3A = arith.constant 2 : i32
    %mul3A_0 = arith.muli %arg1, %mul3A : i32
    %add3A = arith.addi %mul3A_0, %arg0 : i32
    %mul3A_1 = arith.constant 640 : i32
    %mul3A_2 = arith.muli %arg1, %mul3A_1 : i32
    "tpu.region"() ({
      %run_scoped3A_116 = tpu.sem_alloc : memref<!tpu.dma_semaphore, #tpu.memory_space<semaphore_mem>>
      %dma_start3A_117 = arith.constant 0 : i32
      %dma_start3A_118 = tpu.memref_slice %arg23[%mul3A_2, %dma_start3A_117] : memref<10240x64xf32, #tpu.memory_space<vmem_shared>> -> memref<640x64xf32, #tpu.memory_space<vmem_shared>>
      tpu.enqueue_dma source(%arg4 : memref<640x64xf32, #tpu.memory_space<hbm>>) target(%dma_start3A_118 : memref<640x64xf32, #tpu.memory_space<vmem_shared>>) target_semaphore(%run_scoped3A_116 : memref<!tpu.dma_semaphore, #tpu.memory_space<semaphore_mem>>)
      %dma_wait3A_119 = arith.constant 0 : i32
      %dma_wait3A_120 = tpu.memref_slice %arg23[%mul3A_2, %dma_wait3A_119] : memref<10240x64xf32, #tpu.memory_space<vmem_shared>> -> memref<640x64xf32, #tpu.memory_space<vmem_shared>>
      tpu.wait_dma2 semaphore(%run_scoped3A_116 : memref<!tpu.dma_semaphore, #tpu.memory_space<semaphore_mem>>) src(%arg4 : memref<640x64xf32, #tpu.memory_space<hbm>>) dst(%dma_wait3A_120 : memref<640x64xf32, #tpu.memory_space<vmem_shared>>)
      tpu.yield
    }) : () -> ()
    %mul3A_3 = arith.constant 10000 : i32
    %mul3A_4 = arith.muli %add3A, %mul3A_3 : i32
    %run_scoped3A = arith.constant 0 : i32
    "tpu.region"() ({
      %run_scoped3A_116 = tpu.sem_alloc : memref<!tpu.dma_semaphore, #tpu.memory_space<semaphore_mem>>
      %dma_start3A_117 = tpu.memref_slice %arg2[%run_scoped3A, %mul3A_4] : memref<2x320000xi32, #tpu.memory_space<hbm>> -> memref<1x10000xi32, #tpu.memory_space<hbm>>
      %dma_start3A_118 = tpu.memref_squeeze %dma_start3A_117 : memref<1x10000xi32, #tpu.memory_space<hbm>> -> memref<10000xi32, #tpu.memory_space<hbm>>
      %dma_start3A_119 = tpu.memref_slice %arg2[%run_scoped3A, %mul3A_4] : memref<2x320000xi32, #tpu.memory_space<hbm>> -> memref<1x10000xi32, #tpu.memory_space<hbm>>
      %dma_start3A_120 = tpu.memref_squeeze %dma_start3A_119 : memref<1x10000xi32, #tpu.memory_space<hbm>> -> memref<10000xi32, #tpu.memory_space<hbm>>
      tpu.enqueue_dma source(%dma_start3A_120 : memref<10000xi32, #tpu.memory_space<hbm>>) target(%arg6 : memref<10000xi32, #tpu.memory_space<vmem>>) target_semaphore(%run_scoped3A_116 : memref<!tpu.dma_semaphore, #tpu.memory_space<semaphore_mem>>)
      %dma_wait3A_121 = tpu.memref_slice %arg2[%run_scoped3A, %mul3A_4] : memref<2x320000xi32, #tpu.memory_space<hbm>> -> memref<1x10000xi32, #tpu.memory_space<hbm>>
      %dma_wait3A_122 = tpu.memref_squeeze %dma_wait3A_121 : memref<1x10000xi32, #tpu.memory_space<hbm>> -> memref<10000xi32, #tpu.memory_space<hbm>>
      %dma_wait3A_123 = tpu.memref_slice %arg2[%run_scoped3A, %mul3A_4] : memref<2x320000xi32, #tpu.memory_space<hbm>> -> memref<1x10000xi32, #tpu.memory_space<hbm>>
      %dma_wait3A_124 = tpu.memref_squeeze %dma_wait3A_123 : memref<1x10000xi32, #tpu.memory_space<hbm>> -> memref<10000xi32, #tpu.memory_space<hbm>>
      tpu.wait_dma2 semaphore(%run_scoped3A_116 : memref<!tpu.dma_semaphore, #tpu.memory_space<semaphore_mem>>) src(%dma_wait3A_124 : memref<10000xi32, #tpu.memory_space<hbm>>) dst(%arg6 : memref<10000xi32, #tpu.memory_space<vmem>>)
      tpu.yield
    }) : () -> ()
    %mul3A_5 = arith.constant 10000 : i32
    %mul3A_6 = arith.muli %add3A, %mul3A_5 : i32
    %run_scoped3A_7 = arith.constant 1 : i32
    "tpu.region"() ({
      %run_scoped3A_116 = tpu.sem_alloc : memref<!tpu.dma_semaphore, #tpu.memory_space<semaphore_mem>>
      %dma_start3A_117 = tpu.memref_slice %arg2[%run_scoped3A_7, %mul3A_6] : memref<2x320000xi32, #tpu.memory_space<hbm>> -> memref<1x10000xi32, #tpu.memory_space<hbm>>
      %dma_start3A_118 = tpu.memref_squeeze %dma_start3A_117 : memref<1x10000xi32, #tpu.memory_space<hbm>> -> memref<10000xi32, #tpu.memory_space<hbm>>
      %dma_start3A_119 = tpu.memref_slice %arg2[%run_scoped3A_7, %mul3A_6] : memref<2x320000xi32, #tpu.memory_space<hbm>> -> memref<1x10000xi32, #tpu.memory_space<hbm>>
      %dma_start3A_120 = tpu.memref_squeeze %dma_start3A_119 : memref<1x10000xi32, #tpu.memory_space<hbm>> -> memref<10000xi32, #tpu.memory_space<hbm>>
      tpu.enqueue_dma source(%dma_start3A_120 : memref<10000xi32, #tpu.memory_space<hbm>>) target(%arg7 : memref<10000xi32, #tpu.memory_space<vmem>>) target_semaphore(%run_scoped3A_116 : memref<!tpu.dma_semaphore, #tpu.memory_space<semaphore_mem>>)
      %dma_wait3A_121 = tpu.memref_slice %arg2[%run_scoped3A_7, %mul3A_6] : memref<2x320000xi32, #tpu.memory_space<hbm>> -> memref<1x10000xi32, #tpu.memory_space<hbm>>
      %dma_wait3A_122 = tpu.memref_squeeze %dma_wait3A_121 : memref<1x10000xi32, #tpu.memory_space<hbm>> -> memref<10000xi32, #tpu.memory_space<hbm>>
      %dma_wait3A_123 = tpu.memref_slice %arg2[%run_scoped3A_7, %mul3A_6] : memref<2x320000xi32, #tpu.memory_space<hbm>> -> memref<1x10000xi32, #tpu.memory_space<hbm>>
      %dma_wait3A_124 = tpu.memref_squeeze %dma_wait3A_123 : memref<1x10000xi32, #tpu.memory_space<hbm>> -> memref<10000xi32, #tpu.memory_space<hbm>>
      tpu.wait_dma2 semaphore(%run_scoped3A_116 : memref<!tpu.dma_semaphore, #tpu.memory_space<semaphore_mem>>) src(%dma_wait3A_124 : memref<10000xi32, #tpu.memory_space<hbm>>) dst(%arg7 : memref<10000xi32, #tpu.memory_space<vmem>>)
      tpu.yield
    }) : () -> ()
    %barrier3A = arith.constant 0 : index
    tpu.barrier barrier_id(%barrier3A)
    %dma_start3A = arith.constant 0 : i32
    %dma_start3A_8 = tpu.memref_slice %arg6[%dma_start3A] : memref<10000xi32, #tpu.memory_space<vmem>> -> memref<200xi32, #tpu.memory_space<vmem>>
    %dma_start3A_9 = arith.constant 0 : i32
    %dma_start3A_10 = arith.constant 0 : i32
    %dma_start3A_11 = tpu.memref_slice %arg3[%dma_start3A_9, %dma_start3A_10] : memref<10000x64xf32, #tpu.memory_space<hbm>> -> memref<10000x64xf32, #tpu.memory_space<hbm>>
    tpu.enqueue_indirect_dma source(%dma_start3A_11 : memref<10000x64xf32, #tpu.memory_space<hbm>>) target(%arg8 : memref<200x64xf32, #tpu.memory_space<vmem>>) offsets(%dma_start3A_8 : memref<200xi32, #tpu.memory_space<vmem>>) semaphore(%arg13 : memref<!tpu.dma_semaphore, #tpu.memory_space<semaphore_mem>>)
    %dma_start3A_12 = arith.constant 200 : i32
    %dma_start3A_13 = tpu.memref_slice %arg6[%dma_start3A_12] : memref<10000xi32, #tpu.memory_space<vmem>> -> memref<200xi32, #tpu.memory_space<vmem>>
    %dma_start3A_14 = arith.constant 0 : i32
    %dma_start3A_15 = arith.constant 0 : i32
    %dma_start3A_16 = tpu.memref_slice %arg3[%dma_start3A_14, %dma_start3A_15] : memref<10000x64xf32, #tpu.memory_space<hbm>> -> memref<10000x64xf32, #tpu.memory_space<hbm>>
    tpu.enqueue_indirect_dma source(%dma_start3A_16 : memref<10000x64xf32, #tpu.memory_space<hbm>>) target(%arg9 : memref<200x64xf32, #tpu.memory_space<vmem>>) offsets(%dma_start3A_13 : memref<200xi32, #tpu.memory_space<vmem>>) semaphore(%arg14 : memref<!tpu.dma_semaphore, #tpu.memory_space<semaphore_mem>>)
    %dma_start3A_17 = arith.constant 400 : i32
    %dma_start3A_18 = tpu.memref_slice %arg6[%dma_start3A_17] : memref<10000xi32, #tpu.memory_space<vmem>> -> memref<200xi32, #tpu.memory_space<vmem>>
    %dma_start3A_19 = arith.constant 0 : i32
    %dma_start3A_20 = arith.constant 0 : i32
    %dma_start3A_21 = tpu.memref_slice %arg3[%dma_start3A_19, %dma_start3A_20] : memref<10000x64xf32, #tpu.memory_space<hbm>> -> memref<10000x64xf32, #tpu.memory_space<hbm>>
    tpu.enqueue_indirect_dma source(%dma_start3A_21 : memref<10000x64xf32, #tpu.memory_space<hbm>>) target(%arg10 : memref<200x64xf32, #tpu.memory_space<vmem>>) offsets(%dma_start3A_18 : memref<200xi32, #tpu.memory_space<vmem>>) semaphore(%arg15 : memref<!tpu.dma_semaphore, #tpu.memory_space<semaphore_mem>>)
    %dma_start3A_22 = arith.constant 600 : i32
    %dma_start3A_23 = tpu.memref_slice %arg6[%dma_start3A_22] : memref<10000xi32, #tpu.memory_space<vmem>> -> memref<200xi32, #tpu.memory_space<vmem>>
    %dma_start3A_24 = arith.constant 0 : i32
    %dma_start3A_25 = arith.constant 0 : i32
    %dma_start3A_26 = tpu.memref_slice %arg3[%dma_start3A_24, %dma_start3A_25] : memref<10000x64xf32, #tpu.memory_space<hbm>> -> memref<10000x64xf32, #tpu.memory_space<hbm>>
    tpu.enqueue_indirect_dma source(%dma_start3A_26 : memref<10000x64xf32, #tpu.memory_space<hbm>>) target(%arg11 : memref<200x64xf32, #tpu.memory_space<vmem>>) offsets(%dma_start3A_23 : memref<200xi32, #tpu.memory_space<vmem>>) semaphore(%arg16 : memref<!tpu.dma_semaphore, #tpu.memory_space<semaphore_mem>>)
    %dma_start3A_27 = arith.constant 800 : i32
    %dma_start3A_28 = tpu.memref_slice %arg6[%dma_start3A_27] : memref<10000xi32, #tpu.memory_space<vmem>> -> memref<200xi32, #tpu.memory_space<vmem>>
    %dma_start3A_29 = arith.constant 0 : i32
    %dma_start3A_30 = arith.constant 0 : i32
    %dma_start3A_31 = tpu.memref_slice %arg3[%dma_start3A_29, %dma_start3A_30] : memref<10000x64xf32, #tpu.memory_space<hbm>> -> memref<10000x64xf32, #tpu.memory_space<hbm>>
    tpu.enqueue_indirect_dma source(%dma_start3A_31 : memref<10000x64xf32, #tpu.memory_space<hbm>>) target(%arg12 : memref<200x64xf32, #tpu.memory_space<vmem>>) offsets(%dma_start3A_28 : memref<200xi32, #tpu.memory_space<vmem>>) semaphore(%arg17 : memref<!tpu.dma_semaphore, #tpu.memory_space<semaphore_mem>>)
    %scan3A = arith.constant 0 : i32
    %scan3A_32 = arith.constant 0 : i32
    %scan3A_33 = arith.constant 9 : i32
    %scan3A_34 = arith.addi %scan3A_32, %scan3A_33 : i32
    %scan3A_35 = arith.constant 1 : i32
    scf.for %scan3A_116 = %scan3A_32 to %scan3A_34 step %scan3A_35  : i32 {
      %mul3A_117 = arith.constant 5 : i32
      %mul3A_118 = arith.muli %mul3A_117, %scan3A_116 : i32
      %dma_wait3A_119 = arith.constant 0 : i32
      %dma_wait3A_120 = tpu.memref_slice %arg6[%dma_wait3A_119] : memref<10000xi32, #tpu.memory_space<vmem>> -> memref<200xi32, #tpu.memory_space<vmem>>
      %dma_wait3A_121 = arith.constant 0 : i32
      %dma_wait3A_122 = arith.constant 0 : i32
      %dma_wait3A_123 = tpu.memref_slice %arg3[%dma_wait3A_121, %dma_wait3A_122] : memref<10000x64xf32, #tpu.memory_space<hbm>> -> memref<10000x64xf32, #tpu.memory_space<hbm>>
      tpu.wait_indirect_dma semaphore(%arg13 : memref<!tpu.dma_semaphore, #tpu.memory_space<semaphore_mem>>) src(%dma_wait3A_123 : memref<10000x64xf32, #tpu.memory_space<hbm>>) dst(%arg8 : memref<200x64xf32, #tpu.memory_space<vmem>>)
      %add3A_124 = arith.constant 0 : i32
      %add3A_125 = arith.addi %mul3A_118, %add3A_124 : i32
      %mul3A_126 = arith.constant 200 : i32
      %mul3A_127 = arith.muli %add3A_125, %mul3A_126 : i32
      %dma_start3A_128 = tpu.memref_slice %arg7[%mul3A_127] : memref<10000xi32, #tpu.memory_space<vmem>> -> memref<200xi32, #tpu.memory_space<vmem>>
      %dma_start3A_129 = arith.constant 0 : i32
      %dma_start3A_130 = arith.constant 0 : i32
      %dma_start3A_131 = tpu.memref_slice %arg23[%dma_start3A_129, %dma_start3A_130] : memref<10240x64xf32, #tpu.memory_space<vmem_shared>> -> memref<10240x64xf32, #tpu.memory_space<vmem_shared>>
      tpu.enqueue_indirect_dma source(%arg8 : memref<200x64xf32, #tpu.memory_space<vmem>>) target(%dma_start3A_131 : memref<10240x64xf32, #tpu.memory_space<vmem_shared>>) offsets(%dma_start3A_128 : memref<200xi32, #tpu.memory_space<vmem>>) semaphore(%arg18 : memref<!tpu.dma_semaphore, #tpu.memory_space<semaphore_mem>>) {add = true}
      %dma_wait3A_132 = arith.constant 0 : i32
      %dma_wait3A_133 = tpu.memref_slice %arg6[%dma_wait3A_132] : memref<10000xi32, #tpu.memory_space<vmem>> -> memref<200xi32, #tpu.memory_space<vmem>>
      %dma_wait3A_134 = arith.constant 0 : i32
      %dma_wait3A_135 = arith.constant 0 : i32
      %dma_wait3A_136 = tpu.memref_slice %arg3[%dma_wait3A_134, %dma_wait3A_135] : memref<10000x64xf32, #tpu.memory_space<hbm>> -> memref<10000x64xf32, #tpu.memory_space<hbm>>
      tpu.wait_indirect_dma semaphore(%arg14 : memref<!tpu.dma_semaphore, #tpu.memory_space<semaphore_mem>>) src(%dma_wait3A_136 : memref<10000x64xf32, #tpu.memory_space<hbm>>) dst(%arg9 : memref<200x64xf32, #tpu.memory_space<vmem>>)
      %add3A_137 = arith.constant 1 : i32
      %add3A_138 = arith.addi %mul3A_118, %add3A_137 : i32
      %mul3A_139 = arith.constant 200 : i32
      %mul3A_140 = arith.muli %add3A_138, %mul3A_139 : i32
      %dma_start3A_141 = tpu.memref_slice %arg7[%mul3A_140] : memref<10000xi32, #tpu.memory_space<vmem>> -> memref<200xi32, #tpu.memory_space<vmem>>
      %dma_start3A_142 = arith.constant 0 : i32
      %dma_start3A_143 = arith.constant 0 : i32
      %dma_start3A_144 = tpu.memref_slice %arg23[%dma_start3A_142, %dma_start3A_143] : memref<10240x64xf32, #tpu.memory_space<vmem_shared>> -> memref<10240x64xf32, #tpu.memory_space<vmem_shared>>
      tpu.enqueue_indirect_dma source(%arg9 : memref<200x64xf32, #tpu.memory_space<vmem>>) target(%dma_start3A_144 : memref<10240x64xf32, #tpu.memory_space<vmem_shared>>) offsets(%dma_start3A_141 : memref<200xi32, #tpu.memory_space<vmem>>) semaphore(%arg19 : memref<!tpu.dma_semaphore, #tpu.memory_space<semaphore_mem>>) {add = true}
      %dma_wait3A_145 = arith.constant 0 : i32
      %dma_wait3A_146 = tpu.memref_slice %arg6[%dma_wait3A_145] : memref<10000xi32, #tpu.memory_space<vmem>> -> memref<200xi32, #tpu.memory_space<vmem>>
      %dma_wait3A_147 = arith.constant 0 : i32
      %dma_wait3A_148 = arith.constant 0 : i32
      %dma_wait3A_149 = tpu.memref_slice %arg3[%dma_wait3A_147, %dma_wait3A_148] : memref<10000x64xf32, #tpu.memory_space<hbm>> -> memref<10000x64xf32, #tpu.memory_space<hbm>>
      tpu.wait_indirect_dma semaphore(%arg15 : memref<!tpu.dma_semaphore, #tpu.memory_space<semaphore_mem>>) src(%dma_wait3A_149 : memref<10000x64xf32, #tpu.memory_space<hbm>>) dst(%arg10 : memref<200x64xf32, #tpu.memory_space<vmem>>)
      %add3A_150 = arith.constant 2 : i32
      %add3A_151 = arith.addi %mul3A_118, %add3A_150 : i32
      %mul3A_152 = arith.constant 200 : i32
      %mul3A_153 = arith.muli %add3A_151, %mul3A_152 : i32
      %dma_start3A_154 = tpu.memref_slice %arg7[%mul3A_153] : memref<10000xi32, #tpu.memory_space<vmem>> -> memref<200xi32, #tpu.memory_space<vmem>>
      %dma_start3A_155 = arith.constant 0 : i32
      %dma_start3A_156 = arith.constant 0 : i32
      %dma_start3A_157 = tpu.memref_slice %arg23[%dma_start3A_155, %dma_start3A_156] : memref<10240x64xf32, #tpu.memory_space<vmem_shared>> -> memref<10240x64xf32, #tpu.memory_space<vmem_shared>>
      tpu.enqueue_indirect_dma source(%arg10 : memref<200x64xf32, #tpu.memory_space<vmem>>) target(%dma_start3A_157 : memref<10240x64xf32, #tpu.memory_space<vmem_shared>>) offsets(%dma_start3A_154 : memref<200xi32, #tpu.memory_space<vmem>>) semaphore(%arg20 : memref<!tpu.dma_semaphore, #tpu.memory_space<semaphore_mem>>) {add = true}
      %dma_wait3A_158 = arith.constant 0 : i32
      %dma_wait3A_159 = tpu.memref_slice %arg6[%dma_wait3A_158] : memref<10000xi32, #tpu.memory_space<vmem>> -> memref<200xi32, #tpu.memory_space<vmem>>
      %dma_wait3A_160 = arith.constant 0 : i32
      %dma_wait3A_161 = arith.constant 0 : i32
      %dma_wait3A_162 = tpu.memref_slice %arg3[%dma_wait3A_160, %dma_wait3A_161] : memref<10000x64xf32, #tpu.memory_space<hbm>> -> memref<10000x64xf32, #tpu.memory_space<hbm>>
      tpu.wait_indirect_dma semaphore(%arg16 : memref<!tpu.dma_semaphore, #tpu.memory_space<semaphore_mem>>) src(%dma_wait3A_162 : memref<10000x64xf32, #tpu.memory_space<hbm>>) dst(%arg11 : memref<200x64xf32, #tpu.memory_space<vmem>>)
      %add3A_163 = arith.constant 3 : i32
      %add3A_164 = arith.addi %mul3A_118, %add3A_163 : i32
      %mul3A_165 = arith.constant 200 : i32
      %mul3A_166 = arith.muli %add3A_164, %mul3A_165 : i32
      %dma_start3A_167 = tpu.memref_slice %arg7[%mul3A_166] : memref<10000xi32, #tpu.memory_space<vmem>> -> memref<200xi32, #tpu.memory_space<vmem>>
      %dma_start3A_168 = arith.constant 0 : i32
      %dma_start3A_169 = arith.constant 0 : i32
      %dma_start3A_170 = tpu.memref_slice %arg23[%dma_start3A_168, %dma_start3A_169] : memref<10240x64xf32, #tpu.memory_space<vmem_shared>> -> memref<10240x64xf32, #tpu.memory_space<vmem_shared>>
      tpu.enqueue_indirect_dma source(%arg11 : memref<200x64xf32, #tpu.memory_space<vmem>>) target(%dma_start3A_170 : memref<10240x64xf32, #tpu.memory_space<vmem_shared>>) offsets(%dma_start3A_167 : memref<200xi32, #tpu.memory_space<vmem>>) semaphore(%arg21 : memref<!tpu.dma_semaphore, #tpu.memory_space<semaphore_mem>>) {add = true}
      %dma_wait3A_171 = arith.constant 0 : i32
      %dma_wait3A_172 = tpu.memref_slice %arg6[%dma_wait3A_171] : memref<10000xi32, #tpu.memory_space<vmem>> -> memref<200xi32, #tpu.memory_space<vmem>>
      %dma_wait3A_173 = arith.constant 0 : i32
      %dma_wait3A_174 = arith.constant 0 : i32
      %dma_wait3A_175 = tpu.memref_slice %arg3[%dma_wait3A_173, %dma_wait3A_174] : memref<10000x64xf32, #tpu.memory_space<hbm>> -> memref<10000x64xf32, #tpu.memory_space<hbm>>
      tpu.wait_indirect_dma semaphore(%arg17 : memref<!tpu.dma_semaphore, #tpu.memory_space<semaphore_mem>>) src(%dma_wait3A_175 : memref<10000x64xf32, #tpu.memory_space<hbm>>) dst(%arg12 : memref<200x64xf32, #tpu.memory_space<vmem>>)
      %add3A_176 = arith.constant 4 : i32
      %add3A_177 = arith.addi %mul3A_118, %add3A_176 : i32
      %mul3A_178 = arith.constant 200 : i32
      %mul3A_179 = arith.muli %add3A_177, %mul3A_178 : i32
      %dma_start3A_180 = tpu.memref_slice %arg7[%mul3A_179] : memref<10000xi32, #tpu.memory_space<vmem>> -> memref<200xi32, #tpu.memory_space<vmem>>
      %dma_start3A_181 = arith.constant 0 : i32
      %dma_start3A_182 = arith.constant 0 : i32
      %dma_start3A_183 = tpu.memref_slice %arg23[%dma_start3A_181, %dma_start3A_182] : memref<10240x64xf32, #tpu.memory_space<vmem_shared>> -> memref<10240x64xf32, #tpu.memory_space<vmem_shared>>
      tpu.enqueue_indirect_dma source(%arg12 : memref<200x64xf32, #tpu.memory_space<vmem>>) target(%dma_start3A_183 : memref<10240x64xf32, #tpu.memory_space<vmem_shared>>) offsets(%dma_start3A_180 : memref<200xi32, #tpu.memory_space<vmem>>) semaphore(%arg22 : memref<!tpu.dma_semaphore, #tpu.memory_space<semaphore_mem>>) {add = true}
      %dma_wait3A_184 = arith.constant 0 : i32
      %dma_wait3A_185 = tpu.memref_slice %arg7[%dma_wait3A_184] : memref<10000xi32, #tpu.memory_space<vmem>> -> memref<200xi32, #tpu.memory_space<vmem>>
      %dma_wait3A_186 = arith.constant 0 : i32
      %dma_wait3A_187 = arith.constant 0 : i32
      %dma_wait3A_188 = tpu.memref_slice %arg23[%dma_wait3A_186, %dma_wait3A_187] : memref<10240x64xf32, #tpu.memory_space<vmem_shared>> -> memref<10240x64xf32, #tpu.memory_space<vmem_shared>>
      tpu.wait_indirect_dma semaphore(%arg18 : memref<!tpu.dma_semaphore, #tpu.memory_space<semaphore_mem>>) src(%arg8 : memref<200x64xf32, #tpu.memory_space<vmem>>) dst(%dma_wait3A_188 : memref<10240x64xf32, #tpu.memory_space<vmem_shared>>)
      %add3A_189 = arith.constant 5 : i32
      %add3A_190 = arith.addi %mul3A_118, %add3A_189 : i32
      %add3A_191 = arith.constant 0 : i32
      %add3A_192 = arith.addi %add3A_190, %add3A_191 : i32
      %lt3A = arith.constant 50 : i32
      %lt3A_193 = arith.cmpi slt, %add3A_192, %lt3A : i32
      %convert_element_type3A = arith.extui %lt3A_193 : i1 to i32
      %cond3A = arith.constant 0 : i32
      %cond3A_194 = arith.cmpi ne, %convert_element_type3A, %cond3A : i32
      scf.if %cond3A_194 {
        %mul3A_251 = arith.constant 200 : i32
        %mul3A_252 = arith.muli %add3A_192, %mul3A_251 : i32
        %dma_start3A_253 = tpu.memref_slice %arg6[%mul3A_252] : memref<10000xi32, #tpu.memory_space<vmem>> -> memref<200xi32, #tpu.memory_space<vmem>>
        %dma_start3A_254 = arith.constant 0 : i32
        %dma_start3A_255 = arith.constant 0 : i32
        %dma_start3A_256 = tpu.memref_slice %arg3[%dma_start3A_254, %dma_start3A_255] : memref<10000x64xf32, #tpu.memory_space<hbm>> -> memref<10000x64xf32, #tpu.memory_space<hbm>>
        tpu.enqueue_indirect_dma source(%dma_start3A_256 : memref<10000x64xf32, #tpu.memory_space<hbm>>) target(%arg8 : memref<200x64xf32, #tpu.memory_space<vmem>>) offsets(%dma_start3A_253 : memref<200xi32, #tpu.memory_space<vmem>>) semaphore(%arg13 : memref<!tpu.dma_semaphore, #tpu.memory_space<semaphore_mem>>)
      } else {
      }
      %dma_wait3A_195 = arith.constant 0 : i32
      %dma_wait3A_196 = tpu.memref_slice %arg7[%dma_wait3A_195] : memref<10000xi32, #tpu.memory_space<vmem>> -> memref<200xi32, #tpu.memory_space<vmem>>
      %dma_wait3A_197 = arith.constant 0 : i32
      %dma_wait3A_198 = arith.constant 0 : i32
      %dma_wait3A_199 = tpu.memref_slice %arg23[%dma_wait3A_197, %dma_wait3A_198] : memref<10240x64xf32, #tpu.memory_space<vmem_shared>> -> memref<10240x64xf32, #tpu.memory_space<vmem_shared>>
      tpu.wait_indirect_dma semaphore(%arg19 : memref<!tpu.dma_semaphore, #tpu.memory_space<semaphore_mem>>) src(%arg9 : memref<200x64xf32, #tpu.memory_space<vmem>>) dst(%dma_wait3A_199 : memref<10240x64xf32, #tpu.memory_space<vmem_shared>>)
      %add3A_200 = arith.constant 5 : i32
      %add3A_201 = arith.addi %mul3A_118, %add3A_200 : i32
      %add3A_202 = arith.constant 1 : i32
      %add3A_203 = arith.addi %add3A_201, %add3A_202 : i32
      %lt3A_204 = arith.constant 50 : i32
      %lt3A_205 = arith.cmpi slt, %add3A_203, %lt3A_204 : i32
      %convert_element_type3A_206 = arith.extui %lt3A_205 : i1 to i32
      %cond3A_207 = arith.constant 0 : i32
      %cond3A_208 = arith.cmpi ne, %convert_element_type3A_206, %cond3A_207 : i32
      scf.if %cond3A_208 {
        %mul3A_251 = arith.constant 200 : i32
        %mul3A_252 = arith.muli %add3A_203, %mul3A_251 : i32
        %dma_start3A_253 = tpu.memref_slice %arg6[%mul3A_252] : memref<10000xi32, #tpu.memory_space<vmem>> -> memref<200xi32, #tpu.memory_space<vmem>>
        %dma_start3A_254 = arith.constant 0 : i32
        %dma_start3A_255 = arith.constant 0 : i32
        %dma_start3A_256 = tpu.memref_slice %arg3[%dma_start3A_254, %dma_start3A_255] : memref<10000x64xf32, #tpu.memory_space<hbm>> -> memref<10000x64xf32, #tpu.memory_space<hbm>>
        tpu.enqueue_indirect_dma source(%dma_start3A_256 : memref<10000x64xf32, #tpu.memory_space<hbm>>) target(%arg9 : memref<200x64xf32, #tpu.memory_space<vmem>>) offsets(%dma_start3A_253 : memref<200xi32, #tpu.memory_space<vmem>>) semaphore(%arg14 : memref<!tpu.dma_semaphore, #tpu.memory_space<semaphore_mem>>)
      } else {
      }
      %dma_wait3A_209 = arith.constant 0 : i32
      %dma_wait3A_210 = tpu.memref_slice %arg7[%dma_wait3A_209] : memref<10000xi32, #tpu.memory_space<vmem>> -> memref<200xi32, #tpu.memory_space<vmem>>
      %dma_wait3A_211 = arith.constant 0 : i32
      %dma_wait3A_212 = arith.constant 0 : i32
      %dma_wait3A_213 = tpu.memref_slice %arg23[%dma_wait3A_211, %dma_wait3A_212] : memref<10240x64xf32, #tpu.memory_space<vmem_shared>> -> memref<10240x64xf32, #tpu.memory_space<vmem_shared>>
      tpu.wait_indirect_dma semaphore(%arg20 : memref<!tpu.dma_semaphore, #tpu.memory_space<semaphore_mem>>) src(%arg10 : memref<200x64xf32, #tpu.memory_space<vmem>>) dst(%dma_wait3A_213 : memref<10240x64xf32, #tpu.memory_space<vmem_shared>>)
      %add3A_214 = arith.constant 5 : i32
      %add3A_215 = arith.addi %mul3A_118, %add3A_214 : i32
      %add3A_216 = arith.constant 2 : i32
      %add3A_217 = arith.addi %add3A_215, %add3A_216 : i32
      %lt3A_218 = arith.constant 50 : i32
      %lt3A_219 = arith.cmpi slt, %add3A_217, %lt3A_218 : i32
      %convert_element_type3A_220 = arith.extui %lt3A_219 : i1 to i32
      %cond3A_221 = arith.constant 0 : i32
      %cond3A_222 = arith.cmpi ne, %convert_element_type3A_220, %cond3A_221 : i32
      scf.if %cond3A_222 {
        %mul3A_251 = arith.constant 200 : i32
        %mul3A_252 = arith.muli %add3A_217, %mul3A_251 : i32
        %dma_start3A_253 = tpu.memref_slice %arg6[%mul3A_252] : memref<10000xi32, #tpu.memory_space<vmem>> -> memref<200xi32, #tpu.memory_space<vmem>>
        %dma_start3A_254 = arith.constant 0 : i32
        %dma_start3A_255 = arith.constant 0 : i32
        %dma_start3A_256 = tpu.memref_slice %arg3[%dma_start3A_254, %dma_start3A_255] : memref<10000x64xf32, #tpu.memory_space<hbm>> -> memref<10000x64xf32, #tpu.memory_space<hbm>>
        tpu.enqueue_indirect_dma source(%dma_start3A_256 : memref<10000x64xf32, #tpu.memory_space<hbm>>) target(%arg10 : memref<200x64xf32, #tpu.memory_space<vmem>>) offsets(%dma_start3A_253 : memref<200xi32, #tpu.memory_space<vmem>>) semaphore(%arg15 : memref<!tpu.dma_semaphore, #tpu.memory_space<semaphore_mem>>)
      } else {
      }
      %dma_wait3A_223 = arith.constant 0 : i32
      %dma_wait3A_224 = tpu.memref_slice %arg7[%dma_wait3A_223] : memref<10000xi32, #tpu.memory_space<vmem>> -> memref<200xi32, #tpu.memory_space<vmem>>
      %dma_wait3A_225 = arith.constant 0 : i32
      %dma_wait3A_226 = arith.constant 0 : i32
      %dma_wait3A_227 = tpu.memref_slice %arg23[%dma_wait3A_225, %dma_wait3A_226] : memref<10240x64xf32, #tpu.memory_space<vmem_shared>> -> memref<10240x64xf32, #tpu.memory_space<vmem_shared>>
      tpu.wait_indirect_dma semaphore(%arg21 : memref<!tpu.dma_semaphore, #tpu.memory_space<semaphore_mem>>) src(%arg11 : memref<200x64xf32, #tpu.memory_space<vmem>>) dst(%dma_wait3A_227 : memref<10240x64xf32, #tpu.memory_space<vmem_shared>>)
      %add3A_228 = arith.constant 5 : i32
      %add3A_229 = arith.addi %mul3A_118, %add3A_228 : i32
      %add3A_230 = arith.constant 3 : i32
      %add3A_231 = arith.addi %add3A_229, %add3A_230 : i32
      %lt3A_232 = arith.constant 50 : i32
      %lt3A_233 = arith.cmpi slt, %add3A_231, %lt3A_232 : i32
      %convert_element_type3A_234 = arith.extui %lt3A_233 : i1 to i32
      %cond3A_235 = arith.constant 0 : i32
      %cond3A_236 = arith.cmpi ne, %convert_element_type3A_234, %cond3A_235 : i32
      scf.if %cond3A_236 {
        %mul3A_251 = arith.constant 200 : i32
        %mul3A_252 = arith.muli %add3A_231, %mul3A_251 : i32
        %dma_start3A_253 = tpu.memref_slice %arg6[%mul3A_252] : memref<10000xi32, #tpu.memory_space<vmem>> -> memref<200xi32, #tpu.memory_space<vmem>>
        %dma_start3A_254 = arith.constant 0 : i32
        %dma_start3A_255 = arith.constant 0 : i32
        %dma_start3A_256 = tpu.memref_slice %arg3[%dma_start3A_254, %dma_start3A_255] : memref<10000x64xf32, #tpu.memory_space<hbm>> -> memref<10000x64xf32, #tpu.memory_space<hbm>>
        tpu.enqueue_indirect_dma source(%dma_start3A_256 : memref<10000x64xf32, #tpu.memory_space<hbm>>) target(%arg11 : memref<200x64xf32, #tpu.memory_space<vmem>>) offsets(%dma_start3A_253 : memref<200xi32, #tpu.memory_space<vmem>>) semaphore(%arg16 : memref<!tpu.dma_semaphore, #tpu.memory_space<semaphore_mem>>)
      } else {
      }
      %dma_wait3A_237 = arith.constant 0 : i32
      %dma_wait3A_238 = tpu.memref_slice %arg7[%dma_wait3A_237] : memref<10000xi32, #tpu.memory_space<vmem>> -> memref<200xi32, #tpu.memory_space<vmem>>
      %dma_wait3A_239 = arith.constant 0 : i32
      %dma_wait3A_240 = arith.constant 0 : i32
      %dma_wait3A_241 = tpu.memref_slice %arg23[%dma_wait3A_239, %dma_wait3A_240] : memref<10240x64xf32, #tpu.memory_space<vmem_shared>> -> memref<10240x64xf32, #tpu.memory_space<vmem_shared>>
      tpu.wait_indirect_dma semaphore(%arg22 : memref<!tpu.dma_semaphore, #tpu.memory_space<semaphore_mem>>) src(%arg12 : memref<200x64xf32, #tpu.memory_space<vmem>>) dst(%dma_wait3A_241 : memref<10240x64xf32, #tpu.memory_space<vmem_shared>>)
      %add3A_242 = arith.constant 5 : i32
      %add3A_243 = arith.addi %mul3A_118, %add3A_242 : i32
      %add3A_244 = arith.constant 4 : i32
      %add3A_245 = arith.addi %add3A_243, %add3A_244 : i32
      %lt3A_246 = arith.constant 50 : i32
      %lt3A_247 = arith.cmpi slt, %add3A_245, %lt3A_246 : i32
      %convert_element_type3A_248 = arith.extui %lt3A_247 : i1 to i32
      %cond3A_249 = arith.constant 0 : i32
      %cond3A_250 = arith.cmpi ne, %convert_element_type3A_248, %cond3A_249 : i32
      scf.if %cond3A_250 {
        %mul3A_251 = arith.constant 200 : i32
        %mul3A_252 = arith.muli %add3A_245, %mul3A_251 : i32
        %dma_start3A_253 = tpu.memref_slice %arg6[%mul3A_252] : memref<10000xi32, #tpu.memory_space<vmem>> -> memref<200xi32, #tpu.memory_space<vmem>>
        %dma_start3A_254 = arith.constant 0 : i32
        %dma_start3A_255 = arith.constant 0 : i32
        %dma_start3A_256 = tpu.memref_slice %arg3[%dma_start3A_254, %dma_start3A_255] : memref<10000x64xf32, #tpu.memory_space<hbm>> -> memref<10000x64xf32, #tpu.memory_space<hbm>>
        tpu.enqueue_indirect_dma source(%dma_start3A_256 : memref<10000x64xf32, #tpu.memory_space<hbm>>) target(%arg12 : memref<200x64xf32, #tpu.memory_space<vmem>>) offsets(%dma_start3A_253 : memref<200xi32, #tpu.memory_space<vmem>>) semaphore(%arg17 : memref<!tpu.dma_semaphore, #tpu.memory_space<semaphore_mem>>)
      } else {
      }
    }
    %scan3A_36 = arith.constant 9 : i32
    %dma_wait3A = arith.constant 0 : i32
    %dma_wait3A_37 = tpu.memref_slice %arg6[%dma_wait3A] : memref<10000xi32, #tpu.memory_space<vmem>> -> memref<200xi32, #tpu.memory_space<vmem>>
    %dma_wait3A_38 = arith.constant 0 : i32
    %dma_wait3A_39 = arith.constant 0 : i32
    %dma_wait3A_40 = tpu.memref_slice %arg3[%dma_wait3A_38, %dma_wait3A_39] : memref<10000x64xf32, #tpu.memory_space<hbm>> -> memref<10000x64xf32, #tpu.memory_space<hbm>>
    tpu.wait_indirect_dma semaphore(%arg13 : memref<!tpu.dma_semaphore, #tpu.memory_space<semaphore_mem>>) src(%dma_wait3A_40 : memref<10000x64xf32, #tpu.memory_space<hbm>>) dst(%arg8 : memref<200x64xf32, #tpu.memory_space<vmem>>)
    %dma_start3A_41 = arith.constant 9000 : i32
    %dma_start3A_42 = tpu.memref_slice %arg7[%dma_start3A_41] : memref<10000xi32, #tpu.memory_space<vmem>> -> memref<200xi32, #tpu.memory_space<vmem>>
    %dma_start3A_43 = arith.constant 0 : i32
    %dma_start3A_44 = arith.constant 0 : i32
    %dma_start3A_45 = tpu.memref_slice %arg23[%dma_start3A_43, %dma_start3A_44] : memref<10240x64xf32, #tpu.memory_space<vmem_shared>> -> memref<10240x64xf32, #tpu.memory_space<vmem_shared>>
    tpu.enqueue_indirect_dma source(%arg8 : memref<200x64xf32, #tpu.memory_space<vmem>>) target(%dma_start3A_45 : memref<10240x64xf32, #tpu.memory_space<vmem_shared>>) offsets(%dma_start3A_42 : memref<200xi32, #tpu.memory_space<vmem>>) semaphore(%arg18 : memref<!tpu.dma_semaphore, #tpu.memory_space<semaphore_mem>>) {add = true}
    %dma_wait3A_46 = arith.constant 0 : i32
    %dma_wait3A_47 = tpu.memref_slice %arg6[%dma_wait3A_46] : memref<10000xi32, #tpu.memory_space<vmem>> -> memref<200xi32, #tpu.memory_space<vmem>>
    %dma_wait3A_48 = arith.constant 0 : i32
    %dma_wait3A_49 = arith.constant 0 : i32
    %dma_wait3A_50 = tpu.memref_slice %arg3[%dma_wait3A_48, %dma_wait3A_49] : memref<10000x64xf32, #tpu.memory_space<hbm>> -> memref<10000x64xf32, #tpu.memory_space<hbm>>
    tpu.wait_indirect_dma semaphore(%arg14 : memref<!tpu.dma_semaphore, #tpu.memory_space<semaphore_mem>>) src(%dma_wait3A_50 : memref<10000x64xf32, #tpu.memory_space<hbm>>) dst(%arg9 : memref<200x64xf32, #tpu.memory_space<vmem>>)
    %dma_start3A_51 = arith.constant 9200 : i32
    %dma_start3A_52 = tpu.memref_slice %arg7[%dma_start3A_51] : memref<10000xi32, #tpu.memory_space<vmem>> -> memref<200xi32, #tpu.memory_space<vmem>>
    %dma_start3A_53 = arith.constant 0 : i32
    %dma_start3A_54 = arith.constant 0 : i32
    %dma_start3A_55 = tpu.memref_slice %arg23[%dma_start3A_53, %dma_start3A_54] : memref<10240x64xf32, #tpu.memory_space<vmem_shared>> -> memref<10240x64xf32, #tpu.memory_space<vmem_shared>>
    tpu.enqueue_indirect_dma source(%arg9 : memref<200x64xf32, #tpu.memory_space<vmem>>) target(%dma_start3A_55 : memref<10240x64xf32, #tpu.memory_space<vmem_shared>>) offsets(%dma_start3A_52 : memref<200xi32, #tpu.memory_space<vmem>>) semaphore(%arg19 : memref<!tpu.dma_semaphore, #tpu.memory_space<semaphore_mem>>) {add = true}
    %dma_wait3A_56 = arith.constant 0 : i32
    %dma_wait3A_57 = tpu.memref_slice %arg6[%dma_wait3A_56] : memref<10000xi32, #tpu.memory_space<vmem>> -> memref<200xi32, #tpu.memory_space<vmem>>
    %dma_wait3A_58 = arith.constant 0 : i32
    %dma_wait3A_59 = arith.constant 0 : i32
    %dma_wait3A_60 = tpu.memref_slice %arg3[%dma_wait3A_58, %dma_wait3A_59] : memref<10000x64xf32, #tpu.memory_space<hbm>> -> memref<10000x64xf32, #tpu.memory_space<hbm>>
    tpu.wait_indirect_dma semaphore(%arg15 : memref<!tpu.dma_semaphore, #tpu.memory_space<semaphore_mem>>) src(%dma_wait3A_60 : memref<10000x64xf32, #tpu.memory_space<hbm>>) dst(%arg10 : memref<200x64xf32, #tpu.memory_space<vmem>>)
    %dma_start3A_61 = arith.constant 9400 : i32
    %dma_start3A_62 = tpu.memref_slice %arg7[%dma_start3A_61] : memref<10000xi32, #tpu.memory_space<vmem>> -> memref<200xi32, #tpu.memory_space<vmem>>
    %dma_start3A_63 = arith.constant 0 : i32
    %dma_start3A_64 = arith.constant 0 : i32
    %dma_start3A_65 = tpu.memref_slice %arg23[%dma_start3A_63, %dma_start3A_64] : memref<10240x64xf32, #tpu.memory_space<vmem_shared>> -> memref<10240x64xf32, #tpu.memory_space<vmem_shared>>
    tpu.enqueue_indirect_dma source(%arg10 : memref<200x64xf32, #tpu.memory_space<vmem>>) target(%dma_start3A_65 : memref<10240x64xf32, #tpu.memory_space<vmem_shared>>) offsets(%dma_start3A_62 : memref<200xi32, #tpu.memory_space<vmem>>) semaphore(%arg20 : memref<!tpu.dma_semaphore, #tpu.memory_space<semaphore_mem>>) {add = true}
    %dma_wait3A_66 = arith.constant 0 : i32
    %dma_wait3A_67 = tpu.memref_slice %arg6[%dma_wait3A_66] : memref<10000xi32, #tpu.memory_space<vmem>> -> memref<200xi32, #tpu.memory_space<vmem>>
    %dma_wait3A_68 = arith.constant 0 : i32
    %dma_wait3A_69 = arith.constant 0 : i32
    %dma_wait3A_70 = tpu.memref_slice %arg3[%dma_wait3A_68, %dma_wait3A_69] : memref<10000x64xf32, #tpu.memory_space<hbm>> -> memref<10000x64xf32, #tpu.memory_space<hbm>>
    tpu.wait_indirect_dma semaphore(%arg16 : memref<!tpu.dma_semaphore, #tpu.memory_space<semaphore_mem>>) src(%dma_wait3A_70 : memref<10000x64xf32, #tpu.memory_space<hbm>>) dst(%arg11 : memref<200x64xf32, #tpu.memory_space<vmem>>)
    %dma_start3A_71 = arith.constant 9600 : i32
    %dma_start3A_72 = tpu.memref_slice %arg7[%dma_start3A_71] : memref<10000xi32, #tpu.memory_space<vmem>> -> memref<200xi32, #tpu.memory_space<vmem>>
    %dma_start3A_73 = arith.constant 0 : i32
    %dma_start3A_74 = arith.constant 0 : i32
    %dma_start3A_75 = tpu.memref_slice %arg23[%dma_start3A_73, %dma_start3A_74] : memref<10240x64xf32, #tpu.memory_space<vmem_shared>> -> memref<10240x64xf32, #tpu.memory_space<vmem_shared>>
    tpu.enqueue_indirect_dma source(%arg11 : memref<200x64xf32, #tpu.memory_space<vmem>>) target(%dma_start3A_75 : memref<10240x64xf32, #tpu.memory_space<vmem_shared>>) offsets(%dma_start3A_72 : memref<200xi32, #tpu.memory_space<vmem>>) semaphore(%arg21 : memref<!tpu.dma_semaphore, #tpu.memory_space<semaphore_mem>>) {add = true}
    %dma_wait3A_76 = arith.constant 0 : i32
    %dma_wait3A_77 = tpu.memref_slice %arg6[%dma_wait3A_76] : memref<10000xi32, #tpu.memory_space<vmem>> -> memref<200xi32, #tpu.memory_space<vmem>>
    %dma_wait3A_78 = arith.constant 0 : i32
    %dma_wait3A_79 = arith.constant 0 : i32
    %dma_wait3A_80 = tpu.memref_slice %arg3[%dma_wait3A_78, %dma_wait3A_79] : memref<10000x64xf32, #tpu.memory_space<hbm>> -> memref<10000x64xf32, #tpu.memory_space<hbm>>
    tpu.wait_indirect_dma semaphore(%arg17 : memref<!tpu.dma_semaphore, #tpu.memory_space<semaphore_mem>>) src(%dma_wait3A_80 : memref<10000x64xf32, #tpu.memory_space<hbm>>) dst(%arg12 : memref<200x64xf32, #tpu.memory_space<vmem>>)
    %dma_start3A_81 = arith.constant 9800 : i32
    %dma_start3A_82 = tpu.memref_slice %arg7[%dma_start3A_81] : memref<10000xi32, #tpu.memory_space<vmem>> -> memref<200xi32, #tpu.memory_space<vmem>>
    %dma_start3A_83 = arith.constant 0 : i32
    %dma_start3A_84 = arith.constant 0 : i32
    %dma_start3A_85 = tpu.memref_slice %arg23[%dma_start3A_83, %dma_start3A_84] : memref<10240x64xf32, #tpu.memory_space<vmem_shared>> -> memref<10240x64xf32, #tpu.memory_space<vmem_shared>>
    tpu.enqueue_indirect_dma source(%arg12 : memref<200x64xf32, #tpu.memory_space<vmem>>) target(%dma_start3A_85 : memref<10240x64xf32, #tpu.memory_space<vmem_shared>>) offsets(%dma_start3A_82 : memref<200xi32, #tpu.memory_space<vmem>>) semaphore(%arg22 : memref<!tpu.dma_semaphore, #tpu.memory_space<semaphore_mem>>) {add = true}
    %dma_wait3A_86 = arith.constant 0 : i32
    %dma_wait3A_87 = tpu.memref_slice %arg7[%dma_wait3A_86] : memref<10000xi32, #tpu.memory_space<vmem>> -> memref<200xi32, #tpu.memory_space<vmem>>
    %dma_wait3A_88 = arith.constant 0 : i32
    %dma_wait3A_89 = arith.constant 0 : i32
    %dma_wait3A_90 = tpu.memref_slice %arg23[%dma_wait3A_88, %dma_wait3A_89] : memref<10240x64xf32, #tpu.memory_space<vmem_shared>> -> memref<10240x64xf32, #tpu.memory_space<vmem_shared>>
    tpu.wait_indirect_dma semaphore(%arg18 : memref<!tpu.dma_semaphore, #tpu.memory_space<semaphore_mem>>) src(%arg8 : memref<200x64xf32, #tpu.memory_space<vmem>>) dst(%dma_wait3A_90 : memref<10240x64xf32, #tpu.memory_space<vmem_shared>>)
    %dma_wait3A_91 = arith.constant 0 : i32
    %dma_wait3A_92 = tpu.memref_slice %arg7[%dma_wait3A_91] : memref<10000xi32, #tpu.memory_space<vmem>> -> memref<200xi32, #tpu.memory_space<vmem>>
    %dma_wait3A_93 = arith.constant 0 : i32
    %dma_wait3A_94 = arith.constant 0 : i32
    %dma_wait3A_95 = tpu.memref_slice %arg23[%dma_wait3A_93, %dma_wait3A_94] : memref<10240x64xf32, #tpu.memory_space<vmem_shared>> -> memref<10240x64xf32, #tpu.memory_space<vmem_shared>>
    tpu.wait_indirect_dma semaphore(%arg19 : memref<!tpu.dma_semaphore, #tpu.memory_space<semaphore_mem>>) src(%arg9 : memref<200x64xf32, #tpu.memory_space<vmem>>) dst(%dma_wait3A_95 : memref<10240x64xf32, #tpu.memory_space<vmem_shared>>)
    %dma_wait3A_96 = arith.constant 0 : i32
    %dma_wait3A_97 = tpu.memref_slice %arg7[%dma_wait3A_96] : memref<10000xi32, #tpu.memory_space<vmem>> -> memref<200xi32, #tpu.memory_space<vmem>>
    %dma_wait3A_98 = arith.constant 0 : i32
    %dma_wait3A_99 = arith.constant 0 : i32
    %dma_wait3A_100 = tpu.memref_slice %arg23[%dma_wait3A_98, %dma_wait3A_99] : memref<10240x64xf32, #tpu.memory_space<vmem_shared>> -> memref<10240x64xf32, #tpu.memory_space<vmem_shared>>
    tpu.wait_indirect_dma semaphore(%arg20 : memref<!tpu.dma_semaphore, #tpu.memory_space<semaphore_mem>>) src(%arg10 : memref<200x64xf32, #tpu.memory_space<vmem>>) dst(%dma_wait3A_100 : memref<10240x64xf32, #tpu.memory_space<vmem_shared>>)
    %dma_wait3A_101 = arith.constant 0 : i32
    %dma_wait3A_102 = tpu.memref_slice %arg7[%dma_wait3A_101] : memref<10000xi32, #tpu.memory_space<vmem>> -> memref<200xi32, #tpu.memory_space<vmem>>
    %dma_wait3A_103 = arith.constant 0 : i32
    %dma_wait3A_104 = arith.constant 0 : i32
    %dma_wait3A_105 = tpu.memref_slice %arg23[%dma_wait3A_103, %dma_wait3A_104] : memref<10240x64xf32, #tpu.memory_space<vmem_shared>> -> memref<10240x64xf32, #tpu.memory_space<vmem_shared>>
    tpu.wait_indirect_dma semaphore(%arg21 : memref<!tpu.dma_semaphore, #tpu.memory_space<semaphore_mem>>) src(%arg11 : memref<200x64xf32, #tpu.memory_space<vmem>>) dst(%dma_wait3A_105 : memref<10240x64xf32, #tpu.memory_space<vmem_shared>>)
    %dma_wait3A_106 = arith.constant 0 : i32
    %dma_wait3A_107 = tpu.memref_slice %arg7[%dma_wait3A_106] : memref<10000xi32, #tpu.memory_space<vmem>> -> memref<200xi32, #tpu.memory_space<vmem>>
    %dma_wait3A_108 = arith.constant 0 : i32
    %dma_wait3A_109 = arith.constant 0 : i32
    %dma_wait3A_110 = tpu.memref_slice %arg23[%dma_wait3A_108, %dma_wait3A_109] : memref<10240x64xf32, #tpu.memory_space<vmem_shared>> -> memref<10240x64xf32, #tpu.memory_space<vmem_shared>>
    tpu.wait_indirect_dma semaphore(%arg22 : memref<!tpu.dma_semaphore, #tpu.memory_space<semaphore_mem>>) src(%arg12 : memref<200x64xf32, #tpu.memory_space<vmem>>) dst(%dma_wait3A_110 : memref<10240x64xf32, #tpu.memory_space<vmem_shared>>)
    %barrier3A_111 = arith.constant 0 : index
    tpu.barrier barrier_id(%barrier3A_111)
    %mul3A_112 = arith.constant 640 : i32
    %mul3A_113 = arith.muli %arg1, %mul3A_112 : i32
    %mul3A_114 = arith.constant 640 : i32
    %mul3A_115 = arith.muli %arg1, %mul3A_114 : i32
    "tpu.region"() ({
      %run_scoped3A_116 = tpu.sem_alloc : memref<!tpu.dma_semaphore, #tpu.memory_space<semaphore_mem>>
      %dma_start3A_117 = arith.constant 0 : i32
      %dma_start3A_118 = tpu.memref_slice %arg5[%arg0, %mul3A_115, %dma_start3A_117] : memref<2x10240x64xf32, #tpu.memory_space<hbm>> -> memref<1x640x64xf32, #tpu.memory_space<hbm>>
      %dma_start3A_119 = tpu.memref_squeeze %dma_start3A_118 : memref<1x640x64xf32, #tpu.memory_space<hbm>> -> memref<640x64xf32, #tpu.memory_space<hbm>>
      %dma_start3A_120 = arith.constant 0 : i32
      %dma_start3A_121 = tpu.memref_slice %arg23[%mul3A_113, %dma_start3A_120] : memref<10240x64xf32, #tpu.memory_space<vmem_shared>> -> memref<640x64xf32, #tpu.memory_space<vmem_shared>>
      tpu.enqueue_dma source(%dma_start3A_121 : memref<640x64xf32, #tpu.memory_space<vmem_shared>>) target(%dma_start3A_119 : memref<640x64xf32, #tpu.memory_space<hbm>>) target_semaphore(%run_scoped3A_116 : memref<!tpu.dma_semaphore, #tpu.memory_space<semaphore_mem>>)
      %dma_wait3A_122 = arith.constant 0 : i32
      %dma_wait3A_123 = tpu.memref_slice %arg5[%arg0, %mul3A_115, %dma_wait3A_122] : memref<2x10240x64xf32, #tpu.memory_space<hbm>> -> memref<1x640x64xf32, #tpu.memory_space<hbm>>
      %dma_wait3A_124 = tpu.memref_squeeze %dma_wait3A_123 : memref<1x640x64xf32, #tpu.memory_space<hbm>> -> memref<640x64xf32, #tpu.memory_space<hbm>>
      %dma_wait3A_125 = arith.constant 0 : i32
      %dma_wait3A_126 = tpu.memref_slice %arg23[%mul3A_113, %dma_wait3A_125] : memref<10240x64xf32, #tpu.memory_space<vmem_shared>> -> memref<640x64xf32, #tpu.memory_space<vmem_shared>>
      tpu.wait_dma2 semaphore(%run_scoped3A_116 : memref<!tpu.dma_semaphore, #tpu.memory_space<semaphore_mem>>) src(%dma_wait3A_126 : memref<640x64xf32, #tpu.memory_space<vmem_shared>>) dst(%dma_wait3A_124 : memref<640x64xf32, #tpu.memory_space<hbm>>)
      tpu.yield
    }) : () -> ()
    return
  }
}

module attributes {stable_mosaic.version = 14 : i64} {
  func.func @_tc1a_body(%arg0: i32, %arg1: memref<2000x128xf32, #tpu.memory_space<vmem>>, %arg2: memref<128x64xf32, #tpu.memory_space<vmem>>, %arg3: memref<2000x64xf32, #tpu.memory_space<vmem>>) attributes {dimension_semantics = [#tpu.dimension_semantics<arbitrary>], iteration_bounds = array<i64: 5>, scalar_prefetch = 0 : i64, scratch_operands = 0 : i64, tpu.core_type = #tpu.core_type<tc>, window_params = [{transform_indices = @transform_0, window_bounds = array<i64: 2000, 128>}, {pipeline_mode = #tpu.pipeline_mode<synchronous>, transform_indices = @transform_1, window_bounds = array<i64: 128, 64>}, {transform_indices = @transform_2, window_bounds = array<i64: 2000, 64>}]} {
    %get3A = arith.constant 0 : index
    %get3A_0 = arith.constant 0 : index
    %get3A_1 = vector.load %arg1[%get3A, %get3A_0] : memref<2000x128xf32, #tpu.memory_space<vmem>>, vector<2000x128xf32>
    %get3A_2 = arith.constant 0 : index
    %get3A_3 = arith.constant 0 : index
    %get3A_4 = vector.load %arg2[%get3A_2, %get3A_3] : memref<128x64xf32, #tpu.memory_space<vmem>>, vector<128x64xf32>
    %dot_general3A = arith.constant dense<0.000000e+00> : vector<2000x64xf32>
    %dot_general3A_5 = tpu.matmul %get3A_1, %get3A_4, %dot_general3A {dimension_numbers = #tpu.dot_dimension_numbers<[1], [0], [0], [1], [0, 0, 1, 1], [], []>, transpose_lhs_hint = false} : vector<2000x128xf32>, vector<128x64xf32>, vector<2000x64xf32> -> vector<2000x64xf32>
    %swap3A = arith.constant 0 : index
    %swap3A_6 = arith.constant 0 : index
    %swap3A_7 = vector.load %arg3[%swap3A, %swap3A_6] : memref<2000x64xf32, #tpu.memory_space<vmem>>, vector<2000x64xf32>
    tpu.vector_store %arg3[%swap3A, %swap3A_6], %dot_general3A_5 {strides = array<i32>} : memref<2000x64xf32, #tpu.memory_space<vmem>>, vector<2000x64xf32>,
    return
  }
  func.func @transform_0(%arg0: i32) -> (i32, i32) {
    %c0_i32 = arith.constant 0 : i32
    %c0_i32_0 = arith.constant 0 : i32
    return %arg0, %c0_i32 : i32, i32
  }
  func.func @transform_1(%arg0: i32) -> (i32, i32) {
    %c0_i32 = arith.constant 0 : i32
    %c0_i32_0 = arith.constant 0 : i32
    %c0_i32_1 = arith.constant 0 : i32
    return %c0_i32, %c0_i32_0 : i32, i32
  }
  func.func @transform_2(%arg0: i32) -> (i32, i32) {
    %c0_i32 = arith.constant 0 : i32
    %c0_i32_0 = arith.constant 0 : i32
    return %arg0, %c0_i32 : i32, i32
  }
}

module attributes {stable_mosaic.version = 14 : i64} {
  func.func @_tc1b_body(%arg0: i32, %arg1: memref<2000x64xf32, #tpu.memory_space<vmem>>, %arg2: memref<2x2000x1xf32, #tpu.memory_space<vmem>>, %arg3: memref<2000x64xf32, #tpu.memory_space<vmem>>, %arg4: memref<2000x8xf32, #tpu.memory_space<vmem>>) attributes {dimension_semantics = [#tpu.dimension_semantics<arbitrary>], iteration_bounds = array<i64: 5>, scalar_prefetch = 0 : i64, scratch_operands = 0 : i64, tpu.core_type = #tpu.core_type<tc>, window_params = [{transform_indices = @transform_0, window_bounds = array<i64: 2000, 64>}, {transform_indices = @transform_1, window_bounds = array<i64: 2, 2000, 1>}, {transform_indices = @transform_2, window_bounds = array<i64: 2000, 64>}, {transform_indices = @transform_3, window_bounds = array<i64: 2000, 8>}]} {
    %get3A = arith.constant 0 : index
    %get3A_0 = arith.constant 0 : index
    %get3A_1 = arith.constant 0 : index
    %get3A_2 = vector.load %arg2[%get3A, %get3A_0, %get3A_1] : memref<2x2000x1xf32, #tpu.memory_space<vmem>>, vector<1x2000x1xf32>
    %get3A_3 = vector.shape_cast %get3A_2 : vector<1x2000x1xf32> to vector<2000x1xf32>
    %get3A_4 = arith.constant 1 : index
    %get3A_5 = arith.constant 0 : index
    %get3A_6 = arith.constant 0 : index
    %get3A_7 = vector.load %arg2[%get3A_4, %get3A_5, %get3A_6] : memref<2x2000x1xf32, #tpu.memory_space<vmem>>, vector<1x2000x1xf32>
    %get3A_8 = vector.shape_cast %get3A_7 : vector<1x2000x1xf32> to vector<2000x1xf32>
    %add3A = arith.addf %get3A_3, %get3A_8 : vector<2000x1xf32>
    %add3A_9 = arith.constant 1.000000e+00 : f32
    %add3A_10 = vector.broadcast %add3A_9 : f32 to vector<2000x1xf32>
    %add3A_11 = arith.addf %add3A, %add3A_10 : vector<2000x1xf32>
    %rsqrt3A = math.rsqrt %add3A_11 : vector<2000x1xf32>
    %get3A_12 = arith.constant 0 : index
    %get3A_13 = arith.constant 0 : index
    %get3A_14 = vector.load %arg1[%get3A_12, %get3A_13] : memref<2000x64xf32, #tpu.memory_space<vmem>>, vector<2000x64xf32>
    %mul3A = vector.broadcast %rsqrt3A : vector<2000x1xf32> to vector<2000x64xf32>
    %mul3A_15 = arith.mulf %get3A_14, %mul3A : vector<2000x64xf32>
    %swap3A = arith.constant 0 : index
    %swap3A_16 = arith.constant 0 : index
    %swap3A_17 = vector.load %arg3[%swap3A, %swap3A_16] : memref<2000x64xf32, #tpu.memory_space<vmem>>, vector<2000x64xf32>
    tpu.vector_store %arg3[%swap3A, %swap3A_16], %mul3A_15 {strides = array<i32>} : memref<2000x64xf32, #tpu.memory_space<vmem>>, vector<2000x64xf32>,
    %broadcast_in_dim3A = vector.shape_cast %rsqrt3A : vector<2000x1xf32> to vector<2000x1xf32>
    %broadcast_in_dim3A_18 = vector.broadcast %broadcast_in_dim3A : vector<2000x1xf32> to vector<2000x8xf32>
    %swap3A_19 = arith.constant 0 : index
    %swap3A_20 = arith.constant 0 : index
    %swap3A_21 = vector.load %arg4[%swap3A_19, %swap3A_20] : memref<2000x8xf32, #tpu.memory_space<vmem>>, vector<2000x8xf32>
    tpu.vector_store %arg4[%swap3A_19, %swap3A_20], %broadcast_in_dim3A_18 {strides = array<i32>} : memref<2000x8xf32, #tpu.memory_space<vmem>>, vector<2000x8xf32>,
    return
  }
  func.func @transform_0(%arg0: i32) -> (i32, i32) {
    %c0_i32 = arith.constant 0 : i32
    %c0_i32_0 = arith.constant 0 : i32
    return %arg0, %c0_i32 : i32, i32
  }
  func.func @transform_1(%arg0: i32) -> (i32, i32, i32) {
    %c0_i32 = arith.constant 0 : i32
    %c0_i32_0 = arith.constant 0 : i32
    %c0_i32_1 = arith.constant 0 : i32
    return %c0_i32, %arg0, %c0_i32_0 : i32, i32, i32
  }
  func.func @transform_2(%arg0: i32) -> (i32, i32) {
    %c0_i32 = arith.constant 0 : i32
    %c0_i32_0 = arith.constant 0 : i32
    return %arg0, %c0_i32 : i32, i32
  }
  func.func @transform_3(%arg0: i32) -> (i32, i32) {
    %c0_i32 = arith.constant 0 : i32
    %c0_i32_0 = arith.constant 0 : i32
    return %arg0, %c0_i32 : i32, i32
  }
}

module attributes {stable_mosaic.version = 14 : i64} {
  func.func @_tc2_body(%arg0: i32, %arg1: memref<2x2000x64xf32, #tpu.memory_space<vmem>>, %arg2: memref<2000x64xf32, #tpu.memory_space<vmem>>, %arg3: memref<2000x8xf32, #tpu.memory_space<vmem>>, %arg4: memref<1x64xf32, #tpu.memory_space<vmem>>, %arg5: memref<2000x64xf32, #tpu.memory_space<vmem>>) attributes {dimension_semantics = [#tpu.dimension_semantics<arbitrary>], iteration_bounds = array<i64: 5>, scalar_prefetch = 0 : i64, scratch_operands = 0 : i64, tpu.core_type = #tpu.core_type<tc>, window_params = [{transform_indices = @transform_0, window_bounds = array<i64: 2, 2000, 64>}, {transform_indices = @transform_1, window_bounds = array<i64: 2000, 64>}, {transform_indices = @transform_2, window_bounds = array<i64: 2000, 8>}, {pipeline_mode = #tpu.pipeline_mode<synchronous>, transform_indices = @transform_3, window_bounds = array<i64: 1, 64>}, {transform_indices = @transform_4, window_bounds = array<i64: 2000, 64>}]} {
    %get3A = arith.constant 0 : index
    %get3A_0 = arith.constant 0 : index
    %get3A_1 = vector.load %arg3[%get3A, %get3A_0] : memref<2000x8xf32, #tpu.memory_space<vmem>>, vector<2000x1xf32>
    %get3A_2 = arith.constant 0 : index
    %get3A_3 = arith.constant 0 : index
    %get3A_4 = arith.constant 0 : index
    %get3A_5 = vector.load %arg1[%get3A_2, %get3A_3, %get3A_4] : memref<2x2000x64xf32, #tpu.memory_space<vmem>>, vector<1x2000x64xf32>
    %get3A_6 = vector.shape_cast %get3A_5 : vector<1x2000x64xf32> to vector<2000x64xf32>
    %get3A_7 = arith.constant 1 : index
    %get3A_8 = arith.constant 0 : index
    %get3A_9 = arith.constant 0 : index
    %get3A_10 = vector.load %arg1[%get3A_7, %get3A_8, %get3A_9] : memref<2x2000x64xf32, #tpu.memory_space<vmem>>, vector<1x2000x64xf32>
    %get3A_11 = vector.shape_cast %get3A_10 : vector<1x2000x64xf32> to vector<2000x64xf32>
    %add3A = arith.addf %get3A_6, %get3A_11 : vector<2000x64xf32>
    %get3A_12 = arith.constant 0 : index
    %get3A_13 = arith.constant 0 : index
    %get3A_14 = vector.load %arg2[%get3A_12, %get3A_13] : memref<2000x64xf32, #tpu.memory_space<vmem>>, vector<2000x64xf32>
    %add3A_15 = arith.addf %add3A, %get3A_14 : vector<2000x64xf32>
    %mul3A = vector.broadcast %get3A_1 : vector<2000x1xf32> to vector<2000x64xf32>
    %mul3A_16 = arith.mulf %mul3A, %add3A_15 : vector<2000x64xf32>
    %get3A_17 = arith.constant 0 : index
    %get3A_18 = arith.constant 0 : index
    %get3A_19 = vector.load %arg4[%get3A_17, %get3A_18] : memref<1x64xf32, #tpu.memory_space<vmem>>, vector<1x64xf32>
    %add3A_20 = vector.broadcast %get3A_19 : vector<1x64xf32> to vector<2000x64xf32>
    %add3A_21 = arith.addf %mul3A_16, %add3A_20 : vector<2000x64xf32>
    %max3A = arith.constant 0.000000e+00 : f32
    %max3A_22 = vector.broadcast %max3A : f32 to vector<2000x64xf32>
    %max3A_23 = arith.maximumf %add3A_21, %max3A_22 : vector<2000x64xf32>
    %mul3A_24 = vector.broadcast %get3A_1 : vector<2000x1xf32> to vector<2000x64xf32>
    %mul3A_25 = arith.mulf %mul3A_24, %max3A_23 : vector<2000x64xf32>
    %swap3A = arith.constant 0 : index
    %swap3A_26 = arith.constant 0 : index
    %swap3A_27 = vector.load %arg5[%swap3A, %swap3A_26] : memref<2000x64xf32, #tpu.memory_space<vmem>>, vector<2000x64xf32>
    tpu.vector_store %arg5[%swap3A, %swap3A_26], %mul3A_25 {strides = array<i32>} : memref<2000x64xf32, #tpu.memory_space<vmem>>, vector<2000x64xf32>,
    return
  }
  func.func @transform_0(%arg0: i32) -> (i32, i32, i32) {
    %c0_i32 = arith.constant 0 : i32
    %c0_i32_0 = arith.constant 0 : i32
    %c0_i32_1 = arith.constant 0 : i32
    return %c0_i32, %arg0, %c0_i32_0 : i32, i32, i32
  }
  func.func @transform_1(%arg0: i32) -> (i32, i32) {
    %c0_i32 = arith.constant 0 : i32
    %c0_i32_0 = arith.constant 0 : i32
    return %arg0, %c0_i32 : i32, i32
  }
  func.func @transform_2(%arg0: i32) -> (i32, i32) {
    %c0_i32 = arith.constant 0 : i32
    %c0_i32_0 = arith.constant 0 : i32
    return %arg0, %c0_i32 : i32, i32
  }
  func.func @transform_3(%arg0: i32) -> (i32, i32) {
    %c0_i32 = arith.constant 0 : i32
    %c0_i32_0 = arith.constant 0 : i32
    %c0_i32_1 = arith.constant 0 : i32
    return %c0_i32, %c0_i32_0 : i32, i32
  }
  func.func @transform_4(%arg0: i32) -> (i32, i32) {
    %c0_i32 = arith.constant 0 : i32
    %c0_i32_0 = arith.constant 0 : i32
    return %arg0, %c0_i32 : i32, i32
  }
}

module attributes {stable_mosaic.version = 14 : i64} {
  func.func @_tc3_body(%arg0: i32, %arg1: memref<2x2000x64xf32, #tpu.memory_space<vmem>>, %arg2: memref<2000x64xf32, #tpu.memory_space<vmem>>, %arg3: memref<2000x8xf32, #tpu.memory_space<vmem>>, %arg4: memref<1x128xf32, #tpu.memory_space<vmem>>, %arg5: memref<64x128xf32, #tpu.memory_space<vmem>>, %arg6: memref<2000x128xf32, #tpu.memory_space<vmem>>) attributes {dimension_semantics = [#tpu.dimension_semantics<arbitrary>], iteration_bounds = array<i64: 5>, scalar_prefetch = 0 : i64, scratch_operands = 0 : i64, tpu.core_type = #tpu.core_type<tc>, window_params = [{transform_indices = @transform_0, window_bounds = array<i64: 2, 2000, 64>}, {transform_indices = @transform_1, window_bounds = array<i64: 2000, 64>}, {transform_indices = @transform_2, window_bounds = array<i64: 2000, 8>}, {pipeline_mode = #tpu.pipeline_mode<synchronous>, transform_indices = @transform_3, window_bounds = array<i64: 1, 128>}, {pipeline_mode = #tpu.pipeline_mode<synchronous>, transform_indices = @transform_4, window_bounds = array<i64: 64, 128>}, {transform_indices = @transform_5, window_bounds = array<i64: 2000, 128>}]} {
    %get3A = arith.constant 0 : index
    %get3A_0 = arith.constant 0 : index
    %get3A_1 = vector.load %arg3[%get3A, %get3A_0] : memref<2000x8xf32, #tpu.memory_space<vmem>>, vector<2000x1xf32>
    %get3A_2 = arith.constant 0 : index
    %get3A_3 = arith.constant 0 : index
    %get3A_4 = arith.constant 0 : index
    %get3A_5 = vector.load %arg1[%get3A_2, %get3A_3, %get3A_4] : memref<2x2000x64xf32, #tpu.memory_space<vmem>>, vector<1x2000x64xf32>
    %get3A_6 = vector.shape_cast %get3A_5 : vector<1x2000x64xf32> to vector<2000x64xf32>
    %get3A_7 = arith.constant 1 : index
    %get3A_8 = arith.constant 0 : index
    %get3A_9 = arith.constant 0 : index
    %get3A_10 = vector.load %arg1[%get3A_7, %get3A_8, %get3A_9] : memref<2x2000x64xf32, #tpu.memory_space<vmem>>, vector<1x2000x64xf32>
    %get3A_11 = vector.shape_cast %get3A_10 : vector<1x2000x64xf32> to vector<2000x64xf32>
    %add3A = arith.addf %get3A_6, %get3A_11 : vector<2000x64xf32>
    %get3A_12 = arith.constant 0 : index
    %get3A_13 = arith.constant 0 : index
    %get3A_14 = vector.load %arg2[%get3A_12, %get3A_13] : memref<2000x64xf32, #tpu.memory_space<vmem>>, vector<2000x64xf32>
    %add3A_15 = arith.addf %add3A, %get3A_14 : vector<2000x64xf32>
    %mul3A = vector.broadcast %get3A_1 : vector<2000x1xf32> to vector<2000x64xf32>
    %mul3A_16 = arith.mulf %mul3A, %add3A_15 : vector<2000x64xf32>
    %get3A_17 = arith.constant 0 : index
    %get3A_18 = arith.constant 0 : index
    %get3A_19 = vector.load %arg5[%get3A_17, %get3A_18] : memref<64x128xf32, #tpu.memory_space<vmem>>, vector<64x128xf32>
    %dot_general3A = arith.constant dense<0.000000e+00> : vector<2000x128xf32>
    %dot_general3A_20 = tpu.matmul %mul3A_16, %get3A_19, %dot_general3A {dimension_numbers = #tpu.dot_dimension_numbers<[1], [0], [0], [1], [0, 0, 1, 1], [], []>, transpose_lhs_hint = false} : vector<2000x64xf32>, vector<64x128xf32>, vector<2000x128xf32> -> vector<2000x128xf32>
    %get3A_21 = arith.constant 0 : index
    %get3A_22 = arith.constant 0 : index
    %get3A_23 = vector.load %arg4[%get3A_21, %get3A_22] : memref<1x128xf32, #tpu.memory_space<vmem>>, vector<1x128xf32>
    %add3A_24 = vector.broadcast %get3A_23 : vector<1x128xf32> to vector<2000x128xf32>
    %add3A_25 = arith.addf %dot_general3A_20, %add3A_24 : vector<2000x128xf32>
    %swap3A = arith.constant 0 : index
    %swap3A_26 = arith.constant 0 : index
    %swap3A_27 = vector.load %arg6[%swap3A, %swap3A_26] : memref<2000x128xf32, #tpu.memory_space<vmem>>, vector<2000x128xf32>
    tpu.vector_store %arg6[%swap3A, %swap3A_26], %add3A_25 {strides = array<i32>} : memref<2000x128xf32, #tpu.memory_space<vmem>>, vector<2000x128xf32>,
    return
  }
  func.func @transform_0(%arg0: i32) -> (i32, i32, i32) {
    %c0_i32 = arith.constant 0 : i32
    %c0_i32_0 = arith.constant 0 : i32
    %c0_i32_1 = arith.constant 0 : i32
    return %c0_i32, %arg0, %c0_i32_0 : i32, i32, i32
  }
  func.func @transform_1(%arg0: i32) -> (i32, i32) {
    %c0_i32 = arith.constant 0 : i32
    %c0_i32_0 = arith.constant 0 : i32
    return %arg0, %c0_i32 : i32, i32
  }
  func.func @transform_2(%arg0: i32) -> (i32, i32) {
    %c0_i32 = arith.constant 0 : i32
    %c0_i32_0 = arith.constant 0 : i32
    return %arg0, %c0_i32 : i32, i32
  }
  func.func @transform_3(%arg0: i32) -> (i32, i32) {
    %c0_i32 = arith.constant 0 : i32
    %c0_i32_0 = arith.constant 0 : i32
    %c0_i32_1 = arith.constant 0 : i32
    return %c0_i32, %c0_i32_0 : i32, i32
  }
  func.func @transform_4(%arg0: i32) -> (i32, i32) {
    %c0_i32 = arith.constant 0 : i32
    %c0_i32_0 = arith.constant 0 : i32
    %c0_i32_1 = arith.constant 0 : i32
    return %c0_i32, %c0_i32_0 : i32, i32
  }
  func.func @transform_5(%arg0: i32) -> (i32, i32) {
    %c0_i32 = arith.constant 0 : i32
    %c0_i32_0 = arith.constant 0 : i32
    return %arg0, %c0_i32 : i32, i32
  }
}

</mosaic_0001>

<sc_bundles>
// kernel: kernel.12.cloned.1.call-start
scs
__scs_entry_jumppad:
0x0: {  	(pc) =	sbr.rel $0x88, $3  }
0x1: {  	(tag) =	ssettag $0x0;
	lr =	simm.s32 $0x1  }
0x2: {  	[smem:$0x3F9B] =	sst lr;
	_ =	strace $0xD0000000  }
0x3: {  	_ = 	snop  }
0x4: {  	_ = 	snop  }
0x5: {  	_ = 	snop  }
0x6: {  	_ = 	snop  }
0x7: {  	_ = 	snop  }
__scs_overlays_trampoline_lowered:
0x8: {  	[smem:$0x3FAA] =	sst s0  }
0x9: {  	[smem:$0x3FAB] =	sst s1  }
0xa: {  	[smem:$0x3FAC] =	sst s2  }
0xb: {  	[smem:$0x3FAD] =	sst s3  }
0xc: {  	[smem:$0x3FAE] =	sst s4  }
0xd: {  	[smem:$0x3FAF] =	sst s5  }
0xe: {  	[smem:$0x3FB0] =	sst s6  }
0xf: {  	[smem:$0x3FB1] =	sst s7  }
0x10: {  	[smem:$0x3FB2] =	sst s8  }
0x11: {  	[smem:$0x3FB3] =	sst s9;
	s0 =	simm.s32 @!p0 $0x0  }
0x12: {  	s1 =	sld [smem:$0x3F99];
	s0 =	simm.s32 @p0 $0x1  }
0x13: {  	[smem:$0x3FB4] =	sst s0;
	s0 =	simm.s32 @!p1 $0x0  }
0x14: {  	s2 =	sld [smem:$0x3F98];
	s0 =	simm.s32 @p1 $0x1  }
0x15: {  	[smem:$0x3FB5] =	sst s0;
	s0 =	simm.s32 @!p2 $0x0  }
0x16: {  	s3 =	sld [smem:$0x3FDB];
	s0 =	simm.s32 @p2 $0x1  }
0x17: {  	s4 =	simm.s32 $0x1BF5;
	[smem:$0x3FB7] =	sst s0  }
0x18: {  	s0 =	sld [smem:$0x3F9A];
	_ =	swait.ge [sflag:s4], $0x0  }
0x19: {  	s7 =	sld [smem:$0x3F9B]  }
0x1a: {  	s8 =	sadd.s32 $0xFFFFE003, lr  }
0x1b: {  	s9 =	sadd.s32 $0xFFFFFEF7, lr;
	s5 =	simm.s32 $0xFFFFFFFF;
	p2 =	slt.u32 s8, $0xFFFFF086  }
0x1c: {  	p1 =	slt.u32 s9, $0xF7A;
	s5 =	simm.s32 @!p2 $0x0  }
0x1d: {  	s5 =	simm.s32 @p1 $0x1;
	p0 =	seq.s32 s7, s2  }
0x1e: {  	s7 =	smul.u32 @!p0 $0xF7A, s2;
	p2 =	seq.s32 @!p0 s5, $0x0  }
0x1f: {  	s9 =	smul.u32 $0xF7A, s1;
	s8 =	simm.s32 @!p0 $0x1BF5;
	p2 =	por !p2, p0  }
0x20: {  	[sflag:s8] =	ssyncset.s32 @!p0 $0xFFFFF086;
	s6 =	sadd.s32 @!p0 s3, s7;
	s7 =	simm.s32 @!p0 $0x108  }
0x21: {  	s3 =	sadd.s32 s3, s9;
	s6 =	sadd.s32 @!p0 $0x88, s6;
	s7 =	simm.s32 @p2 $0x1082  }
0x22: {  	[simem:s7], [sflag:s8] =	dma.local @!p0 [hbm:s6], $0xF7A  }
0x23: {  	s9 =	sor.u32 $0xD0000000, s2;
	s6 =	simm.s32 $0x108;
	_ =	swait.ge @!p0 [sflag:s8], $0x0  }
0x24: {  	s3 =	sadd.s32 $0x88, s3;
	s6 =	simm.s32 @!p1 $0x1082;
	[sflag:s4] =	ssyncset.s32 $0xFFFFF086  }
0x25: {  	[simem:s6], [sflag:s4] =	dma.local [hbm:s3], $0xF7A  }
0x26: {  	[smem:$0x3F9B] =	sst s1;
	(tag) =	ssettag s2;
	_ =	strace s9  }
0x27: {  	s1 =	sld [smem:$0x3FAB]  }
0x28: {  	s2 =	sld [smem:$0x3FAC]  }
0x29: {  	s4 =	sld [smem:$0x3FAE]  }
0x2a: {  	p0 =	seq.s32 s5, $0x0;
	s5 =	sld [smem:$0x3FAF]  }
0x2b: {  	s6 =	sld [smem:$0x3FB0]  }
0x2c: {  	s7 =	sld [smem:$0x3FB1]  }
0x2d: {  	s3 =	simm.s32 $0x108;
	s8 =	sld [smem:$0x3FB2]  }
0x2e: {  	s3 =	simm.s32 @!p0 $0x1082;
	s9 =	sld [smem:$0x3FB3]  }
0x2f: {  	lr =	sadd.s32 s0, s3;
	s0 =	sld [smem:$0x3FAA]  }
0x30: {  	s3 =	sld [smem:$0x3FAD]  }
0x31: {  	[smem:$0x3FB6] =	sst s10  }
0x32: {  	s10 =	sld [smem:$0x3FB4];
	_ =	sdelay $0x3  }
0x33: {  	p0 =	seq.s32 s10, $0x1;
	s10 =	sld [smem:$0x3FB6];
	_ =	sdelay $0x3  }
0x34: {  	[smem:$0x3FB6] =	sst s10  }
0x35: {  	s10 =	sld [smem:$0x3FB5];
	_ =	sdelay $0x3  }
0x36: {  	p1 =	seq.s32 s10, $0x1;
	s10 =	sld [smem:$0x3FB6];
	_ =	sdelay $0x3  }
0x37: {  	[smem:$0x3FB6] =	sst s10  }
0x38: {  	s10 =	sld [smem:$0x3FB7]  }
0x39: {  	_ = 	snop;
	(pc) =	sbr.ind lr, $3  }
0x3a: {  	_ = 	snop  }
0x3b: {  	_ = 	snop  }
0x3c: {  	p2 =	seq.s32 s10, $0x1;
	s10 =	sld [smem:$0x3FB6]  }
0x3d: {  	_ =	shalt  }
0x3e: {  	_ =	shalt  }
0x3f: {  	_ =	shalt  }
0x40: {  	_ =	shalt  }
0x41: {  	_ =	shalt  }
0x42: {  	_ =	shalt  }
0x43: {  	_ =	shalt  }
0x44: {  	_ =	shalt  }
0x45: {  	_ =	shalt  }
0x46: {  	_ =	shalt  }
0x47: {  	_ =	shalt  }
0x48: {  	_ =	shalt  }
0x49: {  	_ =	shalt  }
0x4a: {  	_ =	shalt  }
0x4b: {  	_ =	shalt  }
0x4c: {  	_ =	shalt  }
0x4d: {  	_ =	shalt  }
0x4e: {  	_ =	shalt  }
0x4f: {  	_ =	shalt  }
0x50: {  	_ =	shalt  }
0x51: {  	_ =	shalt  }
0x52: {  	_ =	shalt  }
0x53: {  	_ =	shalt  }
0x54: {  	_ =	shalt  }
0x55: {  	_ =	shalt  }
0x56: {  	_ =	shalt  }
0x57: {  	_ =	shalt  }
0x58: {  	_ =	shalt  }
0x59: {  	_ =	shalt  }
0x5a: {  	_ =	shalt  }
0x5b: {  	_ =	shalt  }
0x5c: {  	_ =	shalt  }
0x5d: {  	_ =	shalt  }
0x5e: {  	_ =	shalt  }
0x5f: {  	_ =	shalt  }
0x60: {  	_ =	shalt  }
0x61: {  	_ =	shalt  }
0x62: {  	_ =	shalt  }
0x63: {  	_ =	shalt  }
0x64: {  	_ =	shalt  }
0x65: {  	_ =	shalt  }
0x66: {  	_ =	shalt  }
0x67: {  	_ =	shalt  }
0x68: {  	_ =	shalt  }
0x69: {  	_ =	shalt  }
0x6a: {  	_ =	shalt  }
0x6b: {  	_ =	shalt  }
0x6c: {  	_ =	shalt  }
0x6d: {  	_ =	shalt  }
0x6e: {  	_ =	shalt  }
0x6f: {  	_ =	shalt  }
0x70: {  	_ =	shalt  }
0x71: {  	_ =	shalt  }
0x72: {  	_ =	shalt  }
0x73: {  	_ =	shalt  }
0x74: {  	_ =	shalt  }
0x75: {  	_ =	shalt  }
0x76: {  	_ =	shalt  }
0x77: {  	_ =	shalt  }
0x78: {  	_ =	shalt  }
0x79: {  	_ =	shalt  }
0x7a: {  	_ =	shalt  }
0x7b: {  	_ =	shalt  }
0x7c: {  	_ =	shalt  }
0x7d: {  	_ =	shalt  }
0x7e: {  	_ =	shalt  }
0x7f: {  	_ =	shalt  }
0x80: {  	_ =	shalt  }
0x81: {  	_ =	shalt  }
0x82: {  	_ =	shalt  }
0x83: {  	_ =	shalt  }
0x84: {  	_ =	shalt  }
0x85: {  	_ =	shalt  }
0x86: {  	_ =	shalt  }
0x87: {  	_ =	shalt  }
.Lfunc_end0:
.L_simem_size_0:
called_computation.1_lowered:
.L_overlay_start_0:
0x88: {  	s2 =	sld [smem:$0x3FD9]  }
0x89: {  	s3 =	sld [smem:$0x3FFE];
	_ =	sdelay $0x1  }
0x8a: {  	s1 =	srdreg.scid  }
0x8b: {  	s0 =	sand.u32 $0x1, s1  }
0x8c: {  	s17 =	sshll.u32 s0, $0xA;
	s2 =	sadd.s32 s3, s2  }
0x8d: {  	s2 =	sadd.s32 s2, s17  }
0x8e: {  	[smem:$0x3FC2] =	sst s2  }
0x8f: {  	_ = 	snop  }
0x90: {  	s2 =	sld [smem:$0x3FD0];
	(tm) =	ssettm $0x1  }
0x91: {  	s18 =	sld [smem:$0x3FFB];
	_ =	sdelay $0x3  }
0x92: {  	_ =	strace s18  }
0x93: {  	s3 =	sld [smem:$0x3FFC];
	_ =	sdelay $0x3  }
0x94: {  	_ =	strace s3  }
0x95: {  	s3 =	sld [smem:$0x3FFD];
	_ =	sdelay $0x3  }
0x96: {  	_ =	strace s3  }
0x97: {  	_ =	strace $0x8FFFFFFF  }
0x98: {  	s19 =	sld [smem:$0x3FDB];
	_ =	sdelay $0x1  }
0x99: {  	s4 =	simm.s32 $_scs_section_size  }
0x9a: {  	s5 =	simm.s32 $_size__tile_overlayer_lowered;
	s6 =	simm.s32 $_tile_overlayer_lowered  }
0x9b: {  	s22 =	simm.s32 $0x1BFF;
	s21 =	sshll.u32 s6, $0x1;
	s3 =	sadd.s32 s4, s19  }
0x9c: {  	s7 =	simm.s32 $0x0;
	s20 =	sshll.u32 s5, $0x1;
	s5 =	sadd.s32 s21, s3  }
0x9d: {  	[timem:s7], [sflag:s22] =	dma.local [hbm:s5], s20  }
0x9e: {  	_ =	swait.ge [sflag:s22], s20  }
0x9f: {  	s4 =	ssub.s32 $0x0, s20;
	[sflag:s22] =	ssyncset.done $0x0  }
0xa0: {  	[sflag:s22] =	ssyncadd.s32 s4;
	_ =	sdelay $0x1  }
0xa1: {  	s23 =	simm.s32 $0x1B8B  }
0xa2: {  	_ =	swait.ge [sflag:s23], $0x1  }
0xa3: {  	[sflag:s23] =	ssyncset.done $0x0  }
0xa4: {  	s25 =	simm.s32 $0x1B8E;
	s24 =	sld [smem:$0x3FFE];
	[sflag:s23] =	ssyncadd.s32 $0xFFFFFFFF  }
0xa5: {  	s26 =	simm.s32 $execute0_lowered;
	[smem:$0x3FD2] =	sst s25  }
0xa6: {  	s5 =	sshll.u32 s26, $0x1;
	_ =	strace $0x80000049;
	[dreg:$0x1] =	wrdreg $0xFFFFFFFF  }
0xa7: {  	s28 =	simm.s32 $_size_execute0_lowered;
	s3 =	sadd.s32 s3, s5;
	[dreg:$0x0] =	wrdreg $0x0  }
0xa8: {  	s5 =	sshll.u32 s28, $0x1;
	[dreg:$0x2] =	wrdreg s3  }
0xa9: {  	[dreg:$0x3] =	wrdreg s5  }
0xaa: {  	[dreg:$0x4] =	wrdreg $0xC0  }
0xab: {  	_ =	task [dreg:s7], $0x5FFFF  }
0xac: {  	[dreg:$0x1] =	wrdreg $0xFFFFFFFF  }
0xad: {  	[dreg:$0x0] =	wrdreg $0x60  }
0xae: {  	[dreg:$0x2] =	wrdreg s2  }
0xaf: {  	[dreg:$0x3] =	wrdreg s24  }
0xb0: {  	[dreg:$0x4] =	wrdreg $0x148200  }
0xb1: {  	[dreg:$0x5] =	wrdreg $0x9  }
0xb2: {  	_ =	task.clear_ibuf [dreg:s7], $0x6FFFF;
	_ =	strace $0x90000049  }
0xb3: {  	s29 =	simm.s32 $0x9;
	_ =	strace $0x8000004B  }
0xb4: {  	_ =	swait.ge [sflag:s29], $0x1  }
0xb5: {  	[sflag:s29] =	ssyncadd.s32 $0xFFFFFFFF  }
0xb6: {  	_ =	strace $0x9000004B  }
0xb7: {  	_ =	sfence  }
0xb8: {  	s30 =	sld [smem:$0x0];
	_ =	sdelay $0x2  }
0xb9: {  	s31 =	sshll.u32 s1, $0xD;
	s1 =	sshrl.u32 s1, $0x2  }
0xba: {  	s3 =	sand.u32 $0x4000, s31;
	s1 =	sadd.s32 s1, s30  }
0xbb: {  	s0 =	sor.u32 s3, s0;
	s1 =	sshll.u32 s1, $0x11  }
0xbc: {  	s0 =	sor.u32 s1, s0  }
0xbd: {  	s0 =	sadd.s32 $0x8F2B, s0  }
0xbe: {  	[sflag:s0] =	ssyncadd.remote.s32 $0x1  }
0xbf: {  	_ =	sfence.sel $0xFFFF  }
0xc0: {  	[dreg:$0x0] =	wrdreg $0xFFFFFFFF;
	(pc) =	sbr.abs _section_cstart, $3  }
0xc1: {  	[dreg:$0x1] =	wrdreg $0xFFFFFFFF  }
0xc2: {  	_ =	task.clear_ibuf [dreg:s7], $0x2FFFF;
	_ =	strace $0x9FFFFFFF  }
0xc3: {  	(tm) =	ssettm $0x7FFFFFFF  }
tec
execute0_lowered:
.L_overlay_start_1:
0x0: {  	(tag) =	ssettag $0x1  }
0x1: {  	s0 =	rddreg [dreg:$0x0]  }
0x2: {  	s1 =	rddreg [dreg:$0x1]  }
0x3: {  	s2 =	rddreg [dreg:$0x2];
	s4 =	srdreg.scid  }
0x4: {  	s11 =	stileid.u32;
	s3 =	simm.s32 $0x0;
	s12 =	simm.s32 $0xB  }
0x5: {  	s14 =	simm.s32 $0xC8;
	s15 =	simm.s32 $0x4E20;
	s16 =	simm.s32 $0x8020  }
0x6: {  	s18 =	simm.s32 $0xB220;
	s20 =	simm.s32 $0xE420;
	s22 =	simm.s32 $0x11620  }
0x7: {  	s28 =	simm.s32 $0x5;
	s29 =	simm.s32 $0x6;
	s30 =	simm.s32 $0x7  }
0x8: {  	s31 =	simm.s32 $0x8;
	s17 =	simm.s32 $0x0;
	s6 =	sand.u32 $0x1, s4  }
0x9: {  	s7 =	smul.u32 $0xA000, s11;
	[smem:$0x7FF] =	sst s3;
	s23 =	sshll.u32 s11, $0x1  }
0xa: {  	s4 =	sadd.s32 $0x1E00, s1;
	s25 =	sshll.u32 s11, $0x6;
	s5 =	smul.u32 $0xA0000, s6  }
0xb: {  	_ =	strace $0x8000004A;
	s8 =	sor.u32 s6, s23;
	s6 =	ssub.s32 $0x2, s6  }
0xc: {  	s23 =	simm.s32 $0x1;
	s8 =	smul.u32 $0x2710, s8;
	s24 =	sshrl.u32 s6, $0x1  }
0xd: {  	s26 =	sadd.s32 s7, s2;
	s9 =	sadd.s32 s7, s5;
	s5 =	sadd.s32 $0x15800, s1  }
0xe: {  	s10 =	ssub.s32 s6, s24;
	s7 =	sor.u32 $0x1C0B, s25;
	s11 =	sshrl.u32 s26, $0x3  }
0xf: {  	s24 =	simm.s32 $0x2;
	s25 =	simm.s32 $0x3;
	s26 =	simm.s32 $0x4  }
0x10: {  	s9 =	sshrl.u32 s9, $0x3;
	s8 =	sshrl.u32 s8, $0x3;
	s10 =	smax.u32 s10, $0x1  }
0x11: {  	s1 =	sadd.s32 s9, s1;
	s6 =	sadd.s32 s0, s8;
	s0 =	simm.s32 $0x9  }
0x12: {  	s8 =	sadd.s32 $0x9C40, s6;
	s9 =	sadd.s32 $0x16C00, s1;
	s1 =	simm.s32 $0xA  }
.LBB2_1:
0x13: {  	[spmem:s11], [sflag:s7] =	dma.local [hbm:s5], $0x1400  }
0x14: {  	_ =	swait.ge [sflag:s12], $0x1400  }
0x15: {  	[sflag:s12] =	ssyncset.done $0x0  }
0x16: {  	[sflag:s12] =	ssyncadd.s32 $0xFFFFEC00  }
0x17: {  	[tilespmem:s3], [sflag:$0xB] =	stream.linear.gather [hbm4b:s6+s3], $0x2710, $0x38;
	[tilespmem:$0x1E820] =	vst v63  }
0x18: {  	_ =	swait.ge [sflag:s12], $0x2710  }
0x19: {  	[sflag:s12] =	ssyncset.done $0x0  }
0x1a: {  	s13 =	simm.s32 $0x2710;
	[sflag:s12] =	ssyncadd.s32 $0xFFFFD8F0  }
0x1b: {  	[tilespmem:s13], [sflag:$0xB] =	stream.linear.gather [hbm4b:s8+s3], $0x2710, $0x38;
	[tilespmem:$0x1E820] =	vst v63  }
0x1c: {  	_ =	swait.ge [sflag:s12], $0x2710  }
0x1d: {  	[sflag:s12] =	ssyncset.done $0x0  }
0x1e: {  	[sflag:s12] =	ssyncadd.s32 $0xFFFFD8F0  }
0x1f: {  	[bflag:$0x0] =	sbarrier.arrive $0xFFFF  }
0x20: {  	[tilespmem:s15], [sflag:$0x1] =	stream.indirect.gather [hbm4b:s4+s14], $0x40, s3, s14, $0xb8;
	[tilespmem:$0x1E820] =	vst v63  }
0x21: {  	_ = 	snop  }
0x22: {  	[tilespmem:s16], [sflag:$0x2] =	stream.indirect.gather [hbm4b:s4+s14], $0x40, s14, s14, $0xb8;
	[tilespmem:$0x1E820] =	vst v63  }
0x23: {  	s21 =	simm.s32 $0x190  }
0x24: {  	[tilespmem:s18], [sflag:$0x3] =	stream.indirect.gather [hbm4b:s4+s14], $0x40, s21, s14, $0xb8;
	[tilespmem:$0x1E820] =	vst v63  }
0x25: {  	s19 =	simm.s32 $0x258  }
0x26: {  	[tilespmem:s20], [sflag:$0x4] =	stream.indirect.gather [hbm4b:s4+s14], $0x40, s19, s14, $0xb8;
	[tilespmem:$0x1E820] =	vst v63  }
0x27: {  	s21 =	simm.s32 $0x320  }
0x28: {  	[tilespmem:s22], [sflag:$0x5] =	stream.indirect.gather [hbm4b:s4+s14], $0x40, s21, s14, $0xb8;
	[tilespmem:$0x1E820] =	vst v63  }
0x29: {  	_ =	swait.ge [sflag:s23], $0x3200  }
0x2a: {  	[sflag:s23] =	ssyncset.done $0x0  }
0x2b: {  	s19 =	simm.s32 $0x2710;
	[sflag:s23] =	ssyncadd.s32 $0xFFFFCE00  }
0x2c: {  	[spmem:s2] =	stream.indirect.scatter.add.f32 [tilespmem:s15], [sflag:$0x6], $0x40, s19, s14, $0xb8;
	[tilespmem:$0x1E820] =	vst v63  }
0x2d: {  	_ =	swait.ge [sflag:s24], $0x3200  }
0x2e: {  	[sflag:s24] =	ssyncset.done $0x0  }
0x2f: {  	s13 =	simm.s32 $0x27D8;
	[sflag:s24] =	ssyncadd.s32 $0xFFFFCE00  }
0x30: {  	[spmem:s2] =	stream.indirect.scatter.add.f32 [tilespmem:s16], [sflag:$0x7], $0x40, s13, s14, $0xb8;
	[tilespmem:$0x1E820] =	vst v63  }
0x31: {  	_ =	swait.ge [sflag:s25], $0x3200  }
0x32: {  	[sflag:s25] =	ssyncset.done $0x0  }
0x33: {  	s21 =	simm.s32 $0x28A0;
	[sflag:s25] =	ssyncadd.s32 $0xFFFFCE00  }
0x34: {  	[spmem:s2] =	stream.indirect.scatter.add.f32 [tilespmem:s18], [sflag:$0x8], $0x40, s21, s14, $0xb8;
	[tilespmem:$0x1E820] =	vst v63  }
0x35: {  	_ =	swait.ge [sflag:s26], $0x3200  }
0x36: {  	[sflag:s26] =	ssyncset.done $0x0  }
0x37: {  	s13 =	simm.s32 $0x2968;
	[sflag:s26] =	ssyncadd.s32 $0xFFFFCE00  }
0x38: {  	[spmem:s2] =	stream.indirect.scatter.add.f32 [tilespmem:s20], [sflag:$0x9], $0x40, s13, s14, $0xb8;
	[tilespmem:$0x1E820] =	vst v63  }
0x39: {  	_ =	swait.ge [sflag:s28], $0x3200  }
0x3a: {  	[sflag:s28] =	ssyncset.done $0x0  }
0x3b: {  	s21 =	simm.s32 $0x2A30;
	[sflag:s28] =	ssyncadd.s32 $0xFFFFCE00  }
0x3c: {  	[spmem:s2] =	stream.indirect.scatter.add.f32 [tilespmem:s22], [sflag:$0xA], $0x40, s21, s14, $0xb8;
	[tilespmem:$0x1E820] =	vst v63  }
0x3d: {  	_ =	swait.ge [sflag:s29], $0x3200  }
0x3e: {  	[sflag:s29] =	ssyncset.done $0x0  }
0x3f: {  	s13 =	simm.s32 $0x3E8;
	[sflag:s29] =	ssyncadd.s32 $0xFFFFCE00  }
0x40: {  	[tilespmem:s15], [sflag:$0x1] =	stream.indirect.gather [hbm4b:s4+s14], $0x40, s13, s14, $0xb8;
	[tilespmem:$0x1E820] =	vst v63  }
0x41: {  	_ =	swait.ge [sflag:s30], $0x3200  }
0x42: {  	[sflag:s30] =	ssyncset.done $0x0  }
0x43: {  	s21 =	simm.s32 $0x4B0;
	[sflag:s30] =	ssyncadd.s32 $0xFFFFCE00  }
0x44: {  	[tilespmem:s16], [sflag:$0x2] =	stream.indirect.gather [hbm4b:s4+s14], $0x40, s21, s14, $0xb8;
	[tilespmem:$0x1E820] =	vst v63  }
0x45: {  	_ =	swait.ge [sflag:s31], $0x3200  }
0x46: {  	[sflag:s31] =	ssyncset.done $0x0  }
0x47: {  	s13 =	simm.s32 $0x578;
	[sflag:s31] =	ssyncadd.s32 $0xFFFFCE00  }
0x48: {  	[tilespmem:s18], [sflag:$0x3] =	stream.indirect.gather [hbm4b:s4+s14], $0x40, s13, s14, $0xb8;
	[tilespmem:$0x1E820] =	vst v63  }
0x49: {  	_ =	swait.ge [sflag:s0], $0x3200  }
0x4a: {  	[sflag:s0] =	ssyncset.done $0x0  }
0x4b: {  	s21 =	simm.s32 $0x640;
	[sflag:s0] =	ssyncadd.s32 $0xFFFFCE00  }
0x4c: {  	[tilespmem:s20], [sflag:$0x4] =	stream.indirect.gather [hbm4b:s4+s14], $0x40, s21, s14, $0xb8;
	[tilespmem:$0x1E820] =	vst v63  }
0x4d: {  	_ =	swait.ge [sflag:s1], $0x3200  }
0x4e: {  	[sflag:s1] =	ssyncset.done $0x0  }
0x4f: {  	s19 =	simm.s32 $0xFA0;
	s21 =	simm.s32 $0x708;
	[sflag:s1] =	ssyncadd.s32 $0xFFFFCE00  }
.LBB2_2:
0x50: {  	[tilespmem:s22], [sflag:$0x5] =	stream.indirect.gather [hbm4b:s4+s14], $0x40, s21, s14, $0xb8;
	[tilespmem:$0x1E820] =	vst v63  }
0x51: {  	s21 =	smov.u32 s19  }
0x52: {  	p0 =	sne.s32 s19, $0x7D00;
	s19 =	sadd.s32 $0xFA0, s19;
	_ =	swait.ge [sflag:s23], $0x3200  }
0x53: {  	s21 =	sshra.s32 s21, $0x2;
	[sflag:s23] =	ssyncset.done $0x0  }
0x54: {  	s13 =	sadd.s32 $0x2710, s21;
	[sflag:s23] =	ssyncadd.s32 $0xFFFFCE00  }
0x55: {  	[spmem:s2] =	stream.indirect.scatter.add.f32 [tilespmem:s15], [sflag:$0x6], $0x40, s13, s14, $0xb8;
	[tilespmem:$0x1E820] =	vst v63  }
0x56: {  	_ =	swait.ge [sflag:s24], $0x3200  }
0x57: {  	[sflag:s24] =	ssyncset.done $0x0  }
0x58: {  	s13 =	sadd.s32 $0x27D8, s21;
	[sflag:s24] =	ssyncadd.s32 $0xFFFFCE00  }
0x59: {  	[spmem:s2] =	stream.indirect.scatter.add.f32 [tilespmem:s16], [sflag:$0x7], $0x40, s13, s14, $0xb8;
	[tilespmem:$0x1E820] =	vst v63  }
0x5a: {  	_ =	swait.ge [sflag:s25], $0x3200  }
0x5b: {  	[sflag:s25] =	ssyncset.done $0x0  }
0x5c: {  	s13 =	sadd.s32 $0x28A0, s21;
	[sflag:s25] =	ssyncadd.s32 $0xFFFFCE00  }
0x5d: {  	[spmem:s2] =	stream.indirect.scatter.add.f32 [tilespmem:s18], [sflag:$0x8], $0x40, s13, s14, $0xb8;
	[tilespmem:$0x1E820] =	vst v63  }
0x5e: {  	_ =	swait.ge [sflag:s26], $0x3200  }
0x5f: {  	[sflag:s26] =	ssyncset.done $0x0  }
0x60: {  	s13 =	sadd.s32 $0x2968, s21;
	[sflag:s26] =	ssyncadd.s32 $0xFFFFCE00  }
0x61: {  	[spmem:s2] =	stream.indirect.scatter.add.f32 [tilespmem:s20], [sflag:$0x9], $0x40, s13, s14, $0xb8;
	[tilespmem:$0x1E820] =	vst v63  }
0x62: {  	_ =	swait.ge [sflag:s28], $0x3200  }
0x63: {  	[sflag:s28] =	ssyncset.done $0x0  }
0x64: {  	s13 =	sadd.s32 $0x2A30, s21;
	[sflag:s28] =	ssyncadd.s32 $0xFFFFCE00  }
0x65: {  	[spmem:s2] =	stream.indirect.scatter.add.f32 [tilespmem:s22], [sflag:$0xA], $0x40, s13, s14, $0xb8;
	[tilespmem:$0x1E820] =	vst v63  }
0x66: {  	_ =	swait.ge [sflag:s29], $0x3200  }
0x67: {  	[sflag:s29] =	ssyncset.done $0x0  }
0x68: {  	s13 =	sadd.s32 $0x3E8, s21;
	[sflag:s29] =	ssyncadd.s32 $0xFFFFCE00  }
0x69: {  	[tilespmem:s15], [sflag:$0x1] =	stream.indirect.gather [hbm4b:s4+s14], $0x40, s13, s14, $0xb8;
	[tilespmem:$0x1E820] =	vst v63  }
0x6a: {  	_ =	swait.ge [sflag:s30], $0x3200  }
0x6b: {  	[sflag:s30] =	ssyncset.done $0x0  }
0x6c: {  	s13 =	sadd.s32 $0x4B0, s21;
	[sflag:s30] =	ssyncadd.s32 $0xFFFFCE00  }
0x6d: {  	[tilespmem:s16], [sflag:$0x2] =	stream.indirect.gather [hbm4b:s4+s14], $0x40, s13, s14, $0xb8;
	[tilespmem:$0x1E820] =	vst v63  }
0x6e: {  	_ =	swait.ge [sflag:s31], $0x3200  }
0x6f: {  	[sflag:s31] =	ssyncset.done $0x0  }
0x70: {  	s13 =	sadd.s32 $0x578, s21;
	[sflag:s31] =	ssyncadd.s32 $0xFFFFCE00  }
0x71: {  	[tilespmem:s18], [sflag:$0x3] =	stream.indirect.gather [hbm4b:s4+s14], $0x40, s13, s14, $0xb8;
	[tilespmem:$0x1E820] =	vst v63  }
0x72: {  	_ =	swait.ge [sflag:s0], $0x3200  }
0x73: {  	[sflag:s0] =	ssyncset.done $0x0  }
.Ltmp0:
0x74: {  	s13 =	sadd.s32 $0x640, s21;
	[sflag:s0] =	ssyncadd.s32 $0xFFFFCE00;
	(pc) =	sbr.rel @p0 .LBB2_2-.Ltmp0, $4  }
0x75: {  	[tilespmem:s20], [sflag:$0x4] =	stream.indirect.gather [hbm4b:s4+s14], $0x40, s13, s14, $0xb8;
	[tilespmem:$0x1E820] =	vst v63  }
0x76: {  	_ =	swait.ge [sflag:s1], $0x3200  }
0x77: {  	[sflag:s1] =	ssyncset.done $0x0  }
0x78: {  	s21 =	sadd.s32 $0x708, s21;
	[sflag:s1] =	ssyncadd.s32 $0xFFFFCE00  }
0x79: {  	[tilespmem:s22], [sflag:$0x5] =	stream.indirect.gather [hbm4b:s4+s14], $0x40, s21, s14, $0xb8;
	[tilespmem:$0x1E820] =	vst v63  }
0x7a: {  	_ =	swait.ge [sflag:s23], $0x3200  }
0x7b: {  	[sflag:s23] =	ssyncset.done $0x0  }
0x7c: {  	s13 =	simm.s32 $0x4A38;
	[sflag:s23] =	ssyncadd.s32 $0xFFFFCE00  }
0x7d: {  	[spmem:s2] =	stream.indirect.scatter.add.f32 [tilespmem:s15], [sflag:$0x6], $0x40, s13, s14, $0xb8;
	[tilespmem:$0x1E820] =	vst v63  }
0x7e: {  	_ =	swait.ge [sflag:s24], $0x3200  }
0x7f: {  	[sflag:s24] =	ssyncset.done $0x0  }
0x80: {  	s19 =	simm.s32 $0x4B00;
	[sflag:s24] =	ssyncadd.s32 $0xFFFFCE00  }
0x81: {  	[spmem:s2] =	stream.indirect.scatter.add.f32 [tilespmem:s16], [sflag:$0x7], $0x40, s19, s14, $0xb8;
	[tilespmem:$0x1E820] =	vst v63  }
0x82: {  	_ =	swait.ge [sflag:s25], $0x3200  }
0x83: {  	[sflag:s25] =	ssyncset.done $0x0  }
0x84: {  	s21 =	simm.s32 $0x4BC8;
	[sflag:s25] =	ssyncadd.s32 $0xFFFFCE00  }
0x85: {  	[spmem:s2] =	stream.indirect.scatter.add.f32 [tilespmem:s18], [sflag:$0x8], $0x40, s21, s14, $0xb8;
	[tilespmem:$0x1E820] =	vst v63  }
0x86: {  	_ =	swait.ge [sflag:s26], $0x3200  }
0x87: {  	[sflag:s26] =	ssyncset.done $0x0  }
0x88: {  	s19 =	simm.s32 $0x4C90;
	[sflag:s26] =	ssyncadd.s32 $0xFFFFCE00  }
0x89: {  	[spmem:s2] =	stream.indirect.scatter.add.f32 [tilespmem:s20], [sflag:$0x9], $0x40, s19, s14, $0xb8;
	[tilespmem:$0x1E820] =	vst v63  }
0x8a: {  	_ =	swait.ge [sflag:s28], $0x3200  }
0x8b: {  	[sflag:s28] =	ssyncset.done $0x0  }
0x8c: {  	s21 =	simm.s32 $0x4D58;
	[sflag:s28] =	ssyncadd.s32 $0xFFFFCE00  }
0x8d: {  	[spmem:s2] =	stream.indirect.scatter.add.f32 [tilespmem:s22], [sflag:$0xA], $0x40, s21, s14, $0xb8;
	[tilespmem:$0x1E820] =	vst v63  }
0x8e: {  	_ =	swait.ge [sflag:s29], $0x3200  }
0x8f: {  	[sflag:s29] =	ssyncset.done $0x0  }
0x90: {  	[sflag:s29] =	ssyncadd.s32 $0xFFFFCE00  }
0x91: {  	_ =	swait.ge [sflag:s30], $0x3200  }
0x92: {  	[sflag:s30] =	ssyncset.done $0x0  }
0x93: {  	[sflag:s30] =	ssyncadd.s32 $0xFFFFCE00  }
0x94: {  	_ =	swait.ge [sflag:s31], $0x3200  }
0x95: {  	[sflag:s31] =	ssyncset.done $0x0  }
0x96: {  	[sflag:s31] =	ssyncadd.s32 $0xFFFFCE00  }
0x97: {  	_ =	swait.ge [sflag:s0], $0x3200  }
0x98: {  	[sflag:s0] =	ssyncset.done $0x0  }
0x99: {  	[sflag:s0] =	ssyncadd.s32 $0xFFFFCE00  }
0x9a: {  	_ =	swait.ge [sflag:s1], $0x3200  }
0x9b: {  	s17 =	sadd.s32 $0x1, s17;
	[sflag:s1] =	ssyncset.done $0x0  }
0x9c: {  	p0 =	sne.s32 s17, s10;
	[sflag:s1] =	ssyncadd.s32 $0xFFFFCE00  }
.Ltmp1:
0x9d: {  	[bflag:$0x0] =	sbarrier.arrive $0xFFFF;
	(pc) =	sbr.rel @p0 .LBB2_1-.Ltmp1, $4  }
0x9e: {  	[hbm:s9], [sflag:s7] =	dma.local [spmem:s11], $0x1400  }
0x9f: {  	_ =	swait.ge [sflag:s12], $0x1400  }
0xa0: {  	[sflag:s12] =	ssyncset.done $0x0  }
0xa1: {  	[sflag:s12] =	ssyncadd.s32 $0xFFFFEC00  }
0xa2: {  	_ =	sfence.sel $0x180000  }
0xa3: {  	[bflag:$0x0] =	sbarrier.arrive $0xFFFF  }
0xa4: {  	_ =	strace $0x9000004A  }
0xa5: {  	s0 =	stileid.u32;
	[bflag:$0x2] =	sbarrier.arrive $0xFFFF  }
0xa6: {  	p0 =	sne.s32 s0, $0x0;
	s0 =	rddreg [dreg:$0x3]  }
0xa7: {  	s0 =	sadd.s32 @!p0 $0x100000, s0  }
0xa8: {  	[sflag:s0] =	ssyncadd.tile.s32 @!p0 $0x1;
	_ =	shalt  }
.Lfunc_end2:
_tile_overlayer_lowered:
.L_overlay_start_2:
0xa9: {  	(tag) =	ssettag $0x2  }
0xaa: {  	s0 =	rddreg [dreg:$0x0];
	s2 =	stileid.u32  }
0xab: {  	s1 =	rddreg [dreg:$0x1];
	p0 =	sne.s32 s2, $0x0  }
0xac: {  	s3 =	rddreg [dreg:$0x2];
	[bflag:$0x3] =	sbarrier.arrive $0xFFFF;
	s2 =	simm.s32 @!p0 $0x1C0B  }
0xad: {  	[timem:s3], [sflag:s2] =	dma.local @!p0 [hbm:s0], s1  }
0xae: {  	s0 =	simm.s32 @!p0 $0xB  }
0xaf: {  	_ =	swait.ge @!p0 [sflag:s0], s1  }
0xb0: {  	s1 =	ssub.s32 @!p0 $0x0, s1;
	[sflag:s0] =	ssyncset.done @!p0 $0x0  }
0xb1: {  	[sflag:s0] =	ssyncadd.s32 @!p0 s1  }
0xb2: {  	[bflag:$0x3] =	sbarrier.arrive $0xFFFF  }
0xb3: {  	_ =	shalt  }

// kernel: kernel.15.cloned.1.call-start
scs
__scs_entry_jumppad:
0x0: {  	(pc) =	sbr.rel $0x88, $3  }
0x1: {  	(tag) =	ssettag $0x0;
	lr =	simm.s32 $0x1  }
0x2: {  	[smem:$0x3F9B] =	sst lr;
	_ =	strace $0xD0000000  }
0x3: {  	_ = 	snop  }
0x4: {  	_ = 	snop  }
0x5: {  	_ = 	snop  }
0x6: {  	_ = 	snop  }
0x7: {  	_ = 	snop  }
__scs_overlays_trampoline_lowered:
0x8: {  	[smem:$0x3FAA] =	sst s0  }
0x9: {  	[smem:$0x3FAB] =	sst s1  }
0xa: {  	[smem:$0x3FAC] =	sst s2  }
0xb: {  	[smem:$0x3FAD] =	sst s3  }
0xc: {  	[smem:$0x3FAE] =	sst s4  }
0xd: {  	[smem:$0x3FAF] =	sst s5  }
0xe: {  	[smem:$0x3FB0] =	sst s6  }
0xf: {  	[smem:$0x3FB1] =	sst s7  }
0x10: {  	[smem:$0x3FB2] =	sst s8  }
0x11: {  	[smem:$0x3FB3] =	sst s9;
	s0 =	simm.s32 @!p0 $0x0  }
0x12: {  	s1 =	sld [smem:$0x3F99];
	s0 =	simm.s32 @p0 $0x1  }
0x13: {  	[smem:$0x3FB4] =	sst s0;
	s0 =	simm.s32 @!p1 $0x0  }
0x14: {  	s2 =	sld [smem:$0x3F98];
	s0 =	simm.s32 @p1 $0x1  }
0x15: {  	[smem:$0x3FB5] =	sst s0;
	s0 =	simm.s32 @!p2 $0x0  }
0x16: {  	s3 =	sld [smem:$0x3FDB];
	s0 =	simm.s32 @p2 $0x1  }
0x17: {  	s4 =	simm.s32 $0x1BF5;
	[smem:$0x3FB7] =	sst s0  }
0x18: {  	s0 =	sld [smem:$0x3F9A];
	_ =	swait.ge [sflag:s4], $0x0  }
0x19: {  	s7 =	sld [smem:$0x3F9B]  }
0x1a: {  	s8 =	sadd.s32 $0xFFFFE003, lr  }
0x1b: {  	s9 =	sadd.s32 $0xFFFFFEF7, lr;
	s5 =	simm.s32 $0xFFFFFFFF;
	p2 =	slt.u32 s8, $0xFFFFF086  }
0x1c: {  	p1 =	slt.u32 s9, $0xF7A;
	s5 =	simm.s32 @!p2 $0x0  }
0x1d: {  	s5 =	simm.s32 @p1 $0x1;
	p0 =	seq.s32 s7, s2  }
0x1e: {  	s7 =	smul.u32 @!p0 $0xF7A, s2;
	p2 =	seq.s32 @!p0 s5, $0x0  }
0x1f: {  	s9 =	smul.u32 $0xF7A, s1;
	s8 =	simm.s32 @!p0 $0x1BF5;
	p2 =	por !p2, p0  }
0x20: {  	[sflag:s8] =	ssyncset.s32 @!p0 $0xFFFFF086;
	s6 =	sadd.s32 @!p0 s3, s7;
	s7 =	simm.s32 @!p0 $0x108  }
0x21: {  	s3 =	sadd.s32 s3, s9;
	s6 =	sadd.s32 @!p0 $0x88, s6;
	s7 =	simm.s32 @p2 $0x1082  }
0x22: {  	[simem:s7], [sflag:s8] =	dma.local @!p0 [hbm:s6], $0xF7A  }
0x23: {  	s9 =	sor.u32 $0xD0000000, s2;
	s6 =	simm.s32 $0x108;
	_ =	swait.ge @!p0 [sflag:s8], $0x0  }
0x24: {  	s3 =	sadd.s32 $0x88, s3;
	s6 =	simm.s32 @!p1 $0x1082;
	[sflag:s4] =	ssyncset.s32 $0xFFFFF086  }
0x25: {  	[simem:s6], [sflag:s4] =	dma.local [hbm:s3], $0xF7A  }
0x26: {  	[smem:$0x3F9B] =	sst s1;
	(tag) =	ssettag s2;
	_ =	strace s9  }
0x27: {  	s1 =	sld [smem:$0x3FAB]  }
0x28: {  	s2 =	sld [smem:$0x3FAC]  }
0x29: {  	s4 =	sld [smem:$0x3FAE]  }
0x2a: {  	p0 =	seq.s32 s5, $0x0;
	s5 =	sld [smem:$0x3FAF]  }
0x2b: {  	s6 =	sld [smem:$0x3FB0]  }
0x2c: {  	s7 =	sld [smem:$0x3FB1]  }
0x2d: {  	s3 =	simm.s32 $0x108;
	s8 =	sld [smem:$0x3FB2]  }
0x2e: {  	s3 =	simm.s32 @!p0 $0x1082;
	s9 =	sld [smem:$0x3FB3]  }
0x2f: {  	lr =	sadd.s32 s0, s3;
	s0 =	sld [smem:$0x3FAA]  }
0x30: {  	s3 =	sld [smem:$0x3FAD]  }
0x31: {  	[smem:$0x3FB6] =	sst s10  }
0x32: {  	s10 =	sld [smem:$0x3FB4];
	_ =	sdelay $0x3  }
0x33: {  	p0 =	seq.s32 s10, $0x1;
	s10 =	sld [smem:$0x3FB6];
	_ =	sdelay $0x3  }
0x34: {  	[smem:$0x3FB6] =	sst s10  }
0x35: {  	s10 =	sld [smem:$0x3FB5];
	_ =	sdelay $0x3  }
0x36: {  	p1 =	seq.s32 s10, $0x1;
	s10 =	sld [smem:$0x3FB6];
	_ =	sdelay $0x3  }
0x37: {  	[smem:$0x3FB6] =	sst s10  }
0x38: {  	s10 =	sld [smem:$0x3FB7]  }
0x39: {  	_ = 	snop;
	(pc) =	sbr.ind lr, $3  }
0x3a: {  	_ = 	snop  }
0x3b: {  	_ = 	snop  }
0x3c: {  	p2 =	seq.s32 s10, $0x1;
	s10 =	sld [smem:$0x3FB6]  }
0x3d: {  	_ =	shalt  }
0x3e: {  	_ =	shalt  }
0x3f: {  	_ =	shalt  }
0x40: {  	_ =	shalt  }
0x41: {  	_ =	shalt  }
0x42: {  	_ =	shalt  }
0x43: {  	_ =	shalt  }
0x44: {  	_ =	shalt  }
0x45: {  	_ =	shalt  }
0x46: {  	_ =	shalt  }
0x47: {  	_ =	shalt  }
0x48: {  	_ =	shalt  }
0x49: {  	_ =	shalt  }
0x4a: {  	_ =	shalt  }
0x4b: {  	_ =	shalt  }
0x4c: {  	_ =	shalt  }
0x4d: {  	_ =	shalt  }
0x4e: {  	_ =	shalt  }
0x4f: {  	_ =	shalt  }
0x50: {  	_ =	shalt  }
0x51: {  	_ =	shalt  }
0x52: {  	_ =	shalt  }
0x53: {  	_ =	shalt  }
0x54: {  	_ =	shalt  }
0x55: {  	_ =	shalt  }
0x56: {  	_ =	shalt  }
0x57: {  	_ =	shalt  }
0x58: {  	_ =	shalt  }
0x59: {  	_ =	shalt  }
0x5a: {  	_ =	shalt  }
0x5b: {  	_ =	shalt  }
0x5c: {  	_ =	shalt  }
0x5d: {  	_ =	shalt  }
0x5e: {  	_ =	shalt  }
0x5f: {  	_ =	shalt  }
0x60: {  	_ =	shalt  }
0x61: {  	_ =	shalt  }
0x62: {  	_ =	shalt  }
0x63: {  	_ =	shalt  }
0x64: {  	_ =	shalt  }
0x65: {  	_ =	shalt  }
0x66: {  	_ =	shalt  }
0x67: {  	_ =	shalt  }
0x68: {  	_ =	shalt  }
0x69: {  	_ =	shalt  }
0x6a: {  	_ =	shalt  }
0x6b: {  	_ =	shalt  }
0x6c: {  	_ =	shalt  }
0x6d: {  	_ =	shalt  }
0x6e: {  	_ =	shalt  }
0x6f: {  	_ =	shalt  }
0x70: {  	_ =	shalt  }
0x71: {  	_ =	shalt  }
0x72: {  	_ =	shalt  }
0x73: {  	_ =	shalt  }
0x74: {  	_ =	shalt  }
0x75: {  	_ =	shalt  }
0x76: {  	_ =	shalt  }
0x77: {  	_ =	shalt  }
0x78: {  	_ =	shalt  }
0x79: {  	_ =	shalt  }
0x7a: {  	_ =	shalt  }
0x7b: {  	_ =	shalt  }
0x7c: {  	_ =	shalt  }
0x7d: {  	_ =	shalt  }
0x7e: {  	_ =	shalt  }
0x7f: {  	_ =	shalt  }
0x80: {  	_ =	shalt  }
0x81: {  	_ =	shalt  }
0x82: {  	_ =	shalt  }
0x83: {  	_ =	shalt  }
0x84: {  	_ =	shalt  }
0x85: {  	_ =	shalt  }
0x86: {  	_ =	shalt  }
0x87: {  	_ =	shalt  }
.Lfunc_end0:
.L_simem_size_0:
called_computation.2_lowered:
.L_overlay_start_0:
0x88: {  	s2 =	sld [smem:$0x3FD9]  }
0x89: {  	s3 =	sld [smem:$0x3FFE];
	_ =	sdelay $0x1  }
0x8a: {  	s1 =	srdreg.scid  }
0x8b: {  	s0 =	sand.u32 $0x1, s1  }
0x8c: {  	s17 =	sshll.u32 s0, $0xA;
	s2 =	sadd.s32 s3, s2  }
0x8d: {  	s2 =	sadd.s32 s2, s17  }
0x8e: {  	[smem:$0x3FC2] =	sst s2  }
0x8f: {  	_ = 	snop  }
0x90: {  	s2 =	sld [smem:$0x3FD0];
	(tm) =	ssettm $0x1  }
0x91: {  	s18 =	sld [smem:$0x3FFB];
	_ =	sdelay $0x3  }
0x92: {  	_ =	strace s18  }
0x93: {  	s3 =	sld [smem:$0x3FFC];
	_ =	sdelay $0x3  }
0x94: {  	_ =	strace s3  }
0x95: {  	s3 =	sld [smem:$0x3FFD];
	_ =	sdelay $0x3  }
0x96: {  	_ =	strace s3  }
0x97: {  	_ =	strace $0x8FFFFFFF  }
0x98: {  	s19 =	sld [smem:$0x3FDB];
	_ =	sdelay $0x1  }
0x99: {  	s4 =	simm.s32 $_scs_section_size  }
0x9a: {  	s5 =	simm.s32 $_size__tile_overlayer_lowered;
	s6 =	simm.s32 $_tile_overlayer_lowered  }
0x9b: {  	s22 =	simm.s32 $0x1BFF;
	s21 =	sshll.u32 s6, $0x1;
	s3 =	sadd.s32 s4, s19  }
0x9c: {  	s7 =	simm.s32 $0x0;
	s20 =	sshll.u32 s5, $0x1;
	s5 =	sadd.s32 s21, s3  }
0x9d: {  	[timem:s7], [sflag:s22] =	dma.local [hbm:s5], s20  }
0x9e: {  	_ =	swait.ge [sflag:s22], s20  }
0x9f: {  	s4 =	ssub.s32 $0x0, s20;
	[sflag:s22] =	ssyncset.done $0x0  }
0xa0: {  	[sflag:s22] =	ssyncadd.s32 s4;
	_ =	sdelay $0x1  }
0xa1: {  	s23 =	simm.s32 $0x1B8B  }
0xa2: {  	_ =	swait.ge [sflag:s23], $0x1  }
0xa3: {  	[sflag:s23] =	ssyncset.done $0x0  }
0xa4: {  	s25 =	simm.s32 $0x1B8E;
	s24 =	sld [smem:$0x3FFE];
	[sflag:s23] =	ssyncadd.s32 $0xFFFFFFFF  }
0xa5: {  	s26 =	simm.s32 $execute0_lowered;
	[smem:$0x3FD2] =	sst s25  }
0xa6: {  	s5 =	sshll.u32 s26, $0x1;
	_ =	strace $0x8000004C;
	[dreg:$0x1] =	wrdreg $0xFFFFFFFF  }
0xa7: {  	s28 =	simm.s32 $_size_execute0_lowered;
	s3 =	sadd.s32 s3, s5;
	[dreg:$0x0] =	wrdreg $0x0  }
0xa8: {  	s5 =	sshll.u32 s28, $0x1;
	[dreg:$0x2] =	wrdreg s3  }
0xa9: {  	[dreg:$0x3] =	wrdreg s5  }
0xaa: {  	[dreg:$0x4] =	wrdreg $0xC0  }
0xab: {  	_ =	task [dreg:s7], $0x5FFFF  }
0xac: {  	[dreg:$0x1] =	wrdreg $0xFFFFFFFF  }
0xad: {  	[dreg:$0x0] =	wrdreg $0x60  }
0xae: {  	[dreg:$0x2] =	wrdreg s2  }
0xaf: {  	[dreg:$0x3] =	wrdreg s24  }
0xb0: {  	[dreg:$0x4] =	wrdreg $0x148200  }
0xb1: {  	[dreg:$0x5] =	wrdreg $0x9  }
0xb2: {  	_ =	task.clear_ibuf [dreg:s7], $0x6FFFF;
	_ =	strace $0x9000004C  }
0xb3: {  	s29 =	simm.s32 $0x9;
	_ =	strace $0x8000004E  }
0xb4: {  	_ =	swait.ge [sflag:s29], $0x1  }
0xb5: {  	[sflag:s29] =	ssyncadd.s32 $0xFFFFFFFF  }
0xb6: {  	_ =	strace $0x9000004E  }
0xb7: {  	_ =	sfence  }
0xb8: {  	s30 =	sld [smem:$0x0];
	_ =	sdelay $0x2  }
0xb9: {  	s31 =	sshll.u32 s1, $0xD;
	s1 =	sshrl.u32 s1, $0x2  }
0xba: {  	s3 =	sand.u32 $0x4000, s31;
	s1 =	sadd.s32 s1, s30  }
0xbb: {  	s0 =	sor.u32 s3, s0;
	s1 =	sshll.u32 s1, $0x11  }
0xbc: {  	s0 =	sor.u32 s1, s0  }
0xbd: {  	s0 =	sadd.s32 $0x8F2B, s0  }
0xbe: {  	[sflag:s0] =	ssyncadd.remote.s32 $0x1  }
0xbf: {  	_ =	sfence.sel $0xFFFF  }
0xc0: {  	[dreg:$0x0] =	wrdreg $0xFFFFFFFF;
	(pc) =	sbr.abs _section_cstart, $3  }
0xc1: {  	[dreg:$0x1] =	wrdreg $0xFFFFFFFF  }
0xc2: {  	_ =	task.clear_ibuf [dreg:s7], $0x2FFFF;
	_ =	strace $0x9FFFFFFF  }
0xc3: {  	(tm) =	ssettm $0x7FFFFFFF  }
tec
execute0_lowered:
.L_overlay_start_1:
0x0: {  	(tag) =	ssettag $0x1  }
0x1: {  	s0 =	rddreg [dreg:$0x0]  }
0x2: {  	s1 =	rddreg [dreg:$0x1]  }
0x3: {  	s2 =	rddreg [dreg:$0x2];
	s4 =	srdreg.scid  }
0x4: {  	s11 =	stileid.u32;
	s3 =	simm.s32 $0x0;
	s12 =	simm.s32 $0xB  }
0x5: {  	s14 =	simm.s32 $0xC8;
	s15 =	simm.s32 $0x4E20;
	s16 =	simm.s32 $0x8020  }
0x6: {  	s18 =	simm.s32 $0xB220;
	s20 =	simm.s32 $0xE420;
	s22 =	simm.s32 $0x11620  }
0x7: {  	s28 =	simm.s32 $0x5;
	s29 =	simm.s32 $0x6;
	s30 =	simm.s32 $0x7  }
0x8: {  	s31 =	simm.s32 $0x8;
	s17 =	simm.s32 $0x0;
	s6 =	sand.u32 $0x1, s4  }
0x9: {  	s7 =	smul.u32 $0xA000, s11;
	[smem:$0x7FF] =	sst s3;
	s23 =	sshll.u32 s11, $0x1  }
0xa: {  	s4 =	sadd.s32 $0x1E00, s1;
	s25 =	sshll.u32 s11, $0x6;
	s5 =	smul.u32 $0xA0000, s6  }
0xb: {  	_ =	strace $0x8000004D;
	s8 =	sor.u32 s6, s23;
	s6 =	ssub.s32 $0x2, s6  }
0xc: {  	s23 =	simm.s32 $0x1;
	s8 =	smul.u32 $0x2710, s8;
	s24 =	sshrl.u32 s6, $0x1  }
0xd: {  	s26 =	sadd.s32 s7, s2;
	s9 =	sadd.s32 s7, s5;
	s5 =	sadd.s32 $0x15800, s1  }
0xe: {  	s10 =	ssub.s32 s6, s24;
	s7 =	sor.u32 $0x1C0B, s25;
	s11 =	sshrl.u32 s26, $0x3  }
0xf: {  	s24 =	simm.s32 $0x2;
	s25 =	simm.s32 $0x3;
	s26 =	simm.s32 $0x4  }
0x10: {  	s9 =	sshrl.u32 s9, $0x3;
	s8 =	sshrl.u32 s8, $0x3;
	s10 =	smax.u32 s10, $0x1  }
0x11: {  	s1 =	sadd.s32 s9, s1;
	s6 =	sadd.s32 s0, s8;
	s0 =	simm.s32 $0x9  }
0x12: {  	s8 =	sadd.s32 $0x9C40, s6;
	s9 =	sadd.s32 $0x16C00, s1;
	s1 =	simm.s32 $0xA  }
.LBB2_1:
0x13: {  	[spmem:s11], [sflag:s7] =	dma.local [hbm:s5], $0x1400  }
0x14: {  	_ =	swait.ge [sflag:s12], $0x1400  }
0x15: {  	[sflag:s12] =	ssyncset.done $0x0  }
0x16: {  	[sflag:s12] =	ssyncadd.s32 $0xFFFFEC00  }
0x17: {  	[tilespmem:s3], [sflag:$0xB] =	stream.linear.gather [hbm4b:s6+s3], $0x2710, $0x38;
	[tilespmem:$0x1E820] =	vst v63  }
0x18: {  	_ =	swait.ge [sflag:s12], $0x2710  }
0x19: {  	[sflag:s12] =	ssyncset.done $0x0  }
0x1a: {  	s13 =	simm.s32 $0x2710;
	[sflag:s12] =	ssyncadd.s32 $0xFFFFD8F0  }
0x1b: {  	[tilespmem:s13], [sflag:$0xB] =	stream.linear.gather [hbm4b:s8+s3], $0x2710, $0x38;
	[tilespmem:$0x1E820] =	vst v63  }
0x1c: {  	_ =	swait.ge [sflag:s12], $0x2710  }
0x1d: {  	[sflag:s12] =	ssyncset.done $0x0  }
0x1e: {  	[sflag:s12] =	ssyncadd.s32 $0xFFFFD8F0  }
0x1f: {  	[bflag:$0x0] =	sbarrier.arrive $0xFFFF  }
0x20: {  	[tilespmem:s15], [sflag:$0x1] =	stream.indirect.gather [hbm4b:s4+s14], $0x40, s3, s14, $0xb8;
	[tilespmem:$0x1E820] =	vst v63  }
0x21: {  	_ = 	snop  }
0x22: {  	[tilespmem:s16], [sflag:$0x2] =	stream.indirect.gather [hbm4b:s4+s14], $0x40, s14, s14, $0xb8;
	[tilespmem:$0x1E820] =	vst v63  }
0x23: {  	s21 =	simm.s32 $0x190  }
0x24: {  	[tilespmem:s18], [sflag:$0x3] =	stream.indirect.gather [hbm4b:s4+s14], $0x40, s21, s14, $0xb8;
	[tilespmem:$0x1E820] =	vst v63  }
0x25: {  	s19 =	simm.s32 $0x258  }
0x26: {  	[tilespmem:s20], [sflag:$0x4] =	stream.indirect.gather [hbm4b:s4+s14], $0x40, s19, s14, $0xb8;
	[tilespmem:$0x1E820] =	vst v63  }
0x27: {  	s21 =	simm.s32 $0x320  }
0x28: {  	[tilespmem:s22], [sflag:$0x5] =	stream.indirect.gather [hbm4b:s4+s14], $0x40, s21, s14, $0xb8;
	[tilespmem:$0x1E820] =	vst v63  }
0x29: {  	_ =	swait.ge [sflag:s23], $0x3200  }
0x2a: {  	[sflag:s23] =	ssyncset.done $0x0  }
0x2b: {  	s19 =	simm.s32 $0x2710;
	[sflag:s23] =	ssyncadd.s32 $0xFFFFCE00  }
0x2c: {  	[spmem:s2] =	stream.indirect.scatter.add.f32 [tilespmem:s15], [sflag:$0x6], $0x40, s19, s14, $0xb8;
	[tilespmem:$0x1E820] =	vst v63  }
0x2d: {  	_ =	swait.ge [sflag:s24], $0x3200  }
0x2e: {  	[sflag:s24] =	ssyncset.done $0x0  }
0x2f: {  	s13 =	simm.s32 $0x27D8;
	[sflag:s24] =	ssyncadd.s32 $0xFFFFCE00  }
0x30: {  	[spmem:s2] =	stream.indirect.scatter.add.f32 [tilespmem:s16], [sflag:$0x7], $0x40, s13, s14, $0xb8;
	[tilespmem:$0x1E820] =	vst v63  }
0x31: {  	_ =	swait.ge [sflag:s25], $0x3200  }
0x32: {  	[sflag:s25] =	ssyncset.done $0x0  }
0x33: {  	s21 =	simm.s32 $0x28A0;
	[sflag:s25] =	ssyncadd.s32 $0xFFFFCE00  }
0x34: {  	[spmem:s2] =	stream.indirect.scatter.add.f32 [tilespmem:s18], [sflag:$0x8], $0x40, s21, s14, $0xb8;
	[tilespmem:$0x1E820] =	vst v63  }
0x35: {  	_ =	swait.ge [sflag:s26], $0x3200  }
0x36: {  	[sflag:s26] =	ssyncset.done $0x0  }
0x37: {  	s13 =	simm.s32 $0x2968;
	[sflag:s26] =	ssyncadd.s32 $0xFFFFCE00  }
0x38: {  	[spmem:s2] =	stream.indirect.scatter.add.f32 [tilespmem:s20], [sflag:$0x9], $0x40, s13, s14, $0xb8;
	[tilespmem:$0x1E820] =	vst v63  }
0x39: {  	_ =	swait.ge [sflag:s28], $0x3200  }
0x3a: {  	[sflag:s28] =	ssyncset.done $0x0  }
0x3b: {  	s21 =	simm.s32 $0x2A30;
	[sflag:s28] =	ssyncadd.s32 $0xFFFFCE00  }
0x3c: {  	[spmem:s2] =	stream.indirect.scatter.add.f32 [tilespmem:s22], [sflag:$0xA], $0x40, s21, s14, $0xb8;
	[tilespmem:$0x1E820] =	vst v63  }
0x3d: {  	_ =	swait.ge [sflag:s29], $0x3200  }
0x3e: {  	[sflag:s29] =	ssyncset.done $0x0  }
0x3f: {  	s13 =	simm.s32 $0x3E8;
	[sflag:s29] =	ssyncadd.s32 $0xFFFFCE00  }
0x40: {  	[tilespmem:s15], [sflag:$0x1] =	stream.indirect.gather [hbm4b:s4+s14], $0x40, s13, s14, $0xb8;
	[tilespmem:$0x1E820] =	vst v63  }
0x41: {  	_ =	swait.ge [sflag:s30], $0x3200  }
0x42: {  	[sflag:s30] =	ssyncset.done $0x0  }
0x43: {  	s21 =	simm.s32 $0x4B0;
	[sflag:s30] =	ssyncadd.s32 $0xFFFFCE00  }
0x44: {  	[tilespmem:s16], [sflag:$0x2] =	stream.indirect.gather [hbm4b:s4+s14], $0x40, s21, s14, $0xb8;
	[tilespmem:$0x1E820] =	vst v63  }
0x45: {  	_ =	swait.ge [sflag:s31], $0x3200  }
0x46: {  	[sflag:s31] =	ssyncset.done $0x0  }
0x47: {  	s13 =	simm.s32 $0x578;
	[sflag:s31] =	ssyncadd.s32 $0xFFFFCE00  }
0x48: {  	[tilespmem:s18], [sflag:$0x3] =	stream.indirect.gather [hbm4b:s4+s14], $0x40, s13, s14, $0xb8;
	[tilespmem:$0x1E820] =	vst v63  }
0x49: {  	_ =	swait.ge [sflag:s0], $0x3200  }
0x4a: {  	[sflag:s0] =	ssyncset.done $0x0  }
0x4b: {  	s21 =	simm.s32 $0x640;
	[sflag:s0] =	ssyncadd.s32 $0xFFFFCE00  }
0x4c: {  	[tilespmem:s20], [sflag:$0x4] =	stream.indirect.gather [hbm4b:s4+s14], $0x40, s21, s14, $0xb8;
	[tilespmem:$0x1E820] =	vst v63  }
0x4d: {  	_ =	swait.ge [sflag:s1], $0x3200  }
0x4e: {  	[sflag:s1] =	ssyncset.done $0x0  }
0x4f: {  	s19 =	simm.s32 $0xFA0;
	s21 =	simm.s32 $0x708;
	[sflag:s1] =	ssyncadd.s32 $0xFFFFCE00  }
.LBB2_2:
0x50: {  	[tilespmem:s22], [sflag:$0x5] =	stream.indirect.gather [hbm4b:s4+s14], $0x40, s21, s14, $0xb8;
	[tilespmem:$0x1E820] =	vst v63  }
0x51: {  	s21 =	smov.u32 s19  }
0x52: {  	p0 =	sne.s32 s19, $0x7D00;
	s19 =	sadd.s32 $0xFA0, s19;
	_ =	swait.ge [sflag:s23], $0x3200  }
0x53: {  	s21 =	sshra.s32 s21, $0x2;
	[sflag:s23] =	ssyncset.done $0x0  }
0x54: {  	s13 =	sadd.s32 $0x2710, s21;
	[sflag:s23] =	ssyncadd.s32 $0xFFFFCE00  }
0x55: {  	[spmem:s2] =	stream.indirect.scatter.add.f32 [tilespmem:s15], [sflag:$0x6], $0x40, s13, s14, $0xb8;
	[tilespmem:$0x1E820] =	vst v63  }
0x56: {  	_ =	swait.ge [sflag:s24], $0x3200  }
0x57: {  	[sflag:s24] =	ssyncset.done $0x0  }
0x58: {  	s13 =	sadd.s32 $0x27D8, s21;
	[sflag:s24] =	ssyncadd.s32 $0xFFFFCE00  }
0x59: {  	[spmem:s2] =	stream.indirect.scatter.add.f32 [tilespmem:s16], [sflag:$0x7], $0x40, s13, s14, $0xb8;
	[tilespmem:$0x1E820] =	vst v63  }
0x5a: {  	_ =	swait.ge [sflag:s25], $0x3200  }
0x5b: {  	[sflag:s25] =	ssyncset.done $0x0  }
0x5c: {  	s13 =	sadd.s32 $0x28A0, s21;
	[sflag:s25] =	ssyncadd.s32 $0xFFFFCE00  }
0x5d: {  	[spmem:s2] =	stream.indirect.scatter.add.f32 [tilespmem:s18], [sflag:$0x8], $0x40, s13, s14, $0xb8;
	[tilespmem:$0x1E820] =	vst v63  }
0x5e: {  	_ =	swait.ge [sflag:s26], $0x3200  }
0x5f: {  	[sflag:s26] =	ssyncset.done $0x0  }
0x60: {  	s13 =	sadd.s32 $0x2968, s21;
	[sflag:s26] =	ssyncadd.s32 $0xFFFFCE00  }
0x61: {  	[spmem:s2] =	stream.indirect.scatter.add.f32 [tilespmem:s20], [sflag:$0x9], $0x40, s13, s14, $0xb8;
	[tilespmem:$0x1E820] =	vst v63  }
0x62: {  	_ =	swait.ge [sflag:s28], $0x3200  }
0x63: {  	[sflag:s28] =	ssyncset.done $0x0  }
0x64: {  	s13 =	sadd.s32 $0x2A30, s21;
	[sflag:s28] =	ssyncadd.s32 $0xFFFFCE00  }
0x65: {  	[spmem:s2] =	stream.indirect.scatter.add.f32 [tilespmem:s22], [sflag:$0xA], $0x40, s13, s14, $0xb8;
	[tilespmem:$0x1E820] =	vst v63  }
0x66: {  	_ =	swait.ge [sflag:s29], $0x3200  }
0x67: {  	[sflag:s29] =	ssyncset.done $0x0  }
0x68: {  	s13 =	sadd.s32 $0x3E8, s21;
	[sflag:s29] =	ssyncadd.s32 $0xFFFFCE00  }
0x69: {  	[tilespmem:s15], [sflag:$0x1] =	stream.indirect.gather [hbm4b:s4+s14], $0x40, s13, s14, $0xb8;
	[tilespmem:$0x1E820] =	vst v63  }
0x6a: {  	_ =	swait.ge [sflag:s30], $0x3200  }
0x6b: {  	[sflag:s30] =	ssyncset.done $0x0  }
0x6c: {  	s13 =	sadd.s32 $0x4B0, s21;
	[sflag:s30] =	ssyncadd.s32 $0xFFFFCE00  }
0x6d: {  	[tilespmem:s16], [sflag:$0x2] =	stream.indirect.gather [hbm4b:s4+s14], $0x40, s13, s14, $0xb8;
	[tilespmem:$0x1E820] =	vst v63  }
0x6e: {  	_ =	swait.ge [sflag:s31], $0x3200  }
0x6f: {  	[sflag:s31] =	ssyncset.done $0x0  }
0x70: {  	s13 =	sadd.s32 $0x578, s21;
	[sflag:s31] =	ssyncadd.s32 $0xFFFFCE00  }
0x71: {  	[tilespmem:s18], [sflag:$0x3] =	stream.indirect.gather [hbm4b:s4+s14], $0x40, s13, s14, $0xb8;
	[tilespmem:$0x1E820] =	vst v63  }
0x72: {  	_ =	swait.ge [sflag:s0], $0x3200  }
0x73: {  	[sflag:s0] =	ssyncset.done $0x0  }
.Ltmp0:
0x74: {  	s13 =	sadd.s32 $0x640, s21;
	[sflag:s0] =	ssyncadd.s32 $0xFFFFCE00;
	(pc) =	sbr.rel @p0 .LBB2_2-.Ltmp0, $4  }
0x75: {  	[tilespmem:s20], [sflag:$0x4] =	stream.indirect.gather [hbm4b:s4+s14], $0x40, s13, s14, $0xb8;
	[tilespmem:$0x1E820] =	vst v63  }
0x76: {  	_ =	swait.ge [sflag:s1], $0x3200  }
0x77: {  	[sflag:s1] =	ssyncset.done $0x0  }
0x78: {  	s21 =	sadd.s32 $0x708, s21;
	[sflag:s1] =	ssyncadd.s32 $0xFFFFCE00  }
0x79: {  	[tilespmem:s22], [sflag:$0x5] =	stream.indirect.gather [hbm4b:s4+s14], $0x40, s21, s14, $0xb8;
	[tilespmem:$0x1E820] =	vst v63  }
0x7a: {  	_ =	swait.ge [sflag:s23], $0x3200  }
0x7b: {  	[sflag:s23] =	ssyncset.done $0x0  }
0x7c: {  	s13 =	simm.s32 $0x4A38;
	[sflag:s23] =	ssyncadd.s32 $0xFFFFCE00  }
0x7d: {  	[spmem:s2] =	stream.indirect.scatter.add.f32 [tilespmem:s15], [sflag:$0x6], $0x40, s13, s14, $0xb8;
	[tilespmem:$0x1E820] =	vst v63  }
0x7e: {  	_ =	swait.ge [sflag:s24], $0x3200  }
0x7f: {  	[sflag:s24] =	ssyncset.done $0x0  }
0x80: {  	s19 =	simm.s32 $0x4B00;
	[sflag:s24] =	ssyncadd.s32 $0xFFFFCE00  }
0x81: {  	[spmem:s2] =	stream.indirect.scatter.add.f32 [tilespmem:s16], [sflag:$0x7], $0x40, s19, s14, $0xb8;
	[tilespmem:$0x1E820] =	vst v63  }
0x82: {  	_ =	swait.ge [sflag:s25], $0x3200  }
0x83: {  	[sflag:s25] =	ssyncset.done $0x0  }
0x84: {  	s21 =	simm.s32 $0x4BC8;
	[sflag:s25] =	ssyncadd.s32 $0xFFFFCE00  }
0x85: {  	[spmem:s2] =	stream.indirect.scatter.add.f32 [tilespmem:s18], [sflag:$0x8], $0x40, s21, s14, $0xb8;
	[tilespmem:$0x1E820] =	vst v63  }
0x86: {  	_ =	swait.ge [sflag:s26], $0x3200  }
0x87: {  	[sflag:s26] =	ssyncset.done $0x0  }
0x88: {  	s19 =	simm.s32 $0x4C90;
	[sflag:s26] =	ssyncadd.s32 $0xFFFFCE00  }
0x89: {  	[spmem:s2] =	stream.indirect.scatter.add.f32 [tilespmem:s20], [sflag:$0x9], $0x40, s19, s14, $0xb8;
	[tilespmem:$0x1E820] =	vst v63  }
0x8a: {  	_ =	swait.ge [sflag:s28], $0x3200  }
0x8b: {  	[sflag:s28] =	ssyncset.done $0x0  }
0x8c: {  	s21 =	simm.s32 $0x4D58;
	[sflag:s28] =	ssyncadd.s32 $0xFFFFCE00  }
0x8d: {  	[spmem:s2] =	stream.indirect.scatter.add.f32 [tilespmem:s22], [sflag:$0xA], $0x40, s21, s14, $0xb8;
	[tilespmem:$0x1E820] =	vst v63  }
0x8e: {  	_ =	swait.ge [sflag:s29], $0x3200  }
0x8f: {  	[sflag:s29] =	ssyncset.done $0x0  }
0x90: {  	[sflag:s29] =	ssyncadd.s32 $0xFFFFCE00  }
0x91: {  	_ =	swait.ge [sflag:s30], $0x3200  }
0x92: {  	[sflag:s30] =	ssyncset.done $0x0  }
0x93: {  	[sflag:s30] =	ssyncadd.s32 $0xFFFFCE00  }
0x94: {  	_ =	swait.ge [sflag:s31], $0x3200  }
0x95: {  	[sflag:s31] =	ssyncset.done $0x0  }
0x96: {  	[sflag:s31] =	ssyncadd.s32 $0xFFFFCE00  }
0x97: {  	_ =	swait.ge [sflag:s0], $0x3200  }
0x98: {  	[sflag:s0] =	ssyncset.done $0x0  }
0x99: {  	[sflag:s0] =	ssyncadd.s32 $0xFFFFCE00  }
0x9a: {  	_ =	swait.ge [sflag:s1], $0x3200  }
0x9b: {  	s17 =	sadd.s32 $0x1, s17;
	[sflag:s1] =	ssyncset.done $0x0  }
0x9c: {  	p0 =	sne.s32 s17, s10;
	[sflag:s1] =	ssyncadd.s32 $0xFFFFCE00  }
.Ltmp1:
0x9d: {  	[bflag:$0x0] =	sbarrier.arrive $0xFFFF;
	(pc) =	sbr.rel @p0 .LBB2_1-.Ltmp1, $4  }
0x9e: {  	[hbm:s9], [sflag:s7] =	dma.local [spmem:s11], $0x1400  }
0x9f: {  	_ =	swait.ge [sflag:s12], $0x1400  }
0xa0: {  	[sflag:s12] =	ssyncset.done $0x0  }
0xa1: {  	[sflag:s12] =	ssyncadd.s32 $0xFFFFEC00  }
0xa2: {  	_ =	sfence.sel $0x180000  }
0xa3: {  	[bflag:$0x0] =	sbarrier.arrive $0xFFFF  }
0xa4: {  	_ =	strace $0x9000004D  }
0xa5: {  	s0 =	stileid.u32;
	[bflag:$0x2] =	sbarrier.arrive $0xFFFF  }
0xa6: {  	p0 =	sne.s32 s0, $0x0;
	s0 =	rddreg [dreg:$0x3]  }
0xa7: {  	s0 =	sadd.s32 @!p0 $0x100000, s0  }
0xa8: {  	[sflag:s0] =	ssyncadd.tile.s32 @!p0 $0x1;
	_ =	shalt  }
.Lfunc_end2:
_tile_overlayer_lowered:
.L_overlay_start_2:
0xa9: {  	(tag) =	ssettag $0x2  }
0xaa: {  	s0 =	rddreg [dreg:$0x0];
	s2 =	stileid.u32  }
0xab: {  	s1 =	rddreg [dreg:$0x1];
	p0 =	sne.s32 s2, $0x0  }
0xac: {  	s3 =	rddreg [dreg:$0x2];
	[bflag:$0x3] =	sbarrier.arrive $0xFFFF;
	s2 =	simm.s32 @!p0 $0x1C0B  }
0xad: {  	[timem:s3], [sflag:s2] =	dma.local @!p0 [hbm:s0], s1  }
0xae: {  	s0 =	simm.s32 @!p0 $0xB  }
0xaf: {  	_ =	swait.ge @!p0 [sflag:s0], s1  }
0xb0: {  	s1 =	ssub.s32 @!p0 $0x0, s1;
	[sflag:s0] =	ssyncset.done @!p0 $0x0  }
0xb1: {  	[sflag:s0] =	ssyncadd.s32 @!p0 s1  }
0xb2: {  	[bflag:$0x3] =	sbarrier.arrive $0xFFFF  }
0xb3: {  	_ =	shalt  }

// kernel: kernel.9.cloned.1.call-start
scs
__scs_entry_jumppad:
0x0: {  	(pc) =	sbr.rel $0x88, $3  }
0x1: {  	(tag) =	ssettag $0x0;
	lr =	simm.s32 $0x1  }
0x2: {  	[smem:$0x3F9B] =	sst lr;
	_ =	strace $0xD0000000  }
0x3: {  	_ = 	snop  }
0x4: {  	_ = 	snop  }
0x5: {  	_ = 	snop  }
0x6: {  	_ = 	snop  }
0x7: {  	_ = 	snop  }
__scs_overlays_trampoline_lowered:
0x8: {  	[smem:$0x3FAA] =	sst s0  }
0x9: {  	[smem:$0x3FAB] =	sst s1  }
0xa: {  	[smem:$0x3FAC] =	sst s2  }
0xb: {  	[smem:$0x3FAD] =	sst s3  }
0xc: {  	[smem:$0x3FAE] =	sst s4  }
0xd: {  	[smem:$0x3FAF] =	sst s5  }
0xe: {  	[smem:$0x3FB0] =	sst s6  }
0xf: {  	[smem:$0x3FB1] =	sst s7  }
0x10: {  	[smem:$0x3FB2] =	sst s8  }
0x11: {  	[smem:$0x3FB3] =	sst s9;
	s0 =	simm.s32 @!p0 $0x0  }
0x12: {  	s1 =	sld [smem:$0x3F99];
	s0 =	simm.s32 @p0 $0x1  }
0x13: {  	[smem:$0x3FB4] =	sst s0;
	s0 =	simm.s32 @!p1 $0x0  }
0x14: {  	s2 =	sld [smem:$0x3F98];
	s0 =	simm.s32 @p1 $0x1  }
0x15: {  	[smem:$0x3FB5] =	sst s0;
	s0 =	simm.s32 @!p2 $0x0  }
0x16: {  	s3 =	sld [smem:$0x3FDB];
	s0 =	simm.s32 @p2 $0x1  }
0x17: {  	s4 =	simm.s32 $0x1BF5;
	[smem:$0x3FB7] =	sst s0  }
0x18: {  	s0 =	sld [smem:$0x3F9A];
	_ =	swait.ge [sflag:s4], $0x0  }
0x19: {  	s7 =	sld [smem:$0x3F9B]  }
0x1a: {  	s8 =	sadd.s32 $0xFFFFE003, lr  }
0x1b: {  	s9 =	sadd.s32 $0xFFFFFEF7, lr;
	s5 =	simm.s32 $0xFFFFFFFF;
	p2 =	slt.u32 s8, $0xFFFFF086  }
0x1c: {  	p1 =	slt.u32 s9, $0xF7A;
	s5 =	simm.s32 @!p2 $0x0  }
0x1d: {  	s5 =	simm.s32 @p1 $0x1;
	p0 =	seq.s32 s7, s2  }
0x1e: {  	s7 =	smul.u32 @!p0 $0xF7A, s2;
	p2 =	seq.s32 @!p0 s5, $0x0  }
0x1f: {  	s9 =	smul.u32 $0xF7A, s1;
	s8 =	simm.s32 @!p0 $0x1BF5;
	p2 =	por !p2, p0  }
0x20: {  	[sflag:s8] =	ssyncset.s32 @!p0 $0xFFFFF086;
	s6 =	sadd.s32 @!p0 s3, s7;
	s7 =	simm.s32 @!p0 $0x108  }
0x21: {  	s3 =	sadd.s32 s3, s9;
	s6 =	sadd.s32 @!p0 $0x88, s6;
	s7 =	simm.s32 @p2 $0x1082  }
0x22: {  	[simem:s7], [sflag:s8] =	dma.local @!p0 [hbm:s6], $0xF7A  }
0x23: {  	s9 =	sor.u32 $0xD0000000, s2;
	s6 =	simm.s32 $0x108;
	_ =	swait.ge @!p0 [sflag:s8], $0x0  }
0x24: {  	s3 =	sadd.s32 $0x88, s3;
	s6 =	simm.s32 @!p1 $0x1082;
	[sflag:s4] =	ssyncset.s32 $0xFFFFF086  }
0x25: {  	[simem:s6], [sflag:s4] =	dma.local [hbm:s3], $0xF7A  }
0x26: {  	[smem:$0x3F9B] =	sst s1;
	(tag) =	ssettag s2;
	_ =	strace s9  }
0x27: {  	s1 =	sld [smem:$0x3FAB]  }
0x28: {  	s2 =	sld [smem:$0x3FAC]  }
0x29: {  	s4 =	sld [smem:$0x3FAE]  }
0x2a: {  	p0 =	seq.s32 s5, $0x0;
	s5 =	sld [smem:$0x3FAF]  }
0x2b: {  	s6 =	sld [smem:$0x3FB0]  }
0x2c: {  	s7 =	sld [smem:$0x3FB1]  }
0x2d: {  	s3 =	simm.s32 $0x108;
	s8 =	sld [smem:$0x3FB2]  }
0x2e: {  	s3 =	simm.s32 @!p0 $0x1082;
	s9 =	sld [smem:$0x3FB3]  }
0x2f: {  	lr =	sadd.s32 s0, s3;
	s0 =	sld [smem:$0x3FAA]  }
0x30: {  	s3 =	sld [smem:$0x3FAD]  }
0x31: {  	[smem:$0x3FB6] =	sst s10  }
0x32: {  	s10 =	sld [smem:$0x3FB4];
	_ =	sdelay $0x3  }
0x33: {  	p0 =	seq.s32 s10, $0x1;
	s10 =	sld [smem:$0x3FB6];
	_ =	sdelay $0x3  }
0x34: {  	[smem:$0x3FB6] =	sst s10  }
0x35: {  	s10 =	sld [smem:$0x3FB5];
	_ =	sdelay $0x3  }
0x36: {  	p1 =	seq.s32 s10, $0x1;
	s10 =	sld [smem:$0x3FB6];
	_ =	sdelay $0x3  }
0x37: {  	[smem:$0x3FB6] =	sst s10  }
0x38: {  	s10 =	sld [smem:$0x3FB7]  }
0x39: {  	_ = 	snop;
	(pc) =	sbr.ind lr, $3  }
0x3a: {  	_ = 	snop  }
0x3b: {  	_ = 	snop  }
0x3c: {  	p2 =	seq.s32 s10, $0x1;
	s10 =	sld [smem:$0x3FB6]  }
0x3d: {  	_ =	shalt  }
0x3e: {  	_ =	shalt  }
0x3f: {  	_ =	shalt  }
0x40: {  	_ =	shalt  }
0x41: {  	_ =	shalt  }
0x42: {  	_ =	shalt  }
0x43: {  	_ =	shalt  }
0x44: {  	_ =	shalt  }
0x45: {  	_ =	shalt  }
0x46: {  	_ =	shalt  }
0x47: {  	_ =	shalt  }
0x48: {  	_ =	shalt  }
0x49: {  	_ =	shalt  }
0x4a: {  	_ =	shalt  }
0x4b: {  	_ =	shalt  }
0x4c: {  	_ =	shalt  }
0x4d: {  	_ =	shalt  }
0x4e: {  	_ =	shalt  }
0x4f: {  	_ =	shalt  }
0x50: {  	_ =	shalt  }
0x51: {  	_ =	shalt  }
0x52: {  	_ =	shalt  }
0x53: {  	_ =	shalt  }
0x54: {  	_ =	shalt  }
0x55: {  	_ =	shalt  }
0x56: {  	_ =	shalt  }
0x57: {  	_ =	shalt  }
0x58: {  	_ =	shalt  }
0x59: {  	_ =	shalt  }
0x5a: {  	_ =	shalt  }
0x5b: {  	_ =	shalt  }
0x5c: {  	_ =	shalt  }
0x5d: {  	_ =	shalt  }
0x5e: {  	_ =	shalt  }
0x5f: {  	_ =	shalt  }
0x60: {  	_ =	shalt  }
0x61: {  	_ =	shalt  }
0x62: {  	_ =	shalt  }
0x63: {  	_ =	shalt  }
0x64: {  	_ =	shalt  }
0x65: {  	_ =	shalt  }
0x66: {  	_ =	shalt  }
0x67: {  	_ =	shalt  }
0x68: {  	_ =	shalt  }
0x69: {  	_ =	shalt  }
0x6a: {  	_ =	shalt  }
0x6b: {  	_ =	shalt  }
0x6c: {  	_ =	shalt  }
0x6d: {  	_ =	shalt  }
0x6e: {  	_ =	shalt  }
0x6f: {  	_ =	shalt  }
0x70: {  	_ =	shalt  }
0x71: {  	_ =	shalt  }
0x72: {  	_ =	shalt  }
0x73: {  	_ =	shalt  }
0x74: {  	_ =	shalt  }
0x75: {  	_ =	shalt  }
0x76: {  	_ =	shalt  }
0x77: {  	_ =	shalt  }
0x78: {  	_ =	shalt  }
0x79: {  	_ =	shalt  }
0x7a: {  	_ =	shalt  }
0x7b: {  	_ =	shalt  }
0x7c: {  	_ =	shalt  }
0x7d: {  	_ =	shalt  }
0x7e: {  	_ =	shalt  }
0x7f: {  	_ =	shalt  }
0x80: {  	_ =	shalt  }
0x81: {  	_ =	shalt  }
0x82: {  	_ =	shalt  }
0x83: {  	_ =	shalt  }
0x84: {  	_ =	shalt  }
0x85: {  	_ =	shalt  }
0x86: {  	_ =	shalt  }
0x87: {  	_ =	shalt  }
.Lfunc_end0:
.L_simem_size_0:
called_computation_lowered:
.L_overlay_start_0:
0x88: {  	s2 =	sld [smem:$0x3FD9]  }
0x89: {  	s3 =	sld [smem:$0x3FFE];
	_ =	sdelay $0x1  }
0x8a: {  	s1 =	srdreg.scid  }
0x8b: {  	s0 =	sand.u32 $0x1, s1  }
0x8c: {  	s17 =	sshll.u32 s0, $0xA;
	s2 =	sadd.s32 s3, s2  }
0x8d: {  	s2 =	sadd.s32 s2, s17  }
0x8e: {  	[smem:$0x3FC2] =	sst s2  }
0x8f: {  	_ = 	snop  }
0x90: {  	s2 =	sld [smem:$0x3FD0];
	(tm) =	ssettm $0x1  }
0x91: {  	s18 =	sld [smem:$0x3FFB];
	_ =	sdelay $0x3  }
0x92: {  	_ =	strace s18  }
0x93: {  	s3 =	sld [smem:$0x3FFC];
	_ =	sdelay $0x3  }
0x94: {  	_ =	strace s3  }
0x95: {  	s3 =	sld [smem:$0x3FFD];
	_ =	sdelay $0x3  }
0x96: {  	_ =	strace s3  }
0x97: {  	_ =	strace $0x8FFFFFFF  }
0x98: {  	s19 =	sld [smem:$0x3FDB];
	_ =	sdelay $0x1  }
0x99: {  	s4 =	simm.s32 $_scs_section_size  }
0x9a: {  	s5 =	simm.s32 $_size__tile_overlayer_lowered;
	s6 =	simm.s32 $_tile_overlayer_lowered  }
0x9b: {  	s22 =	simm.s32 $0x1BFF;
	s21 =	sshll.u32 s6, $0x1;
	s3 =	sadd.s32 s4, s19  }
0x9c: {  	s7 =	simm.s32 $0x0;
	s20 =	sshll.u32 s5, $0x1;
	s5 =	sadd.s32 s21, s3  }
0x9d: {  	[timem:s7], [sflag:s22] =	dma.local [hbm:s5], s20  }
0x9e: {  	_ =	swait.ge [sflag:s22], s20  }
0x9f: {  	s4 =	ssub.s32 $0x0, s20;
	[sflag:s22] =	ssyncset.done $0x0  }
0xa0: {  	[sflag:s22] =	ssyncadd.s32 s4;
	_ =	sdelay $0x1  }
0xa1: {  	s23 =	simm.s32 $0x1B8B  }
0xa2: {  	_ =	swait.ge [sflag:s23], $0x1  }
0xa3: {  	[sflag:s23] =	ssyncset.done $0x0  }
0xa4: {  	s25 =	simm.s32 $0x1B8E;
	s24 =	sld [smem:$0x3FFE];
	[sflag:s23] =	ssyncadd.s32 $0xFFFFFFFF  }
0xa5: {  	s26 =	simm.s32 $execute0_lowered;
	[smem:$0x3FD2] =	sst s25  }
0xa6: {  	s5 =	sshll.u32 s26, $0x1;
	_ =	strace $0x80000046;
	[dreg:$0x1] =	wrdreg $0xFFFFFFFF  }
0xa7: {  	s28 =	simm.s32 $_size_execute0_lowered;
	s3 =	sadd.s32 s3, s5;
	[dreg:$0x0] =	wrdreg $0x0  }
0xa8: {  	s5 =	sshll.u32 s28, $0x1;
	[dreg:$0x2] =	wrdreg s3  }
0xa9: {  	[dreg:$0x3] =	wrdreg s5  }
0xaa: {  	[dreg:$0x4] =	wrdreg $0xC0  }
0xab: {  	_ =	task [dreg:s7], $0x5FFFF  }
0xac: {  	[dreg:$0x1] =	wrdreg $0xFFFFFFFF  }
0xad: {  	[dreg:$0x0] =	wrdreg $0x60  }
0xae: {  	[dreg:$0x2] =	wrdreg s2  }
0xaf: {  	[dreg:$0x3] =	wrdreg s24  }
0xb0: {  	[dreg:$0x4] =	wrdreg $0x2D500  }
0xb1: {  	[dreg:$0x5] =	wrdreg $0x9  }
0xb2: {  	_ =	task.clear_ibuf [dreg:s7], $0x6FFFF;
	_ =	strace $0x90000046  }
0xb3: {  	s29 =	simm.s32 $0x9;
	_ =	strace $0x80000048  }
0xb4: {  	_ =	swait.ge [sflag:s29], $0x1  }
0xb5: {  	[sflag:s29] =	ssyncadd.s32 $0xFFFFFFFF  }
0xb6: {  	_ =	strace $0x90000048  }
0xb7: {  	_ =	sfence  }
0xb8: {  	s30 =	sld [smem:$0x0];
	_ =	sdelay $0x2  }
0xb9: {  	s31 =	sshll.u32 s1, $0xD;
	s1 =	sshrl.u32 s1, $0x2  }
0xba: {  	s3 =	sand.u32 $0x4000, s31;
	s1 =	sadd.s32 s1, s30  }
0xbb: {  	s0 =	sor.u32 s3, s0;
	s1 =	sshll.u32 s1, $0x11  }
0xbc: {  	s0 =	sor.u32 s1, s0  }
0xbd: {  	s0 =	sadd.s32 $0x8F2B, s0  }
0xbe: {  	[sflag:s0] =	ssyncadd.remote.s32 $0x1  }
0xbf: {  	_ =	sfence.sel $0xFFFF  }
0xc0: {  	[dreg:$0x0] =	wrdreg $0xFFFFFFFF;
	(pc) =	sbr.abs _section_cstart, $3  }
0xc1: {  	[dreg:$0x1] =	wrdreg $0xFFFFFFFF  }
0xc2: {  	_ =	task.clear_ibuf [dreg:s7], $0x2FFFF;
	_ =	strace $0x9FFFFFFF  }
0xc3: {  	(tm) =	ssettm $0x7FFFFFFF  }
tec
execute0_lowered:
.L_overlay_start_1:
0x0: {  	(tag) =	ssettag $0x1  }
0x1: {  	s6 =	rddreg [dreg:$0x0]  }
0x2: {  	s7 =	rddreg [dreg:$0x1]  }
0x3: {  	s2 =	rddreg [dreg:$0x2]  }
0x4: {  	s0 =	rddreg [dreg:$0x3]  }
0x5: {  	s4 =	srdreg.scid;
	s1 =	stileid.u32  }
0x6: {  	s3 =	simm.s32 $0x0;
	s13 =	simm.s32 $0xC8;
	s14 =	simm.s32 $0x1  }
0x7: {  	s15 =	simm.s32 $0x2580;
	s16 =	simm.s32 $0x2648;
	s17 =	simm.s32 $0x0  }
0x8: {  	s5 =	sand.u32 $0x1, s4;
	s8 =	smul.u32 $0x1400, s1;
	[smem:$0x7FF] =	sst s3  }
0x9: {  	s10 =	sshll.u32 s1, $0x1;
	s4 =	sadd.s32 $0x1E00, s7;
	s31 =	sshll.u32 s1, $0x6  }
0xa: {  	s9 =	smul.u32 $0x14000, s5;
	_ =	strace $0x80000047;
	s10 =	sor.u32 s5, s10  }
0xb: {  	s11 =	ssub.s32 $0x2, s5;
	s5 =	sadd.s32 $0x2000, s7;
	s10 =	smul.u32 $0x2710, s10  }
0xc: {  	s12 =	sshrl.u32 s11, $0x1;
	s30 =	sadd.s32 s8, s2;
	s9 =	sadd.s32 s8, s9  }
0xd: {  	s11 =	ssub.s32 s11, s12;
	s9 =	sshrl.u32 s9, $0x3;
	s29 =	sshrl.u32 s10, $0x3  }
0xe: {  	s12 =	simm.s32 $0x2710;
	s9 =	sadd.s32 s9, s7;
	s7 =	sadd.s32 s6, s29  }
0xf: {  	s10 =	sshrl.u32 s30, $0x3;
	s6 =	sor.u32 $0x1C02, s31;
	s7 =	sadd.s32 $0x9C40, s7  }
0x10: {  	s8 =	sadd.s32 $0x2400, s9;
	s9 =	smax.u32 s11, $0x1;
	s11 =	simm.s32 $0x2  }
.LBB2_1:
0x11: {  	[spmem:s10], [sflag:s6] =	dma.local [hbm:s5], $0x280  }
0x12: {  	_ =	swait.ge [sflag:s11], $0x280  }
0x13: {  	[sflag:s11] =	ssyncset.done $0x0  }
0x14: {  	[sflag:s11] =	ssyncadd.s32 $0xFFFFFD80  }
0x15: {  	[tilespmem:s3], [sflag:$0x2] =	stream.linear.gather [hbm4b:s7+s3], $0x2710, $0x38;
	[tilespmem:$0x4150] =	vst v63  }
0x16: {  	_ =	swait.ge [sflag:s11], $0x2710  }
0x17: {  	[sflag:s11] =	ssyncset.done $0x0  }
0x18: {  	[sflag:s11] =	ssyncadd.s32 $0xFFFFD8F0  }
0x19: {  	[tilespmem:s12], [sflag:$0x2] =	stream.linear.gather [hbm4b:s4+s3], $0x640, $0x38;
	[tilespmem:$0x4150] =	vst v63  }
0x1a: {  	_ =	swait.ge [sflag:s11], $0x640  }
0x1b: {  	[sflag:s11] =	ssyncset.done $0x0  }
0x1c: {  	[sflag:s11] =	ssyncadd.s32 $0xFFFFF9C0  }
0x1d: {  	s18 =	simm.s32 $0x0;
	[bflag:$0x0] =	sbarrier.arrive $0xFFFF  }
0x1e: {  	[spmem:s2] =	stream.indirect.scatter.add.f32 [tilespmem:s12], [sflag:$0x1], $0x8, s18, s13, $0xb8;
	[tilespmem:$0x4150] =	vst v63  }
0x1f: {  	s24 =	simm.s32 $0xC8  }
0x20: {  	[spmem:s2] =	stream.indirect.scatter.add.f32 [tilespmem:s12], [sflag:$0x1], $0x8, s24, s13, $0xb8;
	[tilespmem:$0x4150] =	vst v63  }
0x21: {  	s25 =	simm.s32 $0x190  }
0x22: {  	[spmem:s2] =	stream.indirect.scatter.add.f32 [tilespmem:s12], [sflag:$0x1], $0x8, s25, s13, $0xb8;
	[tilespmem:$0x4150] =	vst v63  }
0x23: {  	s26 =	simm.s32 $0x258  }
0x24: {  	[spmem:s2] =	stream.indirect.scatter.add.f32 [tilespmem:s12], [sflag:$0x1], $0x8, s26, s13, $0xb8;
	[tilespmem:$0x4150] =	vst v63  }
0x25: {  	s28 =	simm.s32 $0x320  }
0x26: {  	[spmem:s2] =	stream.indirect.scatter.add.f32 [tilespmem:s12], [sflag:$0x1], $0x8, s28, s13, $0xb8;
	[tilespmem:$0x4150] =	vst v63  }
0x27: {  	s29 =	simm.s32 $0x3E8  }
0x28: {  	[spmem:s2] =	stream.indirect.scatter.add.f32 [tilespmem:s12], [sflag:$0x1], $0x8, s29, s13, $0xb8;
	[tilespmem:$0x4150] =	vst v63  }
0x29: {  	s30 =	simm.s32 $0x4B0  }
0x2a: {  	[spmem:s2] =	stream.indirect.scatter.add.f32 [tilespmem:s12], [sflag:$0x1], $0x8, s30, s13, $0xb8;
	[tilespmem:$0x4150] =	vst v63  }
0x2b: {  	s31 =	simm.s32 $0x578  }
0x2c: {  	[spmem:s2] =	stream.indirect.scatter.add.f32 [tilespmem:s12], [sflag:$0x1], $0x8, s31, s13, $0xb8;
	[tilespmem:$0x4150] =	vst v63  }
0x2d: {  	_ =	swait.ge [sflag:s14], $0x640  }
0x2e: {  	[sflag:s14] =	ssyncset.done $0x0  }
0x2f: {  	[sflag:s14] =	ssyncadd.s32 $0xFFFFF9C0  }
0x30: {  	_ =	swait.ge [sflag:s14], $0x640  }
0x31: {  	[sflag:s14] =	ssyncset.done $0x0  }
0x32: {  	[sflag:s14] =	ssyncadd.s32 $0xFFFFF9C0  }
0x33: {  	_ =	swait.ge [sflag:s14], $0x640  }
0x34: {  	[sflag:s14] =	ssyncset.done $0x0  }
0x35: {  	[sflag:s14] =	ssyncadd.s32 $0xFFFFF9C0  }
0x36: {  	_ =	swait.ge [sflag:s14], $0x640  }
0x37: {  	[sflag:s14] =	ssyncset.done $0x0  }
0x38: {  	[sflag:s14] =	ssyncadd.s32 $0xFFFFF9C0  }
0x39: {  	_ =	swait.ge [sflag:s14], $0x640  }
0x3a: {  	[sflag:s14] =	ssyncset.done $0x0  }
0x3b: {  	[sflag:s14] =	ssyncadd.s32 $0xFFFFF9C0  }
0x3c: {  	_ =	swait.ge [sflag:s14], $0x640  }
0x3d: {  	[sflag:s14] =	ssyncset.done $0x0  }
0x3e: {  	[sflag:s14] =	ssyncadd.s32 $0xFFFFF9C0  }
0x3f: {  	_ =	swait.ge [sflag:s14], $0x640  }
0x40: {  	[sflag:s14] =	ssyncset.done $0x0  }
0x41: {  	[sflag:s14] =	ssyncadd.s32 $0xFFFFF9C0  }
0x42: {  	_ =	swait.ge [sflag:s14], $0x640  }
0x43: {  	s20 =	simm.s32 $0x3200;
	s18 =	simm.s32 $0x1900;
	[sflag:s14] =	ssyncset.done $0x0  }
.LBB2_2:
0x44: {  	s21 =	sshra.s32 s18, $0x2  }
0x45: {  	[sflag:s14] =	ssyncadd.s32 $0xFFFFF9C0;
	s18 =	smov.u32 s20;
	s19 =	sadd.s32 $0x1900, s20  }
0x46: {  	[spmem:s2] =	stream.indirect.scatter.add.f32 [tilespmem:s12], [sflag:$0x1], $0x8, s21, s13, $0xb8;
	[tilespmem:$0x4150] =	vst v63  }
0x47: {  	p0 =	sne.s32 s20, $0x7D00;
	s20 =	sadd.s32 $0xC8, s21  }
0x48: {  	[spmem:s2] =	stream.indirect.scatter.add.f32 [tilespmem:s12], [sflag:$0x1], $0x8, s20, s13, $0xb8;
	[tilespmem:$0x4150] =	vst v63  }
0x49: {  	s20 =	sadd.s32 $0x190, s21  }
0x4a: {  	[spmem:s2] =	stream.indirect.scatter.add.f32 [tilespmem:s12], [sflag:$0x1], $0x8, s20, s13, $0xb8;
	[tilespmem:$0x4150] =	vst v63  }
0x4b: {  	s20 =	sadd.s32 $0x258, s21  }
0x4c: {  	[spmem:s2] =	stream.indirect.scatter.add.f32 [tilespmem:s12], [sflag:$0x1], $0x8, s20, s13, $0xb8;
	[tilespmem:$0x4150] =	vst v63  }
0x4d: {  	s20 =	sadd.s32 $0x320, s21  }
0x4e: {  	[spmem:s2] =	stream.indirect.scatter.add.f32 [tilespmem:s12], [sflag:$0x1], $0x8, s20, s13, $0xb8;
	[tilespmem:$0x4150] =	vst v63  }
0x4f: {  	s20 =	sadd.s32 $0x3E8, s21  }
0x50: {  	[spmem:s2] =	stream.indirect.scatter.add.f32 [tilespmem:s12], [sflag:$0x1], $0x8, s20, s13, $0xb8;
	[tilespmem:$0x4150] =	vst v63  }
0x51: {  	s20 =	sadd.s32 $0x4B0, s21  }
0x52: {  	[spmem:s2] =	stream.indirect.scatter.add.f32 [tilespmem:s12], [sflag:$0x1], $0x8, s20, s13, $0xb8;
	[tilespmem:$0x4150] =	vst v63  }
0x53: {  	s20 =	sadd.s32 $0x578, s21  }
0x54: {  	[spmem:s2] =	stream.indirect.scatter.add.f32 [tilespmem:s12], [sflag:$0x1], $0x8, s20, s13, $0xb8;
	[tilespmem:$0x4150] =	vst v63  }
0x55: {  	_ =	swait.ge [sflag:s14], $0x640  }
0x56: {  	[sflag:s14] =	ssyncset.done $0x0  }
0x57: {  	[sflag:s14] =	ssyncadd.s32 $0xFFFFF9C0  }
0x58: {  	_ =	swait.ge [sflag:s14], $0x640  }
0x59: {  	[sflag:s14] =	ssyncset.done $0x0  }
0x5a: {  	[sflag:s14] =	ssyncadd.s32 $0xFFFFF9C0  }
0x5b: {  	_ =	swait.ge [sflag:s14], $0x640  }
0x5c: {  	[sflag:s14] =	ssyncset.done $0x0  }
0x5d: {  	[sflag:s14] =	ssyncadd.s32 $0xFFFFF9C0  }
0x5e: {  	_ =	swait.ge [sflag:s14], $0x640  }
0x5f: {  	[sflag:s14] =	ssyncset.done $0x0  }
0x60: {  	[sflag:s14] =	ssyncadd.s32 $0xFFFFF9C0  }
0x61: {  	_ =	swait.ge [sflag:s14], $0x640  }
0x62: {  	[sflag:s14] =	ssyncset.done $0x0  }
0x63: {  	[sflag:s14] =	ssyncadd.s32 $0xFFFFF9C0  }
0x64: {  	_ =	swait.ge [sflag:s14], $0x640  }
0x65: {  	[sflag:s14] =	ssyncset.done $0x0  }
0x66: {  	[sflag:s14] =	ssyncadd.s32 $0xFFFFF9C0  }
.Ltmp0:
0x67: {  	_ =	swait.ge [sflag:s14], $0x640;
	(pc) =	sbr.rel @p0 .LBB2_2-.Ltmp0, $4  }
0x68: {  	[sflag:s14] =	ssyncset.done $0x0  }
0x69: {  	[sflag:s14] =	ssyncadd.s32 $0xFFFFF9C0  }
0x6a: {  	_ =	swait.ge [sflag:s14], $0x640  }
0x6b: {  	s20 =	smov.u32 s19;
	[sflag:s14] =	ssyncset.done $0x0  }
0x6c: {  	s18 =	sshra.s32 s18, $0x2;
	[sflag:s14] =	ssyncadd.s32 $0xFFFFF9C0  }
0x6d: {  	[spmem:s2] =	stream.indirect.scatter.add.f32 [tilespmem:s12], [sflag:$0x1], $0x8, s18, s13, $0xb8;
	[tilespmem:$0x4150] =	vst v63  }
0x6e: {  	s19 =	sadd.s32 $0xC8, s18  }
0x6f: {  	[spmem:s2] =	stream.indirect.scatter.add.f32 [tilespmem:s12], [sflag:$0x1], $0x8, s19, s13, $0xb8;
	[tilespmem:$0x4150] =	vst v63  }
0x70: {  	s26 =	sadd.s32 $0x190, s18  }
0x71: {  	[spmem:s2] =	stream.indirect.scatter.add.f32 [tilespmem:s12], [sflag:$0x1], $0x8, s26, s13, $0xb8;
	[tilespmem:$0x4150] =	vst v63  }
0x72: {  	s28 =	sadd.s32 $0x258, s18  }
0x73: {  	[spmem:s2] =	stream.indirect.scatter.add.f32 [tilespmem:s12], [sflag:$0x1], $0x8, s28, s13, $0xb8;
	[tilespmem:$0x4150] =	vst v63  }
0x74: {  	s29 =	sadd.s32 $0x320, s18  }
0x75: {  	[spmem:s2] =	stream.indirect.scatter.add.f32 [tilespmem:s12], [sflag:$0x1], $0x8, s29, s13, $0xb8;
	[tilespmem:$0x4150] =	vst v63  }
0x76: {  	s30 =	sadd.s32 $0x3E8, s18  }
0x77: {  	[spmem:s2] =	stream.indirect.scatter.add.f32 [tilespmem:s12], [sflag:$0x1], $0x8, s30, s13, $0xb8;
	[tilespmem:$0x4150] =	vst v63  }
0x78: {  	s31 =	sadd.s32 $0x4B0, s18  }
0x79: {  	[spmem:s2] =	stream.indirect.scatter.add.f32 [tilespmem:s12], [sflag:$0x1], $0x8, s31, s13, $0xb8;
	[tilespmem:$0x4150] =	vst v63  }
0x7a: {  	s18 =	sadd.s32 $0x578, s18  }
0x7b: {  	[spmem:s2] =	stream.indirect.scatter.add.f32 [tilespmem:s12], [sflag:$0x1], $0x8, s18, s13, $0xb8;
	[tilespmem:$0x4150] =	vst v63  }
0x7c: {  	_ =	swait.ge [sflag:s14], $0x640  }
0x7d: {  	[sflag:s14] =	ssyncset.done $0x0  }
0x7e: {  	[sflag:s14] =	ssyncadd.s32 $0xFFFFF9C0  }
0x7f: {  	_ =	swait.ge [sflag:s14], $0x640  }
0x80: {  	[sflag:s14] =	ssyncset.done $0x0  }
0x81: {  	[sflag:s14] =	ssyncadd.s32 $0xFFFFF9C0  }
0x82: {  	_ =	swait.ge [sflag:s14], $0x640  }
0x83: {  	[sflag:s14] =	ssyncset.done $0x0  }
0x84: {  	[sflag:s14] =	ssyncadd.s32 $0xFFFFF9C0  }
0x85: {  	_ =	swait.ge [sflag:s14], $0x640  }
0x86: {  	[sflag:s14] =	ssyncset.done $0x0  }
0x87: {  	[sflag:s14] =	ssyncadd.s32 $0xFFFFF9C0  }
0x88: {  	_ =	swait.ge [sflag:s14], $0x640  }
0x89: {  	[sflag:s14] =	ssyncset.done $0x0  }
0x8a: {  	[sflag:s14] =	ssyncadd.s32 $0xFFFFF9C0  }
0x8b: {  	_ =	swait.ge [sflag:s14], $0x640  }
0x8c: {  	[sflag:s14] =	ssyncset.done $0x0  }
0x8d: {  	[sflag:s14] =	ssyncadd.s32 $0xFFFFF9C0  }
0x8e: {  	_ =	swait.ge [sflag:s14], $0x640  }
0x8f: {  	[sflag:s14] =	ssyncset.done $0x0  }
0x90: {  	[sflag:s14] =	ssyncadd.s32 $0xFFFFF9C0  }
0x91: {  	_ =	swait.ge [sflag:s14], $0x640  }
0x92: {  	[sflag:s14] =	ssyncset.done $0x0  }
0x93: {  	[sflag:s14] =	ssyncadd.s32 $0xFFFFF9C0  }
0x94: {  	[spmem:s2] =	stream.indirect.scatter.add.f32 [tilespmem:s12], [sflag:$0x1], $0x8, s15, s13, $0xb8;
	[tilespmem:$0x4150] =	vst v63  }
0x95: {  	_ = 	snop  }
0x96: {  	[spmem:s2] =	stream.indirect.scatter.add.f32 [tilespmem:s12], [sflag:$0x1], $0x8, s16, s13, $0xb8;
	[tilespmem:$0x4150] =	vst v63  }
0x97: {  	_ =	swait.ge [sflag:s14], $0x640  }
0x98: {  	[sflag:s14] =	ssyncset.done $0x0  }
0x99: {  	[sflag:s14] =	ssyncadd.s32 $0xFFFFF9C0  }
0x9a: {  	_ =	swait.ge [sflag:s14], $0x640  }
0x9b: {  	s17 =	sadd.s32 $0x1, s17;
	[sflag:s14] =	ssyncset.done $0x0  }
0x9c: {  	p0 =	sne.s32 s17, s9;
	[sflag:s14] =	ssyncadd.s32 $0xFFFFF9C0  }
.Ltmp1:
0x9d: {  	[bflag:$0x0] =	sbarrier.arrive $0xFFFF;
	(pc) =	sbr.rel @p0 .LBB2_1-.Ltmp1, $4  }
0x9e: {  	[hbm:s8], [sflag:s6] =	dma.local [spmem:s10], $0x280  }
0x9f: {  	_ =	swait.ge [sflag:s11], $0x280  }
0xa0: {  	[sflag:s11] =	ssyncset.done $0x0  }
0xa1: {  	[sflag:s11] =	ssyncadd.s32 $0xFFFFFD80  }
0xa2: {  	_ =	sfence.sel $0x180000  }
0xa3: {  	[bflag:$0x0] =	sbarrier.arrive $0xFFFF  }
0xa4: {  	p0 =	sne.s32 s1, $0x0;
	_ =	strace $0x90000047  }
0xa5: {  	s0 =	sadd.s32 @!p0 $0x100000, s0;
	[bflag:$0x2] =	sbarrier.arrive $0xFFFF  }
0xa6: {  	[sflag:s0] =	ssyncadd.tile.s32 @!p0 $0x1;
	_ =	shalt  }
.Lfunc_end2:
_tile_overlayer_lowered:
.L_overlay_start_2:
0xa7: {  	(tag) =	ssettag $0x2  }
0xa8: {  	s0 =	rddreg [dreg:$0x0];
	s2 =	stileid.u32  }
0xa9: {  	s1 =	rddreg [dreg:$0x1];
	p0 =	sne.s32 s2, $0x0  }
0xaa: {  	s3 =	rddreg [dreg:$0x2];
	[bflag:$0x3] =	sbarrier.arrive $0xFFFF;
	s2 =	simm.s32 @!p0 $0x1C02  }
0xab: {  	[timem:s3], [sflag:s2] =	dma.local @!p0 [hbm:s0], s1  }
0xac: {  	s0 =	simm.s32 @!p0 $0x2  }
0xad: {  	_ =	swait.ge @!p0 [sflag:s0], s1  }
0xae: {  	s1 =	ssub.s32 @!p0 $0x0, s1;
	[sflag:s0] =	ssyncset.done @!p0 $0x0  }
0xaf: {  	[sflag:s0] =	ssyncadd.s32 @!p0 s1  }
0xb0: {  	[bflag:$0x3] =	sbarrier.arrive $0xFFFF  }
0xb1: {  	_ =	shalt  }

</sc_bundles>
